<compile_context>
chip_gen: v7x
topology: tpu7x:2x2x1
jax: 0.10.2.dev20260603
libtpu: 0.0.44.dev20260713+nightly
codegen_flags: <defaults>
</compile_context>

<pallas_src>
import functools

import jax
import jax.numpy as jnp
from jax import lax
from jax.experimental import pallas as pl
from jax.experimental.pallas import tpu as pltpu
from jax.experimental.pallas import tpu_sc as plsc

_VL = 1000000.0
_EPS = 1e-08
_NT = 10
_LANES = 16
_NC = 2
_NS = 16


def _make_sc_candidates(B, N, CHUNK):
    VECS = CHUNK // _LANES
    mesh = plsc.VectorSubcoreMesh(core_axis_name="c", subcore_axis_name="s")

    UNROLL = 5
    assert VECS % UNROLL == 0

    @functools.partial(
        pl.kernel,
        out_type=[
            jax.ShapeDtypeStruct((B * 2, 6, _NT, _LANES), jnp.float32),
            jax.ShapeDtypeStruct((B * 2, _NT, _LANES), jnp.int32),
        ],
        mesh=mesh,
        compiler_params=pltpu.CompilerParams(
            use_tc_tiling_on_sc=False, needs_layout_passes=False),
        scratch_types=[
            pltpu.VMEM((CHUNK,), jnp.float32),
            pltpu.VMEM((CHUNK,), jnp.float32),
            pltpu.VMEM((CHUNK,), jnp.float32),
            pltpu.VMEM((CHUNK,), jnp.float32),
            pltpu.VMEM((CHUNK,), jnp.float32),
            pltpu.VMEM((CHUNK,), jnp.float32),
            pltpu.VMEM((CHUNK,), jnp.float32),
            pltpu.VMEM((CHUNK,), jnp.float32),
            pltpu.VMEM((CHUNK,), jnp.float32),
            pltpu.VMEM((_LANES,), jnp.float32),
            pltpu.VMEM((_LANES,), jnp.float32),
            pltpu.VMEM((_LANES,), jnp.float32),
            pltpu.VMEM((6, _NT, _LANES), jnp.float32),
            pltpu.VMEM((_NT, _LANES), jnp.int32),
            pltpu.SMEM((_NT,), jnp.float32),
        ],
    )
    def sck(fs_h, fe_h, c0_h, c1_h, cf_h, gs_h, ge_h, gc_h, outf_h, outi_h,
            fs_v, fe_v, c0_v, c1_v, cf_v, ss_v, se_v, d_v, qq_v,
            gs_v, ge_v, gc_v, stf_v, sti_v, thr_s):
        b = lax.axis_index("s")
        half = lax.axis_index("c")
        wid = b * 2 + half
        start = half * CHUNK

        pltpu.sync_copy(fs_h.at[b, pl.ds(start, CHUNK)], fs_v)
        pltpu.sync_copy(fe_h.at[b, pl.ds(start, CHUNK)], fe_v)
        pltpu.sync_copy(c0_h.at[b, pl.ds(start, CHUNK)], c0_v)
        pltpu.sync_copy(c1_h.at[b, pl.ds(start, CHUNK)], c1_v)
        pltpu.sync_copy(cf_h.at[b, pl.ds(start, CHUNK)], cf_v)
        pltpu.sync_copy(gs_h.at[b], gs_v)
        pltpu.sync_copy(ge_h.at[b], ge_v)
        pltpu.sync_copy(gc_h.at[b], gc_v)

        def sig_body(i, c):
            sl = pl.ds(i * _LANES, _LANES)
            ea = jnp.exp(-fs_v[sl])
            eb = jnp.exp(-fe_v[sl])
            e0 = jnp.exp(-c0_v[sl])
            e1 = jnp.exp(-c1_v[sl])
            pa = 1.0 + ea
            pb = 1.0 + eb
            p0 = 1.0 + e0
            p1 = 1.0 + e1
            rab = 1.0 / (pa * pb)
            r01 = 1.0 / (p0 * p1)
            es = pb * rab
            ee = pa * rab
            s0 = p1 * r01
            s1 = p0 * r01
            ss_v[sl] = es
            se_v[sl] = ee
            d_v[sl] = s0 - s1
            qq_v[sl] = (es * es + ee * ee) + (s0 * s0 + s1 * (s1 - 2.0))
            return c

        lax.fori_loop(0, VECS, sig_body, 0)

        lane_iota = lax.iota(jnp.int32, _LANES)
        gs_all = gs_v[...]
        ge_all = ge_v[...]
        gc_all = gc_v[...]

        rowa = []
        rowb = []
        rowc = []
        for t in range(_NT):
            gsr = gs_all[t]
            ger = ge_all[t]
            gcr = gc_all[t]
            pres = (gsr == gsr) & (ger == ger) & (gcr == gcr)
            gsn = jnp.where(gsr == gsr, gsr, 0.0)
            gen = jnp.where(ger == ger, ger, 0.0)
            gcn = jnp.where(gcr == gcr, gcr, 0.0)
            o0 = (gcn < 1.0).astype(jnp.float32)
            rowa.append(-2.0 * gsn)
            rowb.append(-2.0 * gen)
            rowc.append(-2.0 * o0)
            stf_v[5, t] = jnp.full((_LANES,), _VL, jnp.float32)
            sti_v[t] = jnp.zeros((_LANES,), jnp.int32) + start
            thr_s[t] = jnp.where(pres, jnp.float32(_VL), jnp.float32(-_VL))

        def step(i, c):
            off = i * _LANES
            sl = pl.ds(off, _LANES)
            ss = ss_v[sl]
            se = se_v[sl]
            dd = d_v[sl]
            qq = qq_v[sl]
            costs = []
            preds = []
            for t in range(_NT):
                cost_t = qq + (rowa[t] * ss + rowb[t] * se) + rowc[t] * dd
                costs.append(cost_t)
                preds.append(jnp.any(cost_t < thr_s[t]))
            anyp = preds[0]
            for t in range(1, _NT):
                anyp = anyp | preds[t]

            @pl.when(anyp)
            def _any_merge():
                idx = lane_iota + (start + off)
                for t in range(_NT):
                    @pl.when(preds[t])
                    def _merge(t=t, cost=costs[t], idx=idx):
                        bv0 = stf_v[5, t]
                        bi0 = sti_v[t]
                        sv, si = plsc.sort_key_val(cost, idx)
                        rv = lax.rev(sv, (0,))
                        ri = lax.rev(si, (0,))
                        keep = bv0 <= rv
                        mv = jnp.where(keep, bv0, rv)
                        mi = jnp.where(keep, bi0, ri)
                        nbv, nbi = plsc.sort_key_val(mv, mi)
                        stf_v[5, t] = nbv
                        sti_v[t] = nbi
                        thr_s[t] = jnp.max(nbv)

            return c

        lax.fori_loop(0, VECS, step, 0)

        for t in range(_NT):
            bi = sti_v[t]
            li = bi - start
            stf_v[0, t] = plsc.load_gather(fs_v, [li])
            stf_v[1, t] = plsc.load_gather(fe_v, [li])
            stf_v[2, t] = plsc.load_gather(c0_v, [li])
            stf_v[3, t] = plsc.load_gather(c1_v, [li])
            stf_v[4, t] = plsc.load_gather(cf_v, [li])
        pltpu.sync_copy(stf_v, outf_h.at[wid])
        pltpu.sync_copy(sti_v, outi_h.at[wid])

    return sck


def _tc_body(N, B, K2, cf_ref, ci_ref, gs_ref, ge_ref, gc_ref, out_ref):
    fs = cf_ref[0]
    fe = cf_ref[1]
    x0 = cf_ref[2]
    x1 = cf_ref[3]
    cfd = cf_ref[4]
    col = ci_ref[...]
    gs_raw = gs_ref[...]
    ge_raw = ge_ref[...]
    gc_raw = gc_ref[...]

    pres = (gs_raw == gs_raw) & (ge_raw == ge_raw) & (gc_raw == gc_raw)
    gs = jnp.where(gs_raw == gs_raw, gs_raw, 0.0)
    ge = jnp.where(ge_raw == ge_raw, ge_raw, 0.0)
    gc = jnp.where(gc_raw == gc_raw, gc_raw, 0.0)
    o0 = (gc < 1.0).astype(jnp.float32)
    o1 = (gc >= 1.0).astype(jnp.float32)

    ss = 1.0 / (1.0 + jnp.exp(-fs))
    se = 1.0 / (1.0 + jnp.exp(-fe))
    s0 = 1.0 / (1.0 + jnp.exp(-x0))
    s1 = 1.0 / (1.0 + jnp.exp(-x1))

    cost = ((ss - gs) ** 2 + (se - ge) ** 2) + (
        (s0 - o0) ** 2 + (s1 - o1) ** 2)
    cost = jnp.where(pres, cost, _VL)

    t_io = lax.broadcasted_iota(jnp.int32, (B, _NT, K2), 1)
    rank = t_io * N + col
    BIG = jnp.int32(2 ** 30)
    r_io = lax.broadcasted_iota(jnp.int32, (B, _NT, 1), 1)

    def rnd(_, carry):
        cost, accl, accc, accf, accw = carry
        mn = jnp.min(cost, axis=(1, 2), keepdims=True)
        key = jnp.where(cost == mn, rank, BIG)
        pick = jnp.min(key, axis=(1, 2), keepdims=True)
        w = (mn < _VL * 0.5).astype(jnp.float32)
        r = pick // N
        c = pick - r * N
        selF = (key == pick).astype(jnp.float32)

        ps = jnp.sum(ss * selF, axis=(1, 2), keepdims=True)
        pe = jnp.sum(se * selF, axis=(1, 2), keepdims=True)
        xa = jnp.sum(x0 * selF, axis=(1, 2), keepdims=True)
        xb = jnp.sum(x1 * selF, axis=(1, 2), keepdims=True)
        cs = jnp.sum(cfd * selF, axis=(1, 2), keepdims=True)

        rsel = (r_io == r).astype(jnp.float32)
        ts = jnp.sum(gs * rsel, axis=(1, 2), keepdims=True)
        te = jnp.sum(ge * rsel, axis=(1, 2), keepdims=True)
        z0 = jnp.sum(o0 * rsel, axis=(1, 2), keepdims=True)
        z1 = jnp.sum(o1 * rsel, axis=(1, 2), keepdims=True)

        accl = accl + w * ((ps - ts) ** 2 + (pe - te) ** 2)

        bce0 = jnp.maximum(xa, 0.0) - xa * z0 + jnp.log1p(jnp.exp(-jnp.abs(xa)))
        bce1 = jnp.maximum(xb, 0.0) - xb * z1 + jnp.log1p(jnp.exp(-jnp.abs(xb)))
        accc = accc + w * (bce0 + bce1)

        a1 = jnp.minimum(ps, pe)
        b1 = jnp.maximum(ps, pe)
        a2 = jnp.minimum(ts, te)
        b2 = jnp.maximum(ts, te)
        inter = jnp.maximum(0.0, jnp.minimum(b1, b2) - jnp.maximum(a1, a2))
        union = jnp.maximum(_EPS, jnp.maximum(b1, b2) - jnp.minimum(a1, a2))
        iou = inter / union
        cp = 1.0 / (1.0 + jnp.exp(-cs))
        accf = accf + w * (cp - iou) ** 2
        accw = accw + w

        cost = jnp.where((t_io == r) | (col == c), _VL, cost)
        return cost, accl, accc, accf, accw

    z = jnp.zeros((B, 1, 1), jnp.float32)
    _, accl, accc, accf, accw = lax.fori_loop(0, _NT, rnd, (cost, z, z, z, z))

    tl = jnp.sum(accl)
    tc = jnp.sum(accc)
    tf = jnp.sum(accf)
    tm = jnp.sum(accw)
    denom = tm + jnp.float32(_EPS)
    loss = tl / denom + tc / denom + tf / denom
    out_ref[...] = jnp.reshape(jnp.where(tm > 0, loss, jnp.float32(0.0)), (1, 1))


def kernel(f_start, f_end, class_logits, confidence, gt_boxes):
    B, N = f_start.shape
    CHUNK = N // 2

    cl0 = class_logits[..., 0]
    cl1 = class_logits[..., 1]
    gsb = gt_boxes[..., 0]
    geb = gt_boxes[..., 1]
    gcb = gt_boxes[..., 2]
    padn = _LANES - gsb.shape[1]
    pad = jnp.zeros((B, padn), jnp.float32)
    gs16 = jnp.concatenate([gsb, pad], axis=1)
    ge16 = jnp.concatenate([geb, pad], axis=1)
    gc16 = jnp.concatenate([gcb, pad], axis=1)

    sck = _make_sc_candidates(B, N, CHUNK)
    outf, outi = sck(f_start, f_end, cl0, cl1, confidence, gs16, ge16, gc16)

    K2 = 2 * _LANES
    cf = outf.reshape(B, 2, 6, _NT, _LANES).transpose(2, 0, 3, 1, 4).reshape(
        6, B, _NT, K2)
    ci = outi.reshape(B, 2, _NT, _LANES).transpose(0, 2, 1, 3).reshape(
        B, _NT, K2)

    loss2d = pl.pallas_call(
        functools.partial(_tc_body, N, B, K2),
        out_shape=jax.ShapeDtypeStruct((1, 1), jnp.float32),
    )(cf, ci, gsb[..., None], geb[..., None], gcb[..., None])
    return loss2d[0, 0]

# --- scband reference (transcript-rebuilt; emitter-appended) ---
"""Pipeline reference for scband-regression-head-loss-62715112456754 (READ-ONLY COPY).

The authoritative reference and input builder live on the scoring server;
editing this copy changes nothing except your own understanding.
"""

import jax, jax.numpy as jnp
import numpy as np

W_LOC = 1.0
W_CLASS = 1.0
W_CONF = 1.0
EPS = 1e-08
N_T = 10
VERY_LARGE = 1000000.0


def setup_inputs(seed: int = 0):
    key = jax.random.key(seed)
    k1, k2, k3, k4, k5 = jax.random.split(key, 5)
    B, N, C, K = 16, 20000, 2, 10
    return {
        'f_start': jax.random.normal(k1, (B, N), dtype=jnp.float32),
        'f_end': jax.random.normal(k2, (B, N), dtype=jnp.float32),
        'class_logits': jax.random.normal(k3, (B, N, C), dtype=jnp.float32),
        'confidence': jax.random.normal(k4, (B, N), dtype=jnp.float32),
        'gt_boxes': jax.random.uniform(k5, (B, K, 3), dtype=jnp.float32),
    }


def _pad_trunc_np(x, n, value=0.0):
    if x.shape[1] == n:
        return x
    if x.shape[1] > n:
        return x[:, :n]
    pad_shape = list(x.shape)
    pad_shape[1] = n - x.shape[1]
    return np.concatenate([x, np.full(pad_shape, value, dtype=x.dtype)], axis=1)


def _build_targets_np(gt_boxes, num_classes):
    gs = gt_boxes[..., 0]
    ge = gt_boxes[..., 1]
    gc = gt_boxes[..., 2]
    presence = (~np.isnan(gs) & ~np.isnan(ge) & ~np.isnan(gc)).astype(np.float32)
    gs = np.nan_to_num(gs)
    ge = np.nan_to_num(ge)
    gc = np.nan_to_num(gc)
    cls_idx = np.clip(gc.astype(np.int64), 0, num_classes - 1)
    onehot = np.eye(num_classes, dtype=np.float32)[cls_idx]
    gs = _pad_trunc_np(gs, N_T)
    ge = _pad_trunc_np(ge, N_T)
    presence = _pad_trunc_np(presence, N_T)
    onehot = _pad_trunc_np(onehot, N_T)
    return gs, ge, onehot, presence


def _sigmoid_np(x):
    return 1.0 / (1.0 + np.exp(-x))


def _match(f_start_p, f_end_p, class_logits, gt_boxes):
    B, N = f_start_p.shape
    C = class_logits.shape[-1]
    gs = gt_boxes[..., 0]
    ge = gt_boxes[..., 1]
    gc = gt_boxes[..., 2]
    presence = (~jnp.isnan(gs) & ~jnp.isnan(ge) & ~jnp.isnan(gc)).astype(jnp.float32)
    gs = jnp.nan_to_num(gs)
    ge = jnp.nan_to_num(ge)
    gc = jnp.nan_to_num(gc)
    cls_idx = jnp.clip(gc.astype(jnp.int32), 0, C - 1)
    onehot = jax.nn.one_hot(cls_idx, C, dtype=jnp.float32)
    gs = _pad_trunc_j(gs, N_T)
    ge = _pad_trunc_j(ge, N_T)
    presence = _pad_trunc_j(presence, N_T)
    onehot = _pad_trunc_j(onehot, N_T)
    ps_sig = 1.0 / (1.0 + jnp.exp(-f_start_p))
    pe_sig = 1.0 / (1.0 + jnp.exp(-f_end_p))
    loc = (ps_sig[:, None, :] - gs[:, :, None]) ** 2 + (pe_sig[:, None, :] - ge[:, :, None]) ** 2
    pcl_sig = 1.0 / (1.0 + jnp.exp(-class_logits))
    cls_l2 = ((pcl_sig[:, None, :, :] - onehot[:, :, None, :]) ** 2).sum(-1)
    cost = loc + cls_l2
    cost = jnp.where(presence[:, :, None] > 0, cost, VERY_LARGE)

    def _greedy(c):
        def body(c, _):
            idx = jnp.argmin(c)
            val = c.reshape(-1)[idx]
            r = (idx // N).astype(jnp.int32)
            col = (idx % N).astype(jnp.int32)
            valid = val < VERY_LARGE / 2
            c = c.at[r, :].set(VERY_LARGE)
            c = c.at[:, col].set(VERY_LARGE)
            return c, (r, col, valid)

        _, out = jax.lax.scan(body, c, None, length=min(N_T, N))
        return out

    rs, cols, valids = jax.vmap(_greedy)(cost)
    return rs, cols, valids


def _bce_logits(x, z):
    return jnp.maximum(x, 0.0) - x * z + jnp.log1p(jnp.exp(-jnp.abs(x)))


def _iou_1d(s1, e1, s2, e2):
    a1 = jnp.minimum(s1, e1)
    b1 = jnp.maximum(s1, e1)
    a2 = jnp.minimum(s2, e2)
    b2 = jnp.maximum(s2, e2)
    inter = jnp.maximum(0.0, jnp.minimum(b1, b2) - jnp.maximum(a1, a2))
    union = jnp.maximum(EPS, jnp.maximum(b1, b2) - jnp.minimum(a1, a2))
    return inter / union


def _pad_trunc_j(x, n, value=0.0):
    if x.shape[1] == n:
        return x
    if x.shape[1] > n:
        return x[:, :n]
    pad_shape = list(x.shape)
    pad_shape[1] = n - x.shape[1]
    return jnp.concatenate([x, jnp.full(pad_shape, value, dtype=x.dtype)], axis=1)


def _loss_given_pairs(f_start_p, f_end_p, class_logits, confidence, gt_boxes, pairs_all):
    B, N = f_start_p.shape
    C = class_logits.shape[-1]
    gi, pj, valids = pairs_all
    gs = jnp.nan_to_num(gt_boxes[..., 0])
    ge = jnp.nan_to_num(gt_boxes[..., 1])
    gc = jnp.nan_to_num(gt_boxes[..., 2])
    cls_idx = jnp.clip(gc.astype(jnp.int32), 0, C - 1)
    onehot = jax.nn.one_hot(cls_idx, C, dtype=jnp.float32)
    gs = _pad_trunc_j(gs, N_T)
    ge = _pad_trunc_j(ge, N_T)
    onehot = _pad_trunc_j(onehot, N_T)
    w = valids.astype(jnp.float32)
    pred_s = jax.nn.sigmoid(jnp.take_along_axis(f_start_p, pj, axis=1))
    pred_e = jax.nn.sigmoid(jnp.take_along_axis(f_end_p, pj, axis=1))
    t_s = jnp.take_along_axis(gs, gi, axis=1)
    t_e = jnp.take_along_axis(ge, gi, axis=1)
    cl = jnp.take_along_axis(class_logits, pj[:, :, None], axis=1)
    oh = jnp.take_along_axis(onehot, gi[:, :, None], axis=1)
    iou = _iou_1d(jax.lax.stop_gradient(pred_s), jax.lax.stop_gradient(pred_e), jax.lax.stop_gradient(t_s), jax.lax.stop_gradient(t_e))
    conf_p = jax.nn.sigmoid(jnp.take_along_axis(confidence, pj, axis=1))
    loc_b = (w * ((pred_s - t_s) ** 2 + (pred_e - t_e) ** 2)).sum(axis=1)
    class_b = (w[:, :, None] * _bce_logits(cl, oh)).sum(axis=(1, 2))
    conf_b = (w * (conf_p - iou) ** 2).sum(axis=1)
    total_loc = jnp.float32(0.0)
    total_class = jnp.float32(0.0)
    total_conf = jnp.float32(0.0)
    for b in range(B):
        total_loc = total_loc + loc_b[b]
        total_class = total_class + class_b[b]
        total_conf = total_conf + conf_b[b]
    total_matched = w.sum()
    denom = total_matched + jnp.float32(EPS)
    loss = jnp.float32(W_LOC) * (total_loc / denom) + jnp.float32(W_CLASS) * (total_class / denom) + jnp.float32(W_CONF) * (total_conf / denom)
    return jnp.where(total_matched > 0, loss, jnp.float32(0.0))


def reference(f_start, f_end, class_logits, confidence, gt_boxes):
    pairs_all = _match(f_start, f_end, class_logits, gt_boxes)
    return _loss_given_pairs(f_start, f_end, class_logits, confidence, gt_boxes, pairs_all)

if __name__ == "__main__":
    import jax
    _d = setup_inputs()
    print(jax.jit(kernel)(*tuple(_d.values())))

</pallas_src>

<mosaic_0001>
#map = affine_map<(d0, d1) -> (0, 0)>
#map1 = affine_map<(d0, d1) -> (0, 0, 0, 0)>
#map2 = affine_map<(d0, d1) -> (0, 0, 0)>
module attributes {stable_mosaic.version = 14 : i64} {
  func.func @sck(%arg0: i32, %arg1: i32, %arg2: memref<16x20000xf32, #tpu.memory_space<hbm>>, %arg3: memref<16x20000xf32, #tpu.memory_space<hbm>>, %arg4: memref<16x20000xf32, #tpu.memory_space<hbm>>, %arg5: memref<16x20000xf32, #tpu.memory_space<hbm>>, %arg6: memref<16x20000xf32, #tpu.memory_space<hbm>>, %arg7: memref<16x16xf32, #tpu.memory_space<hbm>>, %arg8: memref<16x16xf32, #tpu.memory_space<hbm>>, %arg9: memref<16x16xf32, #tpu.memory_space<hbm>>, %arg10: memref<32x6x10x16xf32, #tpu.memory_space<hbm>>, %arg11: memref<32x10x16xi32, #tpu.memory_space<hbm>>, %arg12: memref<10000xf32, #tpu.memory_space<vmem>>, %arg13: memref<10000xf32, #tpu.memory_space<vmem>>, %arg14: memref<10000xf32, #tpu.memory_space<vmem>>, %arg15: memref<10000xf32, #tpu.memory_space<vmem>>, %arg16: memref<10000xf32, #tpu.memory_space<vmem>>, %arg17: memref<10000xf32, #tpu.memory_space<vmem>>, %arg18: memref<10000xf32, #tpu.memory_space<vmem>>, %arg19: memref<10000xf32, #tpu.memory_space<vmem>>, %arg20: memref<10000xf32, #tpu.memory_space<vmem>>, %arg21: memref<16xf32, #tpu.memory_space<vmem>>, %arg22: memref<16xf32, #tpu.memory_space<vmem>>, %arg23: memref<16xf32, #tpu.memory_space<vmem>>, %arg24: memref<6x10x16xf32, #tpu.memory_space<vmem>>, %arg25: memref<10x16xi32, #tpu.memory_space<vmem>>, %arg26: memref<10xf32, #tpu.memory_space<smem>>) attributes {dimension_semantics = [#tpu.dimension_semantics<core_parallel>, #tpu.dimension_semantics<subcore_parallel>], iteration_bounds = array<i64: 2, 16>, scalar_prefetch = 0 : i64, scratch_operands = 15 : i64, tpu.core_type = #tpu.core_type<sc_vector_subcore>, window_params = [{transform_indices = #map}, {transform_indices = #map}, {transform_indices = #map}, {transform_indices = #map}, {transform_indices = #map}, {transform_indices = #map}, {transform_indices = #map}, {transform_indices = #map}, {transform_indices = #map1}, {transform_indices = #map2}]} {
    %mul3A = arith.constant 2 : i32
    %mul3A_0 = arith.muli %arg1, %mul3A : i32
    %add3A = arith.addi %mul3A_0, %arg0 : i32
    %mul3A_1 = arith.constant 10000 : i32
    %mul3A_2 = arith.muli %arg0, %mul3A_1 : i32
    "tpu.region"() ({
      %run_scoped3A = tpu.sem_alloc : memref<!tpu.dma_semaphore, #tpu.memory_space<semaphore_mem>>
      %dma_start3A = tpu.memref_slice %arg2[%arg1, %mul3A_2] : memref<16x20000xf32, #tpu.memory_space<hbm>> -> memref<1x10000xf32, #tpu.memory_space<hbm>>
      %dma_start3A_937 = tpu.memref_squeeze %dma_start3A : memref<1x10000xf32, #tpu.memory_space<hbm>> -> memref<10000xf32, #tpu.memory_space<hbm>>
      %dma_start3A_938 = tpu.memref_slice %arg2[%arg1, %mul3A_2] : memref<16x20000xf32, #tpu.memory_space<hbm>> -> memref<1x10000xf32, #tpu.memory_space<hbm>>
      %dma_start3A_939 = tpu.memref_squeeze %dma_start3A_938 : memref<1x10000xf32, #tpu.memory_space<hbm>> -> memref<10000xf32, #tpu.memory_space<hbm>>
      tpu.enqueue_dma source(%dma_start3A_939 : memref<10000xf32, #tpu.memory_space<hbm>>) target(%arg12 : memref<10000xf32, #tpu.memory_space<vmem>>) target_semaphore(%run_scoped3A : memref<!tpu.dma_semaphore, #tpu.memory_space<semaphore_mem>>)
      %dma_wait3A = tpu.memref_slice %arg2[%arg1, %mul3A_2] : memref<16x20000xf32, #tpu.memory_space<hbm>> -> memref<1x10000xf32, #tpu.memory_space<hbm>>
      %dma_wait3A_940 = tpu.memref_squeeze %dma_wait3A : memref<1x10000xf32, #tpu.memory_space<hbm>> -> memref<10000xf32, #tpu.memory_space<hbm>>
      %dma_wait3A_941 = tpu.memref_slice %arg2[%arg1, %mul3A_2] : memref<16x20000xf32, #tpu.memory_space<hbm>> -> memref<1x10000xf32, #tpu.memory_space<hbm>>
      %dma_wait3A_942 = tpu.memref_squeeze %dma_wait3A_941 : memref<1x10000xf32, #tpu.memory_space<hbm>> -> memref<10000xf32, #tpu.memory_space<hbm>>
      tpu.wait_dma2 semaphore(%run_scoped3A : memref<!tpu.dma_semaphore, #tpu.memory_space<semaphore_mem>>) src(%dma_wait3A_942 : memref<10000xf32, #tpu.memory_space<hbm>>) dst(%arg12 : memref<10000xf32, #tpu.memory_space<vmem>>)
      tpu.yield
    }) : () -> ()
    "tpu.region"() ({
      %run_scoped3A = tpu.sem_alloc : memref<!tpu.dma_semaphore, #tpu.memory_space<semaphore_mem>>
      %dma_start3A = tpu.memref_slice %arg3[%arg1, %mul3A_2] : memref<16x20000xf32, #tpu.memory_space<hbm>> -> memref<1x10000xf32, #tpu.memory_space<hbm>>
      %dma_start3A_937 = tpu.memref_squeeze %dma_start3A : memref<1x10000xf32, #tpu.memory_space<hbm>> -> memref<10000xf32, #tpu.memory_space<hbm>>
      %dma_start3A_938 = tpu.memref_slice %arg3[%arg1, %mul3A_2] : memref<16x20000xf32, #tpu.memory_space<hbm>> -> memref<1x10000xf32, #tpu.memory_space<hbm>>
      %dma_start3A_939 = tpu.memref_squeeze %dma_start3A_938 : memref<1x10000xf32, #tpu.memory_space<hbm>> -> memref<10000xf32, #tpu.memory_space<hbm>>
      tpu.enqueue_dma source(%dma_start3A_939 : memref<10000xf32, #tpu.memory_space<hbm>>) target(%arg13 : memref<10000xf32, #tpu.memory_space<vmem>>) target_semaphore(%run_scoped3A : memref<!tpu.dma_semaphore, #tpu.memory_space<semaphore_mem>>)
      %dma_wait3A = tpu.memref_slice %arg3[%arg1, %mul3A_2] : memref<16x20000xf32, #tpu.memory_space<hbm>> -> memref<1x10000xf32, #tpu.memory_space<hbm>>
      %dma_wait3A_940 = tpu.memref_squeeze %dma_wait3A : memref<1x10000xf32, #tpu.memory_space<hbm>> -> memref<10000xf32, #tpu.memory_space<hbm>>
      %dma_wait3A_941 = tpu.memref_slice %arg3[%arg1, %mul3A_2] : memref<16x20000xf32, #tpu.memory_space<hbm>> -> memref<1x10000xf32, #tpu.memory_space<hbm>>
      %dma_wait3A_942 = tpu.memref_squeeze %dma_wait3A_941 : memref<1x10000xf32, #tpu.memory_space<hbm>> -> memref<10000xf32, #tpu.memory_space<hbm>>
      tpu.wait_dma2 semaphore(%run_scoped3A : memref<!tpu.dma_semaphore, #tpu.memory_space<semaphore_mem>>) src(%dma_wait3A_942 : memref<10000xf32, #tpu.memory_space<hbm>>) dst(%arg13 : memref<10000xf32, #tpu.memory_space<vmem>>)
      tpu.yield
    }) : () -> ()
    "tpu.region"() ({
      %run_scoped3A = tpu.sem_alloc : memref<!tpu.dma_semaphore, #tpu.memory_space<semaphore_mem>>
      %dma_start3A = tpu.memref_slice %arg4[%arg1, %mul3A_2] : memref<16x20000xf32, #tpu.memory_space<hbm>> -> memref<1x10000xf32, #tpu.memory_space<hbm>>
      %dma_start3A_937 = tpu.memref_squeeze %dma_start3A : memref<1x10000xf32, #tpu.memory_space<hbm>> -> memref<10000xf32, #tpu.memory_space<hbm>>
      %dma_start3A_938 = tpu.memref_slice %arg4[%arg1, %mul3A_2] : memref<16x20000xf32, #tpu.memory_space<hbm>> -> memref<1x10000xf32, #tpu.memory_space<hbm>>
      %dma_start3A_939 = tpu.memref_squeeze %dma_start3A_938 : memref<1x10000xf32, #tpu.memory_space<hbm>> -> memref<10000xf32, #tpu.memory_space<hbm>>
      tpu.enqueue_dma source(%dma_start3A_939 : memref<10000xf32, #tpu.memory_space<hbm>>) target(%arg14 : memref<10000xf32, #tpu.memory_space<vmem>>) target_semaphore(%run_scoped3A : memref<!tpu.dma_semaphore, #tpu.memory_space<semaphore_mem>>)
      %dma_wait3A = tpu.memref_slice %arg4[%arg1, %mul3A_2] : memref<16x20000xf32, #tpu.memory_space<hbm>> -> memref<1x10000xf32, #tpu.memory_space<hbm>>
      %dma_wait3A_940 = tpu.memref_squeeze %dma_wait3A : memref<1x10000xf32, #tpu.memory_space<hbm>> -> memref<10000xf32, #tpu.memory_space<hbm>>
      %dma_wait3A_941 = tpu.memref_slice %arg4[%arg1, %mul3A_2] : memref<16x20000xf32, #tpu.memory_space<hbm>> -> memref<1x10000xf32, #tpu.memory_space<hbm>>
      %dma_wait3A_942 = tpu.memref_squeeze %dma_wait3A_941 : memref<1x10000xf32, #tpu.memory_space<hbm>> -> memref<10000xf32, #tpu.memory_space<hbm>>
      tpu.wait_dma2 semaphore(%run_scoped3A : memref<!tpu.dma_semaphore, #tpu.memory_space<semaphore_mem>>) src(%dma_wait3A_942 : memref<10000xf32, #tpu.memory_space<hbm>>) dst(%arg14 : memref<10000xf32, #tpu.memory_space<vmem>>)
      tpu.yield
    }) : () -> ()
    "tpu.region"() ({
      %run_scoped3A = tpu.sem_alloc : memref<!tpu.dma_semaphore, #tpu.memory_space<semaphore_mem>>
      %dma_start3A = tpu.memref_slice %arg5[%arg1, %mul3A_2] : memref<16x20000xf32, #tpu.memory_space<hbm>> -> memref<1x10000xf32, #tpu.memory_space<hbm>>
      %dma_start3A_937 = tpu.memref_squeeze %dma_start3A : memref<1x10000xf32, #tpu.memory_space<hbm>> -> memref<10000xf32, #tpu.memory_space<hbm>>
      %dma_start3A_938 = tpu.memref_slice %arg5[%arg1, %mul3A_2] : memref<16x20000xf32, #tpu.memory_space<hbm>> -> memref<1x10000xf32, #tpu.memory_space<hbm>>
      %dma_start3A_939 = tpu.memref_squeeze %dma_start3A_938 : memref<1x10000xf32, #tpu.memory_space<hbm>> -> memref<10000xf32, #tpu.memory_space<hbm>>
      tpu.enqueue_dma source(%dma_start3A_939 : memref<10000xf32, #tpu.memory_space<hbm>>) target(%arg15 : memref<10000xf32, #tpu.memory_space<vmem>>) target_semaphore(%run_scoped3A : memref<!tpu.dma_semaphore, #tpu.memory_space<semaphore_mem>>)
      %dma_wait3A = tpu.memref_slice %arg5[%arg1, %mul3A_2] : memref<16x20000xf32, #tpu.memory_space<hbm>> -> memref<1x10000xf32, #tpu.memory_space<hbm>>
      %dma_wait3A_940 = tpu.memref_squeeze %dma_wait3A : memref<1x10000xf32, #tpu.memory_space<hbm>> -> memref<10000xf32, #tpu.memory_space<hbm>>
      %dma_wait3A_941 = tpu.memref_slice %arg5[%arg1, %mul3A_2] : memref<16x20000xf32, #tpu.memory_space<hbm>> -> memref<1x10000xf32, #tpu.memory_space<hbm>>
      %dma_wait3A_942 = tpu.memref_squeeze %dma_wait3A_941 : memref<1x10000xf32, #tpu.memory_space<hbm>> -> memref<10000xf32, #tpu.memory_space<hbm>>
      tpu.wait_dma2 semaphore(%run_scoped3A : memref<!tpu.dma_semaphore, #tpu.memory_space<semaphore_mem>>) src(%dma_wait3A_942 : memref<10000xf32, #tpu.memory_space<hbm>>) dst(%arg15 : memref<10000xf32, #tpu.memory_space<vmem>>)
      tpu.yield
    }) : () -> ()
    "tpu.region"() ({
      %run_scoped3A = tpu.sem_alloc : memref<!tpu.dma_semaphore, #tpu.memory_space<semaphore_mem>>
      %dma_start3A = tpu.memref_slice %arg6[%arg1, %mul3A_2] : memref<16x20000xf32, #tpu.memory_space<hbm>> -> memref<1x10000xf32, #tpu.memory_space<hbm>>
      %dma_start3A_937 = tpu.memref_squeeze %dma_start3A : memref<1x10000xf32, #tpu.memory_space<hbm>> -> memref<10000xf32, #tpu.memory_space<hbm>>
      %dma_start3A_938 = tpu.memref_slice %arg6[%arg1, %mul3A_2] : memref<16x20000xf32, #tpu.memory_space<hbm>> -> memref<1x10000xf32, #tpu.memory_space<hbm>>
      %dma_start3A_939 = tpu.memref_squeeze %dma_start3A_938 : memref<1x10000xf32, #tpu.memory_space<hbm>> -> memref<10000xf32, #tpu.memory_space<hbm>>
      tpu.enqueue_dma source(%dma_start3A_939 : memref<10000xf32, #tpu.memory_space<hbm>>) target(%arg16 : memref<10000xf32, #tpu.memory_space<vmem>>) target_semaphore(%run_scoped3A : memref<!tpu.dma_semaphore, #tpu.memory_space<semaphore_mem>>)
      %dma_wait3A = tpu.memref_slice %arg6[%arg1, %mul3A_2] : memref<16x20000xf32, #tpu.memory_space<hbm>> -> memref<1x10000xf32, #tpu.memory_space<hbm>>
      %dma_wait3A_940 = tpu.memref_squeeze %dma_wait3A : memref<1x10000xf32, #tpu.memory_space<hbm>> -> memref<10000xf32, #tpu.memory_space<hbm>>
      %dma_wait3A_941 = tpu.memref_slice %arg6[%arg1, %mul3A_2] : memref<16x20000xf32, #tpu.memory_space<hbm>> -> memref<1x10000xf32, #tpu.memory_space<hbm>>
      %dma_wait3A_942 = tpu.memref_squeeze %dma_wait3A_941 : memref<1x10000xf32, #tpu.memory_space<hbm>> -> memref<10000xf32, #tpu.memory_space<hbm>>
      tpu.wait_dma2 semaphore(%run_scoped3A : memref<!tpu.dma_semaphore, #tpu.memory_space<semaphore_mem>>) src(%dma_wait3A_942 : memref<10000xf32, #tpu.memory_space<hbm>>) dst(%arg16 : memref<10000xf32, #tpu.memory_space<vmem>>)
      tpu.yield
    }) : () -> ()
    "tpu.region"() ({
      %run_scoped3A = tpu.sem_alloc : memref<!tpu.dma_semaphore, #tpu.memory_space<semaphore_mem>>
      %dma_start3A = arith.constant 0 : i32
      %dma_start3A_937 = tpu.memref_slice %arg7[%arg1, %dma_start3A] : memref<16x16xf32, #tpu.memory_space<hbm>> -> memref<1x16xf32, #tpu.memory_space<hbm>>
      %dma_start3A_938 = tpu.memref_squeeze %dma_start3A_937 : memref<1x16xf32, #tpu.memory_space<hbm>> -> memref<16xf32, #tpu.memory_space<hbm>>
      %dma_start3A_939 = arith.constant 0 : i32
      %dma_start3A_940 = tpu.memref_slice %arg7[%arg1, %dma_start3A_939] : memref<16x16xf32, #tpu.memory_space<hbm>> -> memref<1x16xf32, #tpu.memory_space<hbm>>
      %dma_start3A_941 = tpu.memref_squeeze %dma_start3A_940 : memref<1x16xf32, #tpu.memory_space<hbm>> -> memref<16xf32, #tpu.memory_space<hbm>>
      tpu.enqueue_dma source(%dma_start3A_941 : memref<16xf32, #tpu.memory_space<hbm>>) target(%arg21 : memref<16xf32, #tpu.memory_space<vmem>>) target_semaphore(%run_scoped3A : memref<!tpu.dma_semaphore, #tpu.memory_space<semaphore_mem>>)
      %dma_wait3A = arith.constant 0 : i32
      %dma_wait3A_942 = tpu.memref_slice %arg7[%arg1, %dma_wait3A] : memref<16x16xf32, #tpu.memory_space<hbm>> -> memref<1x16xf32, #tpu.memory_space<hbm>>
      %dma_wait3A_943 = tpu.memref_squeeze %dma_wait3A_942 : memref<1x16xf32, #tpu.memory_space<hbm>> -> memref<16xf32, #tpu.memory_space<hbm>>
      %dma_wait3A_944 = arith.constant 0 : i32
      %dma_wait3A_945 = tpu.memref_slice %arg7[%arg1, %dma_wait3A_944] : memref<16x16xf32, #tpu.memory_space<hbm>> -> memref<1x16xf32, #tpu.memory_space<hbm>>
      %dma_wait3A_946 = tpu.memref_squeeze %dma_wait3A_945 : memref<1x16xf32, #tpu.memory_space<hbm>> -> memref<16xf32, #tpu.memory_space<hbm>>
      tpu.wait_dma2 semaphore(%run_scoped3A : memref<!tpu.dma_semaphore, #tpu.memory_space<semaphore_mem>>) src(%dma_wait3A_946 : memref<16xf32, #tpu.memory_space<hbm>>) dst(%arg21 : memref<16xf32, #tpu.memory_space<vmem>>)
      tpu.yield
    }) : () -> ()
    "tpu.region"() ({
      %run_scoped3A = tpu.sem_alloc : memref<!tpu.dma_semaphore, #tpu.memory_space<semaphore_mem>>
      %dma_start3A = arith.constant 0 : i32
      %dma_start3A_937 = tpu.memref_slice %arg8[%arg1, %dma_start3A] : memref<16x16xf32, #tpu.memory_space<hbm>> -> memref<1x16xf32, #tpu.memory_space<hbm>>
      %dma_start3A_938 = tpu.memref_squeeze %dma_start3A_937 : memref<1x16xf32, #tpu.memory_space<hbm>> -> memref<16xf32, #tpu.memory_space<hbm>>
      %dma_start3A_939 = arith.constant 0 : i32
      %dma_start3A_940 = tpu.memref_slice %arg8[%arg1, %dma_start3A_939] : memref<16x16xf32, #tpu.memory_space<hbm>> -> memref<1x16xf32, #tpu.memory_space<hbm>>
      %dma_start3A_941 = tpu.memref_squeeze %dma_start3A_940 : memref<1x16xf32, #tpu.memory_space<hbm>> -> memref<16xf32, #tpu.memory_space<hbm>>
      tpu.enqueue_dma source(%dma_start3A_941 : memref<16xf32, #tpu.memory_space<hbm>>) target(%arg22 : memref<16xf32, #tpu.memory_space<vmem>>) target_semaphore(%run_scoped3A : memref<!tpu.dma_semaphore, #tpu.memory_space<semaphore_mem>>)
      %dma_wait3A = arith.constant 0 : i32
      %dma_wait3A_942 = tpu.memref_slice %arg8[%arg1, %dma_wait3A] : memref<16x16xf32, #tpu.memory_space<hbm>> -> memref<1x16xf32, #tpu.memory_space<hbm>>
      %dma_wait3A_943 = tpu.memref_squeeze %dma_wait3A_942 : memref<1x16xf32, #tpu.memory_space<hbm>> -> memref<16xf32, #tpu.memory_space<hbm>>
      %dma_wait3A_944 = arith.constant 0 : i32
      %dma_wait3A_945 = tpu.memref_slice %arg8[%arg1, %dma_wait3A_944] : memref<16x16xf32, #tpu.memory_space<hbm>> -> memref<1x16xf32, #tpu.memory_space<hbm>>
      %dma_wait3A_946 = tpu.memref_squeeze %dma_wait3A_945 : memref<1x16xf32, #tpu.memory_space<hbm>> -> memref<16xf32, #tpu.memory_space<hbm>>
      tpu.wait_dma2 semaphore(%run_scoped3A : memref<!tpu.dma_semaphore, #tpu.memory_space<semaphore_mem>>) src(%dma_wait3A_946 : memref<16xf32, #tpu.memory_space<hbm>>) dst(%arg22 : memref<16xf32, #tpu.memory_space<vmem>>)
      tpu.yield
    }) : () -> ()
    "tpu.region"() ({
      %run_scoped3A = tpu.sem_alloc : memref<!tpu.dma_semaphore, #tpu.memory_space<semaphore_mem>>
      %dma_start3A = arith.constant 0 : i32
      %dma_start3A_937 = tpu.memref_slice %arg9[%arg1, %dma_start3A] : memref<16x16xf32, #tpu.memory_space<hbm>> -> memref<1x16xf32, #tpu.memory_space<hbm>>
      %dma_start3A_938 = tpu.memref_squeeze %dma_start3A_937 : memref<1x16xf32, #tpu.memory_space<hbm>> -> memref<16xf32, #tpu.memory_space<hbm>>
      %dma_start3A_939 = arith.constant 0 : i32
      %dma_start3A_940 = tpu.memref_slice %arg9[%arg1, %dma_start3A_939] : memref<16x16xf32, #tpu.memory_space<hbm>> -> memref<1x16xf32, #tpu.memory_space<hbm>>
      %dma_start3A_941 = tpu.memref_squeeze %dma_start3A_940 : memref<1x16xf32, #tpu.memory_space<hbm>> -> memref<16xf32, #tpu.memory_space<hbm>>
      tpu.enqueue_dma source(%dma_start3A_941 : memref<16xf32, #tpu.memory_space<hbm>>) target(%arg23 : memref<16xf32, #tpu.memory_space<vmem>>) target_semaphore(%run_scoped3A : memref<!tpu.dma_semaphore, #tpu.memory_space<semaphore_mem>>)
      %dma_wait3A = arith.constant 0 : i32
      %dma_wait3A_942 = tpu.memref_slice %arg9[%arg1, %dma_wait3A] : memref<16x16xf32, #tpu.memory_space<hbm>> -> memref<1x16xf32, #tpu.memory_space<hbm>>
      %dma_wait3A_943 = tpu.memref_squeeze %dma_wait3A_942 : memref<1x16xf32, #tpu.memory_space<hbm>> -> memref<16xf32, #tpu.memory_space<hbm>>
      %dma_wait3A_944 = arith.constant 0 : i32
      %dma_wait3A_945 = tpu.memref_slice %arg9[%arg1, %dma_wait3A_944] : memref<16x16xf32, #tpu.memory_space<hbm>> -> memref<1x16xf32, #tpu.memory_space<hbm>>
      %dma_wait3A_946 = tpu.memref_squeeze %dma_wait3A_945 : memref<1x16xf32, #tpu.memory_space<hbm>> -> memref<16xf32, #tpu.memory_space<hbm>>
      tpu.wait_dma2 semaphore(%run_scoped3A : memref<!tpu.dma_semaphore, #tpu.memory_space<semaphore_mem>>) src(%dma_wait3A_946 : memref<16xf32, #tpu.memory_space<hbm>>) dst(%arg23 : memref<16xf32, #tpu.memory_space<vmem>>)
      tpu.yield
    }) : () -> ()
    %scan3A = arith.constant 0 : i32
    %scan3A_3 = arith.constant 0 : i32
    %scan3A_4 = arith.constant 625 : i32
    %scan3A_5 = arith.addi %scan3A_3, %scan3A_4 : i32
    %scan3A_6 = arith.constant 1 : i32
    scf.for %scan3A_937 = %scan3A_3 to %scan3A_5 step %scan3A_6  : i32 {
      %mul3A_938 = arith.constant 16 : i32
      %mul3A_939 = arith.muli %scan3A_937, %mul3A_938 : i32
      %get3A_940 = arith.index_cast %mul3A_939 : i32 to index
      %get3A_941 = tpu.vector_load %arg12[%get3A_940] {strides = array<i32>} : memref<10000xf32, #tpu.memory_space<vmem>>, vector<16xf32>,
      %neg3A = arith.constant 0.000000e+00 : f32
      %neg3A_942 = vector.broadcast %neg3A : f32 to vector<16xf32>
      %neg3A_943 = arith.subf %neg3A_942, %get3A_941 : vector<16xf32>
      %exp3A = math.exp %neg3A_943 : vector<16xf32>
      %get3A_944 = arith.index_cast %mul3A_939 : i32 to index
      %get3A_945 = tpu.vector_load %arg13[%get3A_944] {strides = array<i32>} : memref<10000xf32, #tpu.memory_space<vmem>>, vector<16xf32>,
      %neg3A_946 = arith.constant 0.000000e+00 : f32
      %neg3A_947 = vector.broadcast %neg3A_946 : f32 to vector<16xf32>
      %neg3A_948 = arith.subf %neg3A_947, %get3A_945 : vector<16xf32>
      %exp3A_949 = math.exp %neg3A_948 : vector<16xf32>
      %get3A_950 = arith.index_cast %mul3A_939 : i32 to index
      %get3A_951 = tpu.vector_load %arg14[%get3A_950] {strides = array<i32>} : memref<10000xf32, #tpu.memory_space<vmem>>, vector<16xf32>,
      %neg3A_952 = arith.constant 0.000000e+00 : f32
      %neg3A_953 = vector.broadcast %neg3A_952 : f32 to vector<16xf32>
      %neg3A_954 = arith.subf %neg3A_953, %get3A_951 : vector<16xf32>
      %exp3A_955 = math.exp %neg3A_954 : vector<16xf32>
      %get3A_956 = arith.index_cast %mul3A_939 : i32 to index
      %get3A_957 = tpu.vector_load %arg15[%get3A_956] {strides = array<i32>} : memref<10000xf32, #tpu.memory_space<vmem>>, vector<16xf32>,
      %neg3A_958 = arith.constant 0.000000e+00 : f32
      %neg3A_959 = vector.broadcast %neg3A_958 : f32 to vector<16xf32>
      %neg3A_960 = arith.subf %neg3A_959, %get3A_957 : vector<16xf32>
      %exp3A_961 = math.exp %neg3A_960 : vector<16xf32>
      %add3A_962 = arith.constant 1.000000e+00 : f32
      %add3A_963 = vector.broadcast %add3A_962 : f32 to vector<16xf32>
      %add3A_964 = arith.addf %add3A_963, %exp3A : vector<16xf32>
      %add3A_965 = arith.constant 1.000000e+00 : f32
      %add3A_966 = vector.broadcast %add3A_965 : f32 to vector<16xf32>
      %add3A_967 = arith.addf %add3A_966, %exp3A_949 : vector<16xf32>
      %add3A_968 = arith.constant 1.000000e+00 : f32
      %add3A_969 = vector.broadcast %add3A_968 : f32 to vector<16xf32>
      %add3A_970 = arith.addf %add3A_969, %exp3A_955 : vector<16xf32>
      %add3A_971 = arith.constant 1.000000e+00 : f32
      %add3A_972 = vector.broadcast %add3A_971 : f32 to vector<16xf32>
      %add3A_973 = arith.addf %add3A_972, %exp3A_961 : vector<16xf32>
      %mul3A_974 = arith.mulf %add3A_964, %add3A_967 : vector<16xf32>
      %div3A = arith.constant 1.000000e+00 : f32
      %div3A_975 = vector.broadcast %div3A : f32 to vector<16xf32>
      %div3A_976 = arith.divf %div3A_975, %mul3A_974 : vector<16xf32>
      %mul3A_977 = arith.mulf %add3A_970, %add3A_973 : vector<16xf32>
      %div3A_978 = arith.constant 1.000000e+00 : f32
      %div3A_979 = vector.broadcast %div3A_978 : f32 to vector<16xf32>
      %div3A_980 = arith.divf %div3A_979, %mul3A_977 : vector<16xf32>
      %mul3A_981 = arith.mulf %add3A_967, %div3A_976 : vector<16xf32>
      %mul3A_982 = arith.mulf %add3A_964, %div3A_976 : vector<16xf32>
      %mul3A_983 = arith.mulf %add3A_973, %div3A_980 : vector<16xf32>
      %mul3A_984 = arith.mulf %add3A_970, %div3A_980 : vector<16xf32>
      %swap3A_985 = arith.index_cast %mul3A_939 : i32 to index
      %swap3A_986 = tpu.vector_load %arg17[%swap3A_985] {strides = array<i32>} : memref<10000xf32, #tpu.memory_space<vmem>>, vector<16xf32>,
      tpu.vector_store %arg17[%swap3A_985], %mul3A_981 {strides = array<i32>} : memref<10000xf32, #tpu.memory_space<vmem>>, vector<16xf32>,
      %swap3A_987 = arith.index_cast %mul3A_939 : i32 to index
      %swap3A_988 = tpu.vector_load %arg18[%swap3A_987] {strides = array<i32>} : memref<10000xf32, #tpu.memory_space<vmem>>, vector<16xf32>,
      tpu.vector_store %arg18[%swap3A_987], %mul3A_982 {strides = array<i32>} : memref<10000xf32, #tpu.memory_space<vmem>>, vector<16xf32>,
      %sub3A_989 = arith.subf %mul3A_983, %mul3A_984 : vector<16xf32>
      %swap3A_990 = arith.index_cast %mul3A_939 : i32 to index
      %swap3A_991 = tpu.vector_load %arg19[%swap3A_990] {strides = array<i32>} : memref<10000xf32, #tpu.memory_space<vmem>>, vector<16xf32>,
      tpu.vector_store %arg19[%swap3A_990], %sub3A_989 {strides = array<i32>} : memref<10000xf32, #tpu.memory_space<vmem>>, vector<16xf32>,
      %mul3A_992 = arith.mulf %mul3A_981, %mul3A_981 : vector<16xf32>
      %mul3A_993 = arith.mulf %mul3A_982, %mul3A_982 : vector<16xf32>
      %add3A_994 = arith.addf %mul3A_992, %mul3A_993 : vector<16xf32>
      %mul3A_995 = arith.mulf %mul3A_983, %mul3A_983 : vector<16xf32>
      %sub3A_996 = arith.constant 2.000000e+00 : f32
      %sub3A_997 = vector.broadcast %sub3A_996 : f32 to vector<16xf32>
      %sub3A_998 = arith.subf %mul3A_984, %sub3A_997 : vector<16xf32>
      %mul3A_999 = arith.mulf %mul3A_984, %sub3A_998 : vector<16xf32>
      %add3A_1000 = arith.addf %mul3A_995, %mul3A_999 : vector<16xf32>
      %add3A_1001 = arith.addf %add3A_994, %add3A_1000 : vector<16xf32>
      %swap3A_1002 = arith.index_cast %mul3A_939 : i32 to index
      %swap3A_1003 = tpu.vector_load %arg20[%swap3A_1002] {strides = array<i32>} : memref<10000xf32, #tpu.memory_space<vmem>>, vector<16xf32>,
      tpu.vector_store %arg20[%swap3A_1002], %add3A_1001 {strides = array<i32>} : memref<10000xf32, #tpu.memory_space<vmem>>, vector<16xf32>,
    }
    %scan3A_7 = arith.constant 625 : i32
    %iota3A = tpu.iota {dimensions = array<i32: 0>} : vector<16xi32>
    %get3A = arith.constant 0 : index
    %get3A_8 = tpu.vector_load %arg21[%get3A] {strides = array<i32>} : memref<16xf32, #tpu.memory_space<vmem>>, vector<16xf32>,
    %get3A_9 = arith.constant 0 : index
    %get3A_10 = tpu.vector_load %arg22[%get3A_9] {strides = array<i32>} : memref<16xf32, #tpu.memory_space<vmem>>, vector<16xf32>,
    %get3A_11 = arith.constant 0 : index
    %get3A_12 = tpu.vector_load %arg23[%get3A_11] {strides = array<i32>} : memref<16xf32, #tpu.memory_space<vmem>>, vector<16xf32>,
    %slice3A = vector.extract_strided_slice %get3A_8 {offsets = [0], sizes = [1], strides = [1]} : vector<16xf32> to vector<1xf32>
    %squeeze3A = vector.extract %slice3A[0] : f32 from vector<1xf32>
    %slice3A_13 = vector.extract_strided_slice %get3A_10 {offsets = [0], sizes = [1], strides = [1]} : vector<16xf32> to vector<1xf32>
    %squeeze3A_14 = vector.extract %slice3A_13[0] : f32 from vector<1xf32>
    %slice3A_15 = vector.extract_strided_slice %get3A_12 {offsets = [0], sizes = [1], strides = [1]} : vector<16xf32> to vector<1xf32>
    %squeeze3A_16 = vector.extract %slice3A_15[0] : f32 from vector<1xf32>
    %eq3A = arith.cmpf oeq, %squeeze3A, %squeeze3A : f32
    %eq3A_17 = arith.cmpf oeq, %squeeze3A_14, %squeeze3A_14 : f32
    %and3A = arith.andi %eq3A, %eq3A_17 : i1
    %eq3A_18 = arith.cmpf oeq, %squeeze3A_16, %squeeze3A_16 : f32
    %and3A_19 = arith.andi %and3A, %eq3A_18 : i1
    %eq3A_20 = arith.cmpf oeq, %squeeze3A, %squeeze3A : f32
    %jit3A = arith.constant 0.000000e+00 : f32
    %select_n3A = arith.select %eq3A_20, %squeeze3A, %jit3A : f32
    %eq3A_21 = arith.cmpf oeq, %squeeze3A_14, %squeeze3A_14 : f32
    %jit3A_22 = arith.constant 0.000000e+00 : f32
    %select_n3A_23 = arith.select %eq3A_21, %squeeze3A_14, %jit3A_22 : f32
    %eq3A_24 = arith.cmpf oeq, %squeeze3A_16, %squeeze3A_16 : f32
    %jit3A_25 = arith.constant 0.000000e+00 : f32
    %select_n3A_26 = arith.select %eq3A_24, %squeeze3A_16, %jit3A_25 : f32
    %lt3A = arith.constant 1.000000e+00 : f32
    %lt3A_27 = arith.cmpf olt, %select_n3A_26, %lt3A : f32
    %convert_element_type3A = arith.extui %lt3A_27 : i1 to i32
    %convert_element_type3A_28 = arith.sitofp %convert_element_type3A : i32 to f32
    %mul3A_29 = arith.constant -2.000000e+00 : f32
    %mul3A_30 = arith.mulf %mul3A_29, %select_n3A : f32
    %mul3A_31 = arith.constant -2.000000e+00 : f32
    %mul3A_32 = arith.mulf %mul3A_31, %select_n3A_23 : f32
    %mul3A_33 = arith.constant -2.000000e+00 : f32
    %mul3A_34 = arith.mulf %mul3A_33, %convert_element_type3A_28 : f32
    %broadcast_in_dim3A = arith.constant 1.000000e+06 : f32
    %broadcast_in_dim3A_35 = vector.broadcast %broadcast_in_dim3A : f32 to vector<16xf32>
    %swap3A = arith.constant 5 : i32
    %swap3A_36 = arith.constant 0 : i32
    %swap3A_37 = arith.index_cast %swap3A : i32 to index
    %swap3A_38 = arith.index_cast %swap3A_36 : i32 to index
    %swap3A_39 = arith.constant 0 : index
    %swap3A_40 = tpu.vector_load %arg24[%swap3A_37, %swap3A_38, %swap3A_39] {strides = array<i32>} : memref<6x10x16xf32, #tpu.memory_space<vmem>>, vector<16xf32>,
    tpu.vector_store %arg24[%swap3A_37, %swap3A_38, %swap3A_39], %broadcast_in_dim3A_35 {strides = array<i32>} : memref<6x10x16xf32, #tpu.memory_space<vmem>>, vector<16xf32>,
    %broadcast_in_dim3A_41 = arith.constant 0 : i32
    %broadcast_in_dim3A_42 = vector.broadcast %broadcast_in_dim3A_41 : i32 to vector<16xi32>
    %add3A_43 = vector.broadcast %mul3A_2 : i32 to vector<16xi32>
    %add3A_44 = arith.addi %broadcast_in_dim3A_42, %add3A_43 : vector<16xi32>
    %swap3A_45 = arith.constant 0 : i32
    %swap3A_46 = arith.index_cast %swap3A_45 : i32 to index
    %swap3A_47 = arith.constant 0 : index
    %swap3A_48 = tpu.vector_load %arg25[%swap3A_46, %swap3A_47] {strides = array<i32>} : memref<10x16xi32, #tpu.memory_space<vmem>>, vector<16xi32>,
    tpu.vector_store %arg25[%swap3A_46, %swap3A_47], %add3A_44 {strides = array<i32>} : memref<10x16xi32, #tpu.memory_space<vmem>>, vector<16xi32>,
    %jit3A_49 = arith.constant 1.000000e+06 : f32
    %jit3A_50 = arith.constant -1.000000e+06 : f32
    %select_n3A_51 = arith.select %and3A_19, %jit3A_49, %jit3A_50 : f32
    %swap3A_52 = arith.constant 0 : i32
    %swap3A_53 = arith.index_cast %swap3A_52 : i32 to index
    %swap3A_54 = memref.load %arg26[%swap3A_53] : memref<10xf32, #tpu.memory_space<smem>>
    memref.store %select_n3A_51, %arg26[%swap3A_53] : memref<10xf32, #tpu.memory_space<smem>>
    %slice3A_55 = vector.extract_strided_slice %get3A_8 {offsets = [1], sizes = [1], strides = [1]} : vector<16xf32> to vector<1xf32>
    %squeeze3A_56 = vector.extract %slice3A_55[0] : f32 from vector<1xf32>
    %slice3A_57 = vector.extract_strided_slice %get3A_10 {offsets = [1], sizes = [1], strides = [1]} : vector<16xf32> to vector<1xf32>
    %squeeze3A_58 = vector.extract %slice3A_57[0] : f32 from vector<1xf32>
    %slice3A_59 = vector.extract_strided_slice %get3A_12 {offsets = [1], sizes = [1], strides = [1]} : vector<16xf32> to vector<1xf32>
    %squeeze3A_60 = vector.extract %slice3A_59[0] : f32 from vector<1xf32>
    %eq3A_61 = arith.cmpf oeq, %squeeze3A_56, %squeeze3A_56 : f32
    %eq3A_62 = arith.cmpf oeq, %squeeze3A_58, %squeeze3A_58 : f32
    %and3A_63 = arith.andi %eq3A_61, %eq3A_62 : i1
    %eq3A_64 = arith.cmpf oeq, %squeeze3A_60, %squeeze3A_60 : f32
    %and3A_65 = arith.andi %and3A_63, %eq3A_64 : i1
    %eq3A_66 = arith.cmpf oeq, %squeeze3A_56, %squeeze3A_56 : f32
    %jit3A_67 = arith.constant 0.000000e+00 : f32
    %select_n3A_68 = arith.select %eq3A_66, %squeeze3A_56, %jit3A_67 : f32
    %eq3A_69 = arith.cmpf oeq, %squeeze3A_58, %squeeze3A_58 : f32
    %jit3A_70 = arith.constant 0.000000e+00 : f32
    %select_n3A_71 = arith.select %eq3A_69, %squeeze3A_58, %jit3A_70 : f32
    %eq3A_72 = arith.cmpf oeq, %squeeze3A_60, %squeeze3A_60 : f32
    %jit3A_73 = arith.constant 0.000000e+00 : f32
    %select_n3A_74 = arith.select %eq3A_72, %squeeze3A_60, %jit3A_73 : f32
    %lt3A_75 = arith.constant 1.000000e+00 : f32
    %lt3A_76 = arith.cmpf olt, %select_n3A_74, %lt3A_75 : f32
    %convert_element_type3A_77 = arith.extui %lt3A_76 : i1 to i32
    %convert_element_type3A_78 = arith.sitofp %convert_element_type3A_77 : i32 to f32
    %mul3A_79 = arith.constant -2.000000e+00 : f32
    %mul3A_80 = arith.mulf %mul3A_79, %select_n3A_68 : f32
    %mul3A_81 = arith.constant -2.000000e+00 : f32
    %mul3A_82 = arith.mulf %mul3A_81, %select_n3A_71 : f32
    %mul3A_83 = arith.constant -2.000000e+00 : f32
    %mul3A_84 = arith.mulf %mul3A_83, %convert_element_type3A_78 : f32
    %broadcast_in_dim3A_85 = arith.constant 1.000000e+06 : f32
    %broadcast_in_dim3A_86 = vector.broadcast %broadcast_in_dim3A_85 : f32 to vector<16xf32>
    %swap3A_87 = arith.constant 5 : i32
    %swap3A_88 = arith.constant 1 : i32
    %swap3A_89 = arith.index_cast %swap3A_87 : i32 to index
    %swap3A_90 = arith.index_cast %swap3A_88 : i32 to index
    %swap3A_91 = arith.constant 0 : index
    %swap3A_92 = tpu.vector_load %arg24[%swap3A_89, %swap3A_90, %swap3A_91] {strides = array<i32>} : memref<6x10x16xf32, #tpu.memory_space<vmem>>, vector<16xf32>,
    tpu.vector_store %arg24[%swap3A_89, %swap3A_90, %swap3A_91], %broadcast_in_dim3A_86 {strides = array<i32>} : memref<6x10x16xf32, #tpu.memory_space<vmem>>, vector<16xf32>,
    %broadcast_in_dim3A_93 = arith.constant 0 : i32
    %broadcast_in_dim3A_94 = vector.broadcast %broadcast_in_dim3A_93 : i32 to vector<16xi32>
    %add3A_95 = vector.broadcast %mul3A_2 : i32 to vector<16xi32>
    %add3A_96 = arith.addi %broadcast_in_dim3A_94, %add3A_95 : vector<16xi32>
    %swap3A_97 = arith.constant 1 : i32
    %swap3A_98 = arith.index_cast %swap3A_97 : i32 to index
    %swap3A_99 = arith.constant 0 : index
    %swap3A_100 = tpu.vector_load %arg25[%swap3A_98, %swap3A_99] {strides = array<i32>} : memref<10x16xi32, #tpu.memory_space<vmem>>, vector<16xi32>,
    tpu.vector_store %arg25[%swap3A_98, %swap3A_99], %add3A_96 {strides = array<i32>} : memref<10x16xi32, #tpu.memory_space<vmem>>, vector<16xi32>,
    %jit3A_101 = arith.constant 1.000000e+06 : f32
    %jit3A_102 = arith.constant -1.000000e+06 : f32
    %select_n3A_103 = arith.select %and3A_65, %jit3A_101, %jit3A_102 : f32
    %swap3A_104 = arith.constant 1 : i32
    %swap3A_105 = arith.index_cast %swap3A_104 : i32 to index
    %swap3A_106 = memref.load %arg26[%swap3A_105] : memref<10xf32, #tpu.memory_space<smem>>
    memref.store %select_n3A_103, %arg26[%swap3A_105] : memref<10xf32, #tpu.memory_space<smem>>
    %slice3A_107 = vector.extract_strided_slice %get3A_8 {offsets = [2], sizes = [1], strides = [1]} : vector<16xf32> to vector<1xf32>
    %squeeze3A_108 = vector.extract %slice3A_107[0] : f32 from vector<1xf32>
    %slice3A_109 = vector.extract_strided_slice %get3A_10 {offsets = [2], sizes = [1], strides = [1]} : vector<16xf32> to vector<1xf32>
    %squeeze3A_110 = vector.extract %slice3A_109[0] : f32 from vector<1xf32>
    %slice3A_111 = vector.extract_strided_slice %get3A_12 {offsets = [2], sizes = [1], strides = [1]} : vector<16xf32> to vector<1xf32>
    %squeeze3A_112 = vector.extract %slice3A_111[0] : f32 from vector<1xf32>
    %eq3A_113 = arith.cmpf oeq, %squeeze3A_108, %squeeze3A_108 : f32
    %eq3A_114 = arith.cmpf oeq, %squeeze3A_110, %squeeze3A_110 : f32
    %and3A_115 = arith.andi %eq3A_113, %eq3A_114 : i1
    %eq3A_116 = arith.cmpf oeq, %squeeze3A_112, %squeeze3A_112 : f32
    %and3A_117 = arith.andi %and3A_115, %eq3A_116 : i1
    %eq3A_118 = arith.cmpf oeq, %squeeze3A_108, %squeeze3A_108 : f32
    %jit3A_119 = arith.constant 0.000000e+00 : f32
    %select_n3A_120 = arith.select %eq3A_118, %squeeze3A_108, %jit3A_119 : f32
    %eq3A_121 = arith.cmpf oeq, %squeeze3A_110, %squeeze3A_110 : f32
    %jit3A_122 = arith.constant 0.000000e+00 : f32
    %select_n3A_123 = arith.select %eq3A_121, %squeeze3A_110, %jit3A_122 : f32
    %eq3A_124 = arith.cmpf oeq, %squeeze3A_112, %squeeze3A_112 : f32
    %jit3A_125 = arith.constant 0.000000e+00 : f32
    %select_n3A_126 = arith.select %eq3A_124, %squeeze3A_112, %jit3A_125 : f32
    %lt3A_127 = arith.constant 1.000000e+00 : f32
    %lt3A_128 = arith.cmpf olt, %select_n3A_126, %lt3A_127 : f32
    %convert_element_type3A_129 = arith.extui %lt3A_128 : i1 to i32
    %convert_element_type3A_130 = arith.sitofp %convert_element_type3A_129 : i32 to f32
    %mul3A_131 = arith.constant -2.000000e+00 : f32
    %mul3A_132 = arith.mulf %mul3A_131, %select_n3A_120 : f32
    %mul3A_133 = arith.constant -2.000000e+00 : f32
    %mul3A_134 = arith.mulf %mul3A_133, %select_n3A_123 : f32
    %mul3A_135 = arith.constant -2.000000e+00 : f32
    %mul3A_136 = arith.mulf %mul3A_135, %convert_element_type3A_130 : f32
    %broadcast_in_dim3A_137 = arith.constant 1.000000e+06 : f32
    %broadcast_in_dim3A_138 = vector.broadcast %broadcast_in_dim3A_137 : f32 to vector<16xf32>
    %swap3A_139 = arith.constant 5 : i32
    %swap3A_140 = arith.constant 2 : i32
    %swap3A_141 = arith.index_cast %swap3A_139 : i32 to index
    %swap3A_142 = arith.index_cast %swap3A_140 : i32 to index
    %swap3A_143 = arith.constant 0 : index
    %swap3A_144 = tpu.vector_load %arg24[%swap3A_141, %swap3A_142, %swap3A_143] {strides = array<i32>} : memref<6x10x16xf32, #tpu.memory_space<vmem>>, vector<16xf32>,
    tpu.vector_store %arg24[%swap3A_141, %swap3A_142, %swap3A_143], %broadcast_in_dim3A_138 {strides = array<i32>} : memref<6x10x16xf32, #tpu.memory_space<vmem>>, vector<16xf32>,
    %broadcast_in_dim3A_145 = arith.constant 0 : i32
    %broadcast_in_dim3A_146 = vector.broadcast %broadcast_in_dim3A_145 : i32 to vector<16xi32>
    %add3A_147 = vector.broadcast %mul3A_2 : i32 to vector<16xi32>
    %add3A_148 = arith.addi %broadcast_in_dim3A_146, %add3A_147 : vector<16xi32>
    %swap3A_149 = arith.constant 2 : i32
    %swap3A_150 = arith.index_cast %swap3A_149 : i32 to index
    %swap3A_151 = arith.constant 0 : index
    %swap3A_152 = tpu.vector_load %arg25[%swap3A_150, %swap3A_151] {strides = array<i32>} : memref<10x16xi32, #tpu.memory_space<vmem>>, vector<16xi32>,
    tpu.vector_store %arg25[%swap3A_150, %swap3A_151], %add3A_148 {strides = array<i32>} : memref<10x16xi32, #tpu.memory_space<vmem>>, vector<16xi32>,
    %jit3A_153 = arith.constant 1.000000e+06 : f32
    %jit3A_154 = arith.constant -1.000000e+06 : f32
    %select_n3A_155 = arith.select %and3A_117, %jit3A_153, %jit3A_154 : f32
    %swap3A_156 = arith.constant 2 : i32
    %swap3A_157 = arith.index_cast %swap3A_156 : i32 to index
    %swap3A_158 = memref.load %arg26[%swap3A_157] : memref<10xf32, #tpu.memory_space<smem>>
    memref.store %select_n3A_155, %arg26[%swap3A_157] : memref<10xf32, #tpu.memory_space<smem>>
    %slice3A_159 = vector.extract_strided_slice %get3A_8 {offsets = [3], sizes = [1], strides = [1]} : vector<16xf32> to vector<1xf32>
    %squeeze3A_160 = vector.extract %slice3A_159[0] : f32 from vector<1xf32>
    %slice3A_161 = vector.extract_strided_slice %get3A_10 {offsets = [3], sizes = [1], strides = [1]} : vector<16xf32> to vector<1xf32>
    %squeeze3A_162 = vector.extract %slice3A_161[0] : f32 from vector<1xf32>
    %slice3A_163 = vector.extract_strided_slice %get3A_12 {offsets = [3], sizes = [1], strides = [1]} : vector<16xf32> to vector<1xf32>
    %squeeze3A_164 = vector.extract %slice3A_163[0] : f32 from vector<1xf32>
    %eq3A_165 = arith.cmpf oeq, %squeeze3A_160, %squeeze3A_160 : f32
    %eq3A_166 = arith.cmpf oeq, %squeeze3A_162, %squeeze3A_162 : f32
    %and3A_167 = arith.andi %eq3A_165, %eq3A_166 : i1
    %eq3A_168 = arith.cmpf oeq, %squeeze3A_164, %squeeze3A_164 : f32
    %and3A_169 = arith.andi %and3A_167, %eq3A_168 : i1
    %eq3A_170 = arith.cmpf oeq, %squeeze3A_160, %squeeze3A_160 : f32
    %jit3A_171 = arith.constant 0.000000e+00 : f32
    %select_n3A_172 = arith.select %eq3A_170, %squeeze3A_160, %jit3A_171 : f32
    %eq3A_173 = arith.cmpf oeq, %squeeze3A_162, %squeeze3A_162 : f32
    %jit3A_174 = arith.constant 0.000000e+00 : f32
    %select_n3A_175 = arith.select %eq3A_173, %squeeze3A_162, %jit3A_174 : f32
    %eq3A_176 = arith.cmpf oeq, %squeeze3A_164, %squeeze3A_164 : f32
    %jit3A_177 = arith.constant 0.000000e+00 : f32
    %select_n3A_178 = arith.select %eq3A_176, %squeeze3A_164, %jit3A_177 : f32
    %lt3A_179 = arith.constant 1.000000e+00 : f32
    %lt3A_180 = arith.cmpf olt, %select_n3A_178, %lt3A_179 : f32
    %convert_element_type3A_181 = arith.extui %lt3A_180 : i1 to i32
    %convert_element_type3A_182 = arith.sitofp %convert_element_type3A_181 : i32 to f32
    %mul3A_183 = arith.constant -2.000000e+00 : f32
    %mul3A_184 = arith.mulf %mul3A_183, %select_n3A_172 : f32
    %mul3A_185 = arith.constant -2.000000e+00 : f32
    %mul3A_186 = arith.mulf %mul3A_185, %select_n3A_175 : f32
    %mul3A_187 = arith.constant -2.000000e+00 : f32
    %mul3A_188 = arith.mulf %mul3A_187, %convert_element_type3A_182 : f32
    %broadcast_in_dim3A_189 = arith.constant 1.000000e+06 : f32
    %broadcast_in_dim3A_190 = vector.broadcast %broadcast_in_dim3A_189 : f32 to vector<16xf32>
    %swap3A_191 = arith.constant 5 : i32
    %swap3A_192 = arith.constant 3 : i32
    %swap3A_193 = arith.index_cast %swap3A_191 : i32 to index
    %swap3A_194 = arith.index_cast %swap3A_192 : i32 to index
    %swap3A_195 = arith.constant 0 : index
    %swap3A_196 = tpu.vector_load %arg24[%swap3A_193, %swap3A_194, %swap3A_195] {strides = array<i32>} : memref<6x10x16xf32, #tpu.memory_space<vmem>>, vector<16xf32>,
    tpu.vector_store %arg24[%swap3A_193, %swap3A_194, %swap3A_195], %broadcast_in_dim3A_190 {strides = array<i32>} : memref<6x10x16xf32, #tpu.memory_space<vmem>>, vector<16xf32>,
    %broadcast_in_dim3A_197 = arith.constant 0 : i32
    %broadcast_in_dim3A_198 = vector.broadcast %broadcast_in_dim3A_197 : i32 to vector<16xi32>
    %add3A_199 = vector.broadcast %mul3A_2 : i32 to vector<16xi32>
    %add3A_200 = arith.addi %broadcast_in_dim3A_198, %add3A_199 : vector<16xi32>
    %swap3A_201 = arith.constant 3 : i32
    %swap3A_202 = arith.index_cast %swap3A_201 : i32 to index
    %swap3A_203 = arith.constant 0 : index
    %swap3A_204 = tpu.vector_load %arg25[%swap3A_202, %swap3A_203] {strides = array<i32>} : memref<10x16xi32, #tpu.memory_space<vmem>>, vector<16xi32>,
    tpu.vector_store %arg25[%swap3A_202, %swap3A_203], %add3A_200 {strides = array<i32>} : memref<10x16xi32, #tpu.memory_space<vmem>>, vector<16xi32>,
    %jit3A_205 = arith.constant 1.000000e+06 : f32
    %jit3A_206 = arith.constant -1.000000e+06 : f32
    %select_n3A_207 = arith.select %and3A_169, %jit3A_205, %jit3A_206 : f32
    %swap3A_208 = arith.constant 3 : i32
    %swap3A_209 = arith.index_cast %swap3A_208 : i32 to index
    %swap3A_210 = memref.load %arg26[%swap3A_209] : memref<10xf32, #tpu.memory_space<smem>>
    memref.store %select_n3A_207, %arg26[%swap3A_209] : memref<10xf32, #tpu.memory_space<smem>>
    %slice3A_211 = vector.extract_strided_slice %get3A_8 {offsets = [4], sizes = [1], strides = [1]} : vector<16xf32> to vector<1xf32>
    %squeeze3A_212 = vector.extract %slice3A_211[0] : f32 from vector<1xf32>
    %slice3A_213 = vector.extract_strided_slice %get3A_10 {offsets = [4], sizes = [1], strides = [1]} : vector<16xf32> to vector<1xf32>
    %squeeze3A_214 = vector.extract %slice3A_213[0] : f32 from vector<1xf32>
    %slice3A_215 = vector.extract_strided_slice %get3A_12 {offsets = [4], sizes = [1], strides = [1]} : vector<16xf32> to vector<1xf32>
    %squeeze3A_216 = vector.extract %slice3A_215[0] : f32 from vector<1xf32>
    %eq3A_217 = arith.cmpf oeq, %squeeze3A_212, %squeeze3A_212 : f32
    %eq3A_218 = arith.cmpf oeq, %squeeze3A_214, %squeeze3A_214 : f32
    %and3A_219 = arith.andi %eq3A_217, %eq3A_218 : i1
    %eq3A_220 = arith.cmpf oeq, %squeeze3A_216, %squeeze3A_216 : f32
    %and3A_221 = arith.andi %and3A_219, %eq3A_220 : i1
    %eq3A_222 = arith.cmpf oeq, %squeeze3A_212, %squeeze3A_212 : f32
    %jit3A_223 = arith.constant 0.000000e+00 : f32
    %select_n3A_224 = arith.select %eq3A_222, %squeeze3A_212, %jit3A_223 : f32
    %eq3A_225 = arith.cmpf oeq, %squeeze3A_214, %squeeze3A_214 : f32
    %jit3A_226 = arith.constant 0.000000e+00 : f32
    %select_n3A_227 = arith.select %eq3A_225, %squeeze3A_214, %jit3A_226 : f32
    %eq3A_228 = arith.cmpf oeq, %squeeze3A_216, %squeeze3A_216 : f32
    %jit3A_229 = arith.constant 0.000000e+00 : f32
    %select_n3A_230 = arith.select %eq3A_228, %squeeze3A_216, %jit3A_229 : f32
    %lt3A_231 = arith.constant 1.000000e+00 : f32
    %lt3A_232 = arith.cmpf olt, %select_n3A_230, %lt3A_231 : f32
    %convert_element_type3A_233 = arith.extui %lt3A_232 : i1 to i32
    %convert_element_type3A_234 = arith.sitofp %convert_element_type3A_233 : i32 to f32
    %mul3A_235 = arith.constant -2.000000e+00 : f32
    %mul3A_236 = arith.mulf %mul3A_235, %select_n3A_224 : f32
    %mul3A_237 = arith.constant -2.000000e+00 : f32
    %mul3A_238 = arith.mulf %mul3A_237, %select_n3A_227 : f32
    %mul3A_239 = arith.constant -2.000000e+00 : f32
    %mul3A_240 = arith.mulf %mul3A_239, %convert_element_type3A_234 : f32
    %broadcast_in_dim3A_241 = arith.constant 1.000000e+06 : f32
    %broadcast_in_dim3A_242 = vector.broadcast %broadcast_in_dim3A_241 : f32 to vector<16xf32>
    %swap3A_243 = arith.constant 5 : i32
    %swap3A_244 = arith.constant 4 : i32
    %swap3A_245 = arith.index_cast %swap3A_243 : i32 to index
    %swap3A_246 = arith.index_cast %swap3A_244 : i32 to index
    %swap3A_247 = arith.constant 0 : index
    %swap3A_248 = tpu.vector_load %arg24[%swap3A_245, %swap3A_246, %swap3A_247] {strides = array<i32>} : memref<6x10x16xf32, #tpu.memory_space<vmem>>, vector<16xf32>,
    tpu.vector_store %arg24[%swap3A_245, %swap3A_246, %swap3A_247], %broadcast_in_dim3A_242 {strides = array<i32>} : memref<6x10x16xf32, #tpu.memory_space<vmem>>, vector<16xf32>,
    %broadcast_in_dim3A_249 = arith.constant 0 : i32
    %broadcast_in_dim3A_250 = vector.broadcast %broadcast_in_dim3A_249 : i32 to vector<16xi32>
    %add3A_251 = vector.broadcast %mul3A_2 : i32 to vector<16xi32>
    %add3A_252 = arith.addi %broadcast_in_dim3A_250, %add3A_251 : vector<16xi32>
    %swap3A_253 = arith.constant 4 : i32
    %swap3A_254 = arith.index_cast %swap3A_253 : i32 to index
    %swap3A_255 = arith.constant 0 : index
    %swap3A_256 = tpu.vector_load %arg25[%swap3A_254, %swap3A_255] {strides = array<i32>} : memref<10x16xi32, #tpu.memory_space<vmem>>, vector<16xi32>,
    tpu.vector_store %arg25[%swap3A_254, %swap3A_255], %add3A_252 {strides = array<i32>} : memref<10x16xi32, #tpu.memory_space<vmem>>, vector<16xi32>,
    %jit3A_257 = arith.constant 1.000000e+06 : f32
    %jit3A_258 = arith.constant -1.000000e+06 : f32
    %select_n3A_259 = arith.select %and3A_221, %jit3A_257, %jit3A_258 : f32
    %swap3A_260 = arith.constant 4 : i32
    %swap3A_261 = arith.index_cast %swap3A_260 : i32 to index
    %swap3A_262 = memref.load %arg26[%swap3A_261] : memref<10xf32, #tpu.memory_space<smem>>
    memref.store %select_n3A_259, %arg26[%swap3A_261] : memref<10xf32, #tpu.memory_space<smem>>
    %slice3A_263 = vector.extract_strided_slice %get3A_8 {offsets = [5], sizes = [1], strides = [1]} : vector<16xf32> to vector<1xf32>
    %squeeze3A_264 = vector.extract %slice3A_263[0] : f32 from vector<1xf32>
    %slice3A_265 = vector.extract_strided_slice %get3A_10 {offsets = [5], sizes = [1], strides = [1]} : vector<16xf32> to vector<1xf32>
    %squeeze3A_266 = vector.extract %slice3A_265[0] : f32 from vector<1xf32>
    %slice3A_267 = vector.extract_strided_slice %get3A_12 {offsets = [5], sizes = [1], strides = [1]} : vector<16xf32> to vector<1xf32>
    %squeeze3A_268 = vector.extract %slice3A_267[0] : f32 from vector<1xf32>
    %eq3A_269 = arith.cmpf oeq, %squeeze3A_264, %squeeze3A_264 : f32
    %eq3A_270 = arith.cmpf oeq, %squeeze3A_266, %squeeze3A_266 : f32
    %and3A_271 = arith.andi %eq3A_269, %eq3A_270 : i1
    %eq3A_272 = arith.cmpf oeq, %squeeze3A_268, %squeeze3A_268 : f32
    %and3A_273 = arith.andi %and3A_271, %eq3A_272 : i1
    %eq3A_274 = arith.cmpf oeq, %squeeze3A_264, %squeeze3A_264 : f32
    %jit3A_275 = arith.constant 0.000000e+00 : f32
    %select_n3A_276 = arith.select %eq3A_274, %squeeze3A_264, %jit3A_275 : f32
    %eq3A_277 = arith.cmpf oeq, %squeeze3A_266, %squeeze3A_266 : f32
    %jit3A_278 = arith.constant 0.000000e+00 : f32
    %select_n3A_279 = arith.select %eq3A_277, %squeeze3A_266, %jit3A_278 : f32
    %eq3A_280 = arith.cmpf oeq, %squeeze3A_268, %squeeze3A_268 : f32
    %jit3A_281 = arith.constant 0.000000e+00 : f32
    %select_n3A_282 = arith.select %eq3A_280, %squeeze3A_268, %jit3A_281 : f32
    %lt3A_283 = arith.constant 1.000000e+00 : f32
    %lt3A_284 = arith.cmpf olt, %select_n3A_282, %lt3A_283 : f32
    %convert_element_type3A_285 = arith.extui %lt3A_284 : i1 to i32
    %convert_element_type3A_286 = arith.sitofp %convert_element_type3A_285 : i32 to f32
    %mul3A_287 = arith.constant -2.000000e+00 : f32
    %mul3A_288 = arith.mulf %mul3A_287, %select_n3A_276 : f32
    %mul3A_289 = arith.constant -2.000000e+00 : f32
    %mul3A_290 = arith.mulf %mul3A_289, %select_n3A_279 : f32
    %mul3A_291 = arith.constant -2.000000e+00 : f32
    %mul3A_292 = arith.mulf %mul3A_291, %convert_element_type3A_286 : f32
    %broadcast_in_dim3A_293 = arith.constant 1.000000e+06 : f32
    %broadcast_in_dim3A_294 = vector.broadcast %broadcast_in_dim3A_293 : f32 to vector<16xf32>
    %swap3A_295 = arith.constant 5 : i32
    %swap3A_296 = arith.constant 5 : i32
    %swap3A_297 = arith.index_cast %swap3A_295 : i32 to index
    %swap3A_298 = arith.index_cast %swap3A_296 : i32 to index
    %swap3A_299 = arith.constant 0 : index
    %swap3A_300 = tpu.vector_load %arg24[%swap3A_297, %swap3A_298, %swap3A_299] {strides = array<i32>} : memref<6x10x16xf32, #tpu.memory_space<vmem>>, vector<16xf32>,
    tpu.vector_store %arg24[%swap3A_297, %swap3A_298, %swap3A_299], %broadcast_in_dim3A_294 {strides = array<i32>} : memref<6x10x16xf32, #tpu.memory_space<vmem>>, vector<16xf32>,
    %broadcast_in_dim3A_301 = arith.constant 0 : i32
    %broadcast_in_dim3A_302 = vector.broadcast %broadcast_in_dim3A_301 : i32 to vector<16xi32>
    %add3A_303 = vector.broadcast %mul3A_2 : i32 to vector<16xi32>
    %add3A_304 = arith.addi %broadcast_in_dim3A_302, %add3A_303 : vector<16xi32>
    %swap3A_305 = arith.constant 5 : i32
    %swap3A_306 = arith.index_cast %swap3A_305 : i32 to index
    %swap3A_307 = arith.constant 0 : index
    %swap3A_308 = tpu.vector_load %arg25[%swap3A_306, %swap3A_307] {strides = array<i32>} : memref<10x16xi32, #tpu.memory_space<vmem>>, vector<16xi32>,
    tpu.vector_store %arg25[%swap3A_306, %swap3A_307], %add3A_304 {strides = array<i32>} : memref<10x16xi32, #tpu.memory_space<vmem>>, vector<16xi32>,
    %jit3A_309 = arith.constant 1.000000e+06 : f32
    %jit3A_310 = arith.constant -1.000000e+06 : f32
    %select_n3A_311 = arith.select %and3A_273, %jit3A_309, %jit3A_310 : f32
    %swap3A_312 = arith.constant 5 : i32
    %swap3A_313 = arith.index_cast %swap3A_312 : i32 to index
    %swap3A_314 = memref.load %arg26[%swap3A_313] : memref<10xf32, #tpu.memory_space<smem>>
    memref.store %select_n3A_311, %arg26[%swap3A_313] : memref<10xf32, #tpu.memory_space<smem>>
    %slice3A_315 = vector.extract_strided_slice %get3A_8 {offsets = [6], sizes = [1], strides = [1]} : vector<16xf32> to vector<1xf32>
    %squeeze3A_316 = vector.extract %slice3A_315[0] : f32 from vector<1xf32>
    %slice3A_317 = vector.extract_strided_slice %get3A_10 {offsets = [6], sizes = [1], strides = [1]} : vector<16xf32> to vector<1xf32>
    %squeeze3A_318 = vector.extract %slice3A_317[0] : f32 from vector<1xf32>
    %slice3A_319 = vector.extract_strided_slice %get3A_12 {offsets = [6], sizes = [1], strides = [1]} : vector<16xf32> to vector<1xf32>
    %squeeze3A_320 = vector.extract %slice3A_319[0] : f32 from vector<1xf32>
    %eq3A_321 = arith.cmpf oeq, %squeeze3A_316, %squeeze3A_316 : f32
    %eq3A_322 = arith.cmpf oeq, %squeeze3A_318, %squeeze3A_318 : f32
    %and3A_323 = arith.andi %eq3A_321, %eq3A_322 : i1
    %eq3A_324 = arith.cmpf oeq, %squeeze3A_320, %squeeze3A_320 : f32
    %and3A_325 = arith.andi %and3A_323, %eq3A_324 : i1
    %eq3A_326 = arith.cmpf oeq, %squeeze3A_316, %squeeze3A_316 : f32
    %jit3A_327 = arith.constant 0.000000e+00 : f32
    %select_n3A_328 = arith.select %eq3A_326, %squeeze3A_316, %jit3A_327 : f32
    %eq3A_329 = arith.cmpf oeq, %squeeze3A_318, %squeeze3A_318 : f32
    %jit3A_330 = arith.constant 0.000000e+00 : f32
    %select_n3A_331 = arith.select %eq3A_329, %squeeze3A_318, %jit3A_330 : f32
    %eq3A_332 = arith.cmpf oeq, %squeeze3A_320, %squeeze3A_320 : f32
    %jit3A_333 = arith.constant 0.000000e+00 : f32
    %select_n3A_334 = arith.select %eq3A_332, %squeeze3A_320, %jit3A_333 : f32
    %lt3A_335 = arith.constant 1.000000e+00 : f32
    %lt3A_336 = arith.cmpf olt, %select_n3A_334, %lt3A_335 : f32
    %convert_element_type3A_337 = arith.extui %lt3A_336 : i1 to i32
    %convert_element_type3A_338 = arith.sitofp %convert_element_type3A_337 : i32 to f32
    %mul3A_339 = arith.constant -2.000000e+00 : f32
    %mul3A_340 = arith.mulf %mul3A_339, %select_n3A_328 : f32
    %mul3A_341 = arith.constant -2.000000e+00 : f32
    %mul3A_342 = arith.mulf %mul3A_341, %select_n3A_331 : f32
    %mul3A_343 = arith.constant -2.000000e+00 : f32
    %mul3A_344 = arith.mulf %mul3A_343, %convert_element_type3A_338 : f32
    %broadcast_in_dim3A_345 = arith.constant 1.000000e+06 : f32
    %broadcast_in_dim3A_346 = vector.broadcast %broadcast_in_dim3A_345 : f32 to vector<16xf32>
    %swap3A_347 = arith.constant 5 : i32
    %swap3A_348 = arith.constant 6 : i32
    %swap3A_349 = arith.index_cast %swap3A_347 : i32 to index
    %swap3A_350 = arith.index_cast %swap3A_348 : i32 to index
    %swap3A_351 = arith.constant 0 : index
    %swap3A_352 = tpu.vector_load %arg24[%swap3A_349, %swap3A_350, %swap3A_351] {strides = array<i32>} : memref<6x10x16xf32, #tpu.memory_space<vmem>>, vector<16xf32>,
    tpu.vector_store %arg24[%swap3A_349, %swap3A_350, %swap3A_351], %broadcast_in_dim3A_346 {strides = array<i32>} : memref<6x10x16xf32, #tpu.memory_space<vmem>>, vector<16xf32>,
    %broadcast_in_dim3A_353 = arith.constant 0 : i32
    %broadcast_in_dim3A_354 = vector.broadcast %broadcast_in_dim3A_353 : i32 to vector<16xi32>
    %add3A_355 = vector.broadcast %mul3A_2 : i32 to vector<16xi32>
    %add3A_356 = arith.addi %broadcast_in_dim3A_354, %add3A_355 : vector<16xi32>
    %swap3A_357 = arith.constant 6 : i32
    %swap3A_358 = arith.index_cast %swap3A_357 : i32 to index
    %swap3A_359 = arith.constant 0 : index
    %swap3A_360 = tpu.vector_load %arg25[%swap3A_358, %swap3A_359] {strides = array<i32>} : memref<10x16xi32, #tpu.memory_space<vmem>>, vector<16xi32>,
    tpu.vector_store %arg25[%swap3A_358, %swap3A_359], %add3A_356 {strides = array<i32>} : memref<10x16xi32, #tpu.memory_space<vmem>>, vector<16xi32>,
    %jit3A_361 = arith.constant 1.000000e+06 : f32
    %jit3A_362 = arith.constant -1.000000e+06 : f32
    %select_n3A_363 = arith.select %and3A_325, %jit3A_361, %jit3A_362 : f32
    %swap3A_364 = arith.constant 6 : i32
    %swap3A_365 = arith.index_cast %swap3A_364 : i32 to index
    %swap3A_366 = memref.load %arg26[%swap3A_365] : memref<10xf32, #tpu.memory_space<smem>>
    memref.store %select_n3A_363, %arg26[%swap3A_365] : memref<10xf32, #tpu.memory_space<smem>>
    %slice3A_367 = vector.extract_strided_slice %get3A_8 {offsets = [7], sizes = [1], strides = [1]} : vector<16xf32> to vector<1xf32>
    %squeeze3A_368 = vector.extract %slice3A_367[0] : f32 from vector<1xf32>
    %slice3A_369 = vector.extract_strided_slice %get3A_10 {offsets = [7], sizes = [1], strides = [1]} : vector<16xf32> to vector<1xf32>
    %squeeze3A_370 = vector.extract %slice3A_369[0] : f32 from vector<1xf32>
    %slice3A_371 = vector.extract_strided_slice %get3A_12 {offsets = [7], sizes = [1], strides = [1]} : vector<16xf32> to vector<1xf32>
    %squeeze3A_372 = vector.extract %slice3A_371[0] : f32 from vector<1xf32>
    %eq3A_373 = arith.cmpf oeq, %squeeze3A_368, %squeeze3A_368 : f32
    %eq3A_374 = arith.cmpf oeq, %squeeze3A_370, %squeeze3A_370 : f32
    %and3A_375 = arith.andi %eq3A_373, %eq3A_374 : i1
    %eq3A_376 = arith.cmpf oeq, %squeeze3A_372, %squeeze3A_372 : f32
    %and3A_377 = arith.andi %and3A_375, %eq3A_376 : i1
    %eq3A_378 = arith.cmpf oeq, %squeeze3A_368, %squeeze3A_368 : f32
    %jit3A_379 = arith.constant 0.000000e+00 : f32
    %select_n3A_380 = arith.select %eq3A_378, %squeeze3A_368, %jit3A_379 : f32
    %eq3A_381 = arith.cmpf oeq, %squeeze3A_370, %squeeze3A_370 : f32
    %jit3A_382 = arith.constant 0.000000e+00 : f32
    %select_n3A_383 = arith.select %eq3A_381, %squeeze3A_370, %jit3A_382 : f32
    %eq3A_384 = arith.cmpf oeq, %squeeze3A_372, %squeeze3A_372 : f32
    %jit3A_385 = arith.constant 0.000000e+00 : f32
    %select_n3A_386 = arith.select %eq3A_384, %squeeze3A_372, %jit3A_385 : f32
    %lt3A_387 = arith.constant 1.000000e+00 : f32
    %lt3A_388 = arith.cmpf olt, %select_n3A_386, %lt3A_387 : f32
    %convert_element_type3A_389 = arith.extui %lt3A_388 : i1 to i32
    %convert_element_type3A_390 = arith.sitofp %convert_element_type3A_389 : i32 to f32
    %mul3A_391 = arith.constant -2.000000e+00 : f32
    %mul3A_392 = arith.mulf %mul3A_391, %select_n3A_380 : f32
    %mul3A_393 = arith.constant -2.000000e+00 : f32
    %mul3A_394 = arith.mulf %mul3A_393, %select_n3A_383 : f32
    %mul3A_395 = arith.constant -2.000000e+00 : f32
    %mul3A_396 = arith.mulf %mul3A_395, %convert_element_type3A_390 : f32
    %broadcast_in_dim3A_397 = arith.constant 1.000000e+06 : f32
    %broadcast_in_dim3A_398 = vector.broadcast %broadcast_in_dim3A_397 : f32 to vector<16xf32>
    %swap3A_399 = arith.constant 5 : i32
    %swap3A_400 = arith.constant 7 : i32
    %swap3A_401 = arith.index_cast %swap3A_399 : i32 to index
    %swap3A_402 = arith.index_cast %swap3A_400 : i32 to index
    %swap3A_403 = arith.constant 0 : index
    %swap3A_404 = tpu.vector_load %arg24[%swap3A_401, %swap3A_402, %swap3A_403] {strides = array<i32>} : memref<6x10x16xf32, #tpu.memory_space<vmem>>, vector<16xf32>,
    tpu.vector_store %arg24[%swap3A_401, %swap3A_402, %swap3A_403], %broadcast_in_dim3A_398 {strides = array<i32>} : memref<6x10x16xf32, #tpu.memory_space<vmem>>, vector<16xf32>,
    %broadcast_in_dim3A_405 = arith.constant 0 : i32
    %broadcast_in_dim3A_406 = vector.broadcast %broadcast_in_dim3A_405 : i32 to vector<16xi32>
    %add3A_407 = vector.broadcast %mul3A_2 : i32 to vector<16xi32>
    %add3A_408 = arith.addi %broadcast_in_dim3A_406, %add3A_407 : vector<16xi32>
    %swap3A_409 = arith.constant 7 : i32
    %swap3A_410 = arith.index_cast %swap3A_409 : i32 to index
    %swap3A_411 = arith.constant 0 : index
    %swap3A_412 = tpu.vector_load %arg25[%swap3A_410, %swap3A_411] {strides = array<i32>} : memref<10x16xi32, #tpu.memory_space<vmem>>, vector<16xi32>,
    tpu.vector_store %arg25[%swap3A_410, %swap3A_411], %add3A_408 {strides = array<i32>} : memref<10x16xi32, #tpu.memory_space<vmem>>, vector<16xi32>,
    %jit3A_413 = arith.constant 1.000000e+06 : f32
    %jit3A_414 = arith.constant -1.000000e+06 : f32
    %select_n3A_415 = arith.select %and3A_377, %jit3A_413, %jit3A_414 : f32
    %swap3A_416 = arith.constant 7 : i32
    %swap3A_417 = arith.index_cast %swap3A_416 : i32 to index
    %swap3A_418 = memref.load %arg26[%swap3A_417] : memref<10xf32, #tpu.memory_space<smem>>
    memref.store %select_n3A_415, %arg26[%swap3A_417] : memref<10xf32, #tpu.memory_space<smem>>
    %slice3A_419 = vector.extract_strided_slice %get3A_8 {offsets = [8], sizes = [1], strides = [1]} : vector<16xf32> to vector<1xf32>
    %squeeze3A_420 = vector.extract %slice3A_419[0] : f32 from vector<1xf32>
    %slice3A_421 = vector.extract_strided_slice %get3A_10 {offsets = [8], sizes = [1], strides = [1]} : vector<16xf32> to vector<1xf32>
    %squeeze3A_422 = vector.extract %slice3A_421[0] : f32 from vector<1xf32>
    %slice3A_423 = vector.extract_strided_slice %get3A_12 {offsets = [8], sizes = [1], strides = [1]} : vector<16xf32> to vector<1xf32>
    %squeeze3A_424 = vector.extract %slice3A_423[0] : f32 from vector<1xf32>
    %eq3A_425 = arith.cmpf oeq, %squeeze3A_420, %squeeze3A_420 : f32
    %eq3A_426 = arith.cmpf oeq, %squeeze3A_422, %squeeze3A_422 : f32
    %and3A_427 = arith.andi %eq3A_425, %eq3A_426 : i1
    %eq3A_428 = arith.cmpf oeq, %squeeze3A_424, %squeeze3A_424 : f32
    %and3A_429 = arith.andi %and3A_427, %eq3A_428 : i1
    %eq3A_430 = arith.cmpf oeq, %squeeze3A_420, %squeeze3A_420 : f32
    %jit3A_431 = arith.constant 0.000000e+00 : f32
    %select_n3A_432 = arith.select %eq3A_430, %squeeze3A_420, %jit3A_431 : f32
    %eq3A_433 = arith.cmpf oeq, %squeeze3A_422, %squeeze3A_422 : f32
    %jit3A_434 = arith.constant 0.000000e+00 : f32
    %select_n3A_435 = arith.select %eq3A_433, %squeeze3A_422, %jit3A_434 : f32
    %eq3A_436 = arith.cmpf oeq, %squeeze3A_424, %squeeze3A_424 : f32
    %jit3A_437 = arith.constant 0.000000e+00 : f32
    %select_n3A_438 = arith.select %eq3A_436, %squeeze3A_424, %jit3A_437 : f32
    %lt3A_439 = arith.constant 1.000000e+00 : f32
    %lt3A_440 = arith.cmpf olt, %select_n3A_438, %lt3A_439 : f32
    %convert_element_type3A_441 = arith.extui %lt3A_440 : i1 to i32
    %convert_element_type3A_442 = arith.sitofp %convert_element_type3A_441 : i32 to f32
    %mul3A_443 = arith.constant -2.000000e+00 : f32
    %mul3A_444 = arith.mulf %mul3A_443, %select_n3A_432 : f32
    %mul3A_445 = arith.constant -2.000000e+00 : f32
    %mul3A_446 = arith.mulf %mul3A_445, %select_n3A_435 : f32
    %mul3A_447 = arith.constant -2.000000e+00 : f32
    %mul3A_448 = arith.mulf %mul3A_447, %convert_element_type3A_442 : f32
    %broadcast_in_dim3A_449 = arith.constant 1.000000e+06 : f32
    %broadcast_in_dim3A_450 = vector.broadcast %broadcast_in_dim3A_449 : f32 to vector<16xf32>
    %swap3A_451 = arith.constant 5 : i32
    %swap3A_452 = arith.constant 8 : i32
    %swap3A_453 = arith.index_cast %swap3A_451 : i32 to index
    %swap3A_454 = arith.index_cast %swap3A_452 : i32 to index
    %swap3A_455 = arith.constant 0 : index
    %swap3A_456 = tpu.vector_load %arg24[%swap3A_453, %swap3A_454, %swap3A_455] {strides = array<i32>} : memref<6x10x16xf32, #tpu.memory_space<vmem>>, vector<16xf32>,
    tpu.vector_store %arg24[%swap3A_453, %swap3A_454, %swap3A_455], %broadcast_in_dim3A_450 {strides = array<i32>} : memref<6x10x16xf32, #tpu.memory_space<vmem>>, vector<16xf32>,
    %broadcast_in_dim3A_457 = arith.constant 0 : i32
    %broadcast_in_dim3A_458 = vector.broadcast %broadcast_in_dim3A_457 : i32 to vector<16xi32>
    %add3A_459 = vector.broadcast %mul3A_2 : i32 to vector<16xi32>
    %add3A_460 = arith.addi %broadcast_in_dim3A_458, %add3A_459 : vector<16xi32>
    %swap3A_461 = arith.constant 8 : i32
    %swap3A_462 = arith.index_cast %swap3A_461 : i32 to index
    %swap3A_463 = arith.constant 0 : index
    %swap3A_464 = tpu.vector_load %arg25[%swap3A_462, %swap3A_463] {strides = array<i32>} : memref<10x16xi32, #tpu.memory_space<vmem>>, vector<16xi32>,
    tpu.vector_store %arg25[%swap3A_462, %swap3A_463], %add3A_460 {strides = array<i32>} : memref<10x16xi32, #tpu.memory_space<vmem>>, vector<16xi32>,
    %jit3A_465 = arith.constant 1.000000e+06 : f32
    %jit3A_466 = arith.constant -1.000000e+06 : f32
    %select_n3A_467 = arith.select %and3A_429, %jit3A_465, %jit3A_466 : f32
    %swap3A_468 = arith.constant 8 : i32
    %swap3A_469 = arith.index_cast %swap3A_468 : i32 to index
    %swap3A_470 = memref.load %arg26[%swap3A_469] : memref<10xf32, #tpu.memory_space<smem>>
    memref.store %select_n3A_467, %arg26[%swap3A_469] : memref<10xf32, #tpu.memory_space<smem>>
    %slice3A_471 = vector.extract_strided_slice %get3A_8 {offsets = [9], sizes = [1], strides = [1]} : vector<16xf32> to vector<1xf32>
    %squeeze3A_472 = vector.extract %slice3A_471[0] : f32 from vector<1xf32>
    %slice3A_473 = vector.extract_strided_slice %get3A_10 {offsets = [9], sizes = [1], strides = [1]} : vector<16xf32> to vector<1xf32>
    %squeeze3A_474 = vector.extract %slice3A_473[0] : f32 from vector<1xf32>
    %slice3A_475 = vector.extract_strided_slice %get3A_12 {offsets = [9], sizes = [1], strides = [1]} : vector<16xf32> to vector<1xf32>
    %squeeze3A_476 = vector.extract %slice3A_475[0] : f32 from vector<1xf32>
    %eq3A_477 = arith.cmpf oeq, %squeeze3A_472, %squeeze3A_472 : f32
    %eq3A_478 = arith.cmpf oeq, %squeeze3A_474, %squeeze3A_474 : f32
    %and3A_479 = arith.andi %eq3A_477, %eq3A_478 : i1
    %eq3A_480 = arith.cmpf oeq, %squeeze3A_476, %squeeze3A_476 : f32
    %and3A_481 = arith.andi %and3A_479, %eq3A_480 : i1
    %eq3A_482 = arith.cmpf oeq, %squeeze3A_472, %squeeze3A_472 : f32
    %jit3A_483 = arith.constant 0.000000e+00 : f32
    %select_n3A_484 = arith.select %eq3A_482, %squeeze3A_472, %jit3A_483 : f32
    %eq3A_485 = arith.cmpf oeq, %squeeze3A_474, %squeeze3A_474 : f32
    %jit3A_486 = arith.constant 0.000000e+00 : f32
    %select_n3A_487 = arith.select %eq3A_485, %squeeze3A_474, %jit3A_486 : f32
    %eq3A_488 = arith.cmpf oeq, %squeeze3A_476, %squeeze3A_476 : f32
    %jit3A_489 = arith.constant 0.000000e+00 : f32
    %select_n3A_490 = arith.select %eq3A_488, %squeeze3A_476, %jit3A_489 : f32
    %lt3A_491 = arith.constant 1.000000e+00 : f32
    %lt3A_492 = arith.cmpf olt, %select_n3A_490, %lt3A_491 : f32
    %convert_element_type3A_493 = arith.extui %lt3A_492 : i1 to i32
    %convert_element_type3A_494 = arith.sitofp %convert_element_type3A_493 : i32 to f32
    %mul3A_495 = arith.constant -2.000000e+00 : f32
    %mul3A_496 = arith.mulf %mul3A_495, %select_n3A_484 : f32
    %mul3A_497 = arith.constant -2.000000e+00 : f32
    %mul3A_498 = arith.mulf %mul3A_497, %select_n3A_487 : f32
    %mul3A_499 = arith.constant -2.000000e+00 : f32
    %mul3A_500 = arith.mulf %mul3A_499, %convert_element_type3A_494 : f32
    %broadcast_in_dim3A_501 = arith.constant 1.000000e+06 : f32
    %broadcast_in_dim3A_502 = vector.broadcast %broadcast_in_dim3A_501 : f32 to vector<16xf32>
    %swap3A_503 = arith.constant 5 : i32
    %swap3A_504 = arith.constant 9 : i32
    %swap3A_505 = arith.index_cast %swap3A_503 : i32 to index
    %swap3A_506 = arith.index_cast %swap3A_504 : i32 to index
    %swap3A_507 = arith.constant 0 : index
    %swap3A_508 = tpu.vector_load %arg24[%swap3A_505, %swap3A_506, %swap3A_507] {strides = array<i32>} : memref<6x10x16xf32, #tpu.memory_space<vmem>>, vector<16xf32>,
    tpu.vector_store %arg24[%swap3A_505, %swap3A_506, %swap3A_507], %broadcast_in_dim3A_502 {strides = array<i32>} : memref<6x10x16xf32, #tpu.memory_space<vmem>>, vector<16xf32>,
    %broadcast_in_dim3A_509 = arith.constant 0 : i32
    %broadcast_in_dim3A_510 = vector.broadcast %broadcast_in_dim3A_509 : i32 to vector<16xi32>
    %add3A_511 = vector.broadcast %mul3A_2 : i32 to vector<16xi32>
    %add3A_512 = arith.addi %broadcast_in_dim3A_510, %add3A_511 : vector<16xi32>
    %swap3A_513 = arith.constant 9 : i32
    %swap3A_514 = arith.index_cast %swap3A_513 : i32 to index
    %swap3A_515 = arith.constant 0 : index
    %swap3A_516 = tpu.vector_load %arg25[%swap3A_514, %swap3A_515] {strides = array<i32>} : memref<10x16xi32, #tpu.memory_space<vmem>>, vector<16xi32>,
    tpu.vector_store %arg25[%swap3A_514, %swap3A_515], %add3A_512 {strides = array<i32>} : memref<10x16xi32, #tpu.memory_space<vmem>>, vector<16xi32>,
    %jit3A_517 = arith.constant 1.000000e+06 : f32
    %jit3A_518 = arith.constant -1.000000e+06 : f32
    %select_n3A_519 = arith.select %and3A_481, %jit3A_517, %jit3A_518 : f32
    %swap3A_520 = arith.constant 9 : i32
    %swap3A_521 = arith.index_cast %swap3A_520 : i32 to index
    %swap3A_522 = memref.load %arg26[%swap3A_521] : memref<10xf32, #tpu.memory_space<smem>>
    memref.store %select_n3A_519, %arg26[%swap3A_521] : memref<10xf32, #tpu.memory_space<smem>>
    %scan3A_523 = arith.constant 0 : i32
    %scan3A_524 = arith.constant 0 : i32
    %scan3A_525 = arith.constant 625 : i32
    %scan3A_526 = arith.addi %scan3A_524, %scan3A_525 : i32
    %scan3A_527 = arith.constant 1 : i32
    scf.for %scan3A_937 = %scan3A_524 to %scan3A_526 step %scan3A_527  : i32 {
      %mul3A_938 = arith.constant 16 : i32
      %mul3A_939 = arith.muli %scan3A_937, %mul3A_938 : i32
      %get3A_940 = arith.index_cast %mul3A_939 : i32 to index
      %get3A_941 = tpu.vector_load %arg17[%get3A_940] {strides = array<i32>} : memref<10000xf32, #tpu.memory_space<vmem>>, vector<16xf32>,
      %get3A_942 = arith.index_cast %mul3A_939 : i32 to index
      %get3A_943 = tpu.vector_load %arg18[%get3A_942] {strides = array<i32>} : memref<10000xf32, #tpu.memory_space<vmem>>, vector<16xf32>,
      %get3A_944 = arith.index_cast %mul3A_939 : i32 to index
      %get3A_945 = tpu.vector_load %arg19[%get3A_944] {strides = array<i32>} : memref<10000xf32, #tpu.memory_space<vmem>>, vector<16xf32>,
      %get3A_946 = arith.index_cast %mul3A_939 : i32 to index
      %get3A_947 = tpu.vector_load %arg20[%get3A_946] {strides = array<i32>} : memref<10000xf32, #tpu.memory_space<vmem>>, vector<16xf32>,
      %mul3A_948 = vector.broadcast %mul3A_30 : f32 to vector<16xf32>
      %mul3A_949 = arith.mulf %mul3A_948, %get3A_941 : vector<16xf32>
      %mul3A_950 = vector.broadcast %mul3A_32 : f32 to vector<16xf32>
      %mul3A_951 = arith.mulf %mul3A_950, %get3A_943 : vector<16xf32>
      %add3A_952 = arith.addf %mul3A_949, %mul3A_951 : vector<16xf32>
      %add3A_953 = arith.addf %get3A_947, %add3A_952 : vector<16xf32>
      %mul3A_954 = vector.broadcast %mul3A_34 : f32 to vector<16xf32>
      %mul3A_955 = arith.mulf %mul3A_954, %get3A_945 : vector<16xf32>
      %add3A_956 = arith.addf %add3A_953, %mul3A_955 : vector<16xf32>
      %get3A_957 = arith.constant 0 : i32
      %get3A_958 = arith.index_cast %get3A_957 : i32 to index
      %get3A_959 = memref.load %arg26[%get3A_958] : memref<10xf32, #tpu.memory_space<smem>>
      %lt3A_960 = vector.broadcast %get3A_959 : f32 to vector<16xf32>
      %lt3A_961 = arith.cmpf olt, %add3A_956, %lt3A_960 : vector<16xf32>
      %reduce_or3A = arith.constant 1.000000e+00 : f32
      %reduce_or3A_962 = arith.constant 0.000000e+00 : f32
      %reduce_or3A_963 = vector.broadcast %reduce_or3A : f32 to vector<16xf32>
      %reduce_or3A_964 = vector.broadcast %reduce_or3A_962 : f32 to vector<16xf32>
      %reduce_or3A_965 = arith.select %lt3A_961, %reduce_or3A_963, %reduce_or3A_964 : vector<16xi1>, vector<16xf32>
      %reduce_or3A_966 = arith.constant true
      %reduce_or3A_967 = vector.broadcast %reduce_or3A_966 : i1 to vector<16xi1>
      %reduce_or3A_968 = tpu.scan <max>, %reduce_or3A_965 masked %reduce_or3A_967 : vector<16xf32>, vector<16xi1> -> vector<16xf32>
      %reduce_or3A_969 = vector.extract %reduce_or3A_968[15] : f32 from vector<16xf32>
      %reduce_or3A_970 = arith.constant 0.000000e+00 : f32
      %reduce_or3A_971 = arith.cmpf ogt, %reduce_or3A_969, %reduce_or3A_970 : f32
      %mul3A_972 = vector.broadcast %mul3A_80 : f32 to vector<16xf32>
      %mul3A_973 = arith.mulf %mul3A_972, %get3A_941 : vector<16xf32>
      %mul3A_974 = vector.broadcast %mul3A_82 : f32 to vector<16xf32>
      %mul3A_975 = arith.mulf %mul3A_974, %get3A_943 : vector<16xf32>
      %add3A_976 = arith.addf %mul3A_973, %mul3A_975 : vector<16xf32>
      %add3A_977 = arith.addf %get3A_947, %add3A_976 : vector<16xf32>
      %mul3A_978 = vector.broadcast %mul3A_84 : f32 to vector<16xf32>
      %mul3A_979 = arith.mulf %mul3A_978, %get3A_945 : vector<16xf32>
      %add3A_980 = arith.addf %add3A_977, %mul3A_979 : vector<16xf32>
      %get3A_981 = arith.constant 1 : i32
      %get3A_982 = arith.index_cast %get3A_981 : i32 to index
      %get3A_983 = memref.load %arg26[%get3A_982] : memref<10xf32, #tpu.memory_space<smem>>
      %lt3A_984 = vector.broadcast %get3A_983 : f32 to vector<16xf32>
      %lt3A_985 = arith.cmpf olt, %add3A_980, %lt3A_984 : vector<16xf32>
      %reduce_or3A_986 = arith.constant 1.000000e+00 : f32
      %reduce_or3A_987 = arith.constant 0.000000e+00 : f32
      %reduce_or3A_988 = vector.broadcast %reduce_or3A_986 : f32 to vector<16xf32>
      %reduce_or3A_989 = vector.broadcast %reduce_or3A_987 : f32 to vector<16xf32>
      %reduce_or3A_990 = arith.select %lt3A_985, %reduce_or3A_988, %reduce_or3A_989 : vector<16xi1>, vector<16xf32>
      %reduce_or3A_991 = arith.constant true
      %reduce_or3A_992 = vector.broadcast %reduce_or3A_991 : i1 to vector<16xi1>
      %reduce_or3A_993 = tpu.scan <max>, %reduce_or3A_990 masked %reduce_or3A_992 : vector<16xf32>, vector<16xi1> -> vector<16xf32>
      %reduce_or3A_994 = vector.extract %reduce_or3A_993[15] : f32 from vector<16xf32>
      %reduce_or3A_995 = arith.constant 0.000000e+00 : f32
      %reduce_or3A_996 = arith.cmpf ogt, %reduce_or3A_994, %reduce_or3A_995 : f32
      %mul3A_997 = vector.broadcast %mul3A_132 : f32 to vector<16xf32>
      %mul3A_998 = arith.mulf %mul3A_997, %get3A_941 : vector<16xf32>
      %mul3A_999 = vector.broadcast %mul3A_134 : f32 to vector<16xf32>
      %mul3A_1000 = arith.mulf %mul3A_999, %get3A_943 : vector<16xf32>
      %add3A_1001 = arith.addf %mul3A_998, %mul3A_1000 : vector<16xf32>
      %add3A_1002 = arith.addf %get3A_947, %add3A_1001 : vector<16xf32>
      %mul3A_1003 = vector.broadcast %mul3A_136 : f32 to vector<16xf32>
      %mul3A_1004 = arith.mulf %mul3A_1003, %get3A_945 : vector<16xf32>
      %add3A_1005 = arith.addf %add3A_1002, %mul3A_1004 : vector<16xf32>
      %get3A_1006 = arith.constant 2 : i32
      %get3A_1007 = arith.index_cast %get3A_1006 : i32 to index
      %get3A_1008 = memref.load %arg26[%get3A_1007] : memref<10xf32, #tpu.memory_space<smem>>
      %lt3A_1009 = vector.broadcast %get3A_1008 : f32 to vector<16xf32>
      %lt3A_1010 = arith.cmpf olt, %add3A_1005, %lt3A_1009 : vector<16xf32>
      %reduce_or3A_1011 = arith.constant 1.000000e+00 : f32
      %reduce_or3A_1012 = arith.constant 0.000000e+00 : f32
      %reduce_or3A_1013 = vector.broadcast %reduce_or3A_1011 : f32 to vector<16xf32>
      %reduce_or3A_1014 = vector.broadcast %reduce_or3A_1012 : f32 to vector<16xf32>
      %reduce_or3A_1015 = arith.select %lt3A_1010, %reduce_or3A_1013, %reduce_or3A_1014 : vector<16xi1>, vector<16xf32>
      %reduce_or3A_1016 = arith.constant true
      %reduce_or3A_1017 = vector.broadcast %reduce_or3A_1016 : i1 to vector<16xi1>
      %reduce_or3A_1018 = tpu.scan <max>, %reduce_or3A_1015 masked %reduce_or3A_1017 : vector<16xf32>, vector<16xi1> -> vector<16xf32>
      %reduce_or3A_1019 = vector.extract %reduce_or3A_1018[15] : f32 from vector<16xf32>
      %reduce_or3A_1020 = arith.constant 0.000000e+00 : f32
      %reduce_or3A_1021 = arith.cmpf ogt, %reduce_or3A_1019, %reduce_or3A_1020 : f32
      %mul3A_1022 = vector.broadcast %mul3A_184 : f32 to vector<16xf32>
      %mul3A_1023 = arith.mulf %mul3A_1022, %get3A_941 : vector<16xf32>
      %mul3A_1024 = vector.broadcast %mul3A_186 : f32 to vector<16xf32>
      %mul3A_1025 = arith.mulf %mul3A_1024, %get3A_943 : vector<16xf32>
      %add3A_1026 = arith.addf %mul3A_1023, %mul3A_1025 : vector<16xf32>
      %add3A_1027 = arith.addf %get3A_947, %add3A_1026 : vector<16xf32>
      %mul3A_1028 = vector.broadcast %mul3A_188 : f32 to vector<16xf32>
      %mul3A_1029 = arith.mulf %mul3A_1028, %get3A_945 : vector<16xf32>
      %add3A_1030 = arith.addf %add3A_1027, %mul3A_1029 : vector<16xf32>
      %get3A_1031 = arith.constant 3 : i32
      %get3A_1032 = arith.index_cast %get3A_1031 : i32 to index
      %get3A_1033 = memref.load %arg26[%get3A_1032] : memref<10xf32, #tpu.memory_space<smem>>
      %lt3A_1034 = vector.broadcast %get3A_1033 : f32 to vector<16xf32>
      %lt3A_1035 = arith.cmpf olt, %add3A_1030, %lt3A_1034 : vector<16xf32>
      %reduce_or3A_1036 = arith.constant 1.000000e+00 : f32
      %reduce_or3A_1037 = arith.constant 0.000000e+00 : f32
      %reduce_or3A_1038 = vector.broadcast %reduce_or3A_1036 : f32 to vector<16xf32>
      %reduce_or3A_1039 = vector.broadcast %reduce_or3A_1037 : f32 to vector<16xf32>
      %reduce_or3A_1040 = arith.select %lt3A_1035, %reduce_or3A_1038, %reduce_or3A_1039 : vector<16xi1>, vector<16xf32>
      %reduce_or3A_1041 = arith.constant true
      %reduce_or3A_1042 = vector.broadcast %reduce_or3A_1041 : i1 to vector<16xi1>
      %reduce_or3A_1043 = tpu.scan <max>, %reduce_or3A_1040 masked %reduce_or3A_1042 : vector<16xf32>, vector<16xi1> -> vector<16xf32>
      %reduce_or3A_1044 = vector.extract %reduce_or3A_1043[15] : f32 from vector<16xf32>
      %reduce_or3A_1045 = arith.constant 0.000000e+00 : f32
      %reduce_or3A_1046 = arith.cmpf ogt, %reduce_or3A_1044, %reduce_or3A_1045 : f32
      %mul3A_1047 = vector.broadcast %mul3A_236 : f32 to vector<16xf32>
      %mul3A_1048 = arith.mulf %mul3A_1047, %get3A_941 : vector<16xf32>
      %mul3A_1049 = vector.broadcast %mul3A_238 : f32 to vector<16xf32>
      %mul3A_1050 = arith.mulf %mul3A_1049, %get3A_943 : vector<16xf32>
      %add3A_1051 = arith.addf %mul3A_1048, %mul3A_1050 : vector<16xf32>
      %add3A_1052 = arith.addf %get3A_947, %add3A_1051 : vector<16xf32>
      %mul3A_1053 = vector.broadcast %mul3A_240 : f32 to vector<16xf32>
      %mul3A_1054 = arith.mulf %mul3A_1053, %get3A_945 : vector<16xf32>
      %add3A_1055 = arith.addf %add3A_1052, %mul3A_1054 : vector<16xf32>
      %get3A_1056 = arith.constant 4 : i32
      %get3A_1057 = arith.index_cast %get3A_1056 : i32 to index
      %get3A_1058 = memref.load %arg26[%get3A_1057] : memref<10xf32, #tpu.memory_space<smem>>
      %lt3A_1059 = vector.broadcast %get3A_1058 : f32 to vector<16xf32>
      %lt3A_1060 = arith.cmpf olt, %add3A_1055, %lt3A_1059 : vector<16xf32>
      %reduce_or3A_1061 = arith.constant 1.000000e+00 : f32
      %reduce_or3A_1062 = arith.constant 0.000000e+00 : f32
      %reduce_or3A_1063 = vector.broadcast %reduce_or3A_1061 : f32 to vector<16xf32>
      %reduce_or3A_1064 = vector.broadcast %reduce_or3A_1062 : f32 to vector<16xf32>
      %reduce_or3A_1065 = arith.select %lt3A_1060, %reduce_or3A_1063, %reduce_or3A_1064 : vector<16xi1>, vector<16xf32>
      %reduce_or3A_1066 = arith.constant true
      %reduce_or3A_1067 = vector.broadcast %reduce_or3A_1066 : i1 to vector<16xi1>
      %reduce_or3A_1068 = tpu.scan <max>, %reduce_or3A_1065 masked %reduce_or3A_1067 : vector<16xf32>, vector<16xi1> -> vector<16xf32>
      %reduce_or3A_1069 = vector.extract %reduce_or3A_1068[15] : f32 from vector<16xf32>
      %reduce_or3A_1070 = arith.constant 0.000000e+00 : f32
      %reduce_or3A_1071 = arith.cmpf ogt, %reduce_or3A_1069, %reduce_or3A_1070 : f32
      %mul3A_1072 = vector.broadcast %mul3A_288 : f32 to vector<16xf32>
      %mul3A_1073 = arith.mulf %mul3A_1072, %get3A_941 : vector<16xf32>
      %mul3A_1074 = vector.broadcast %mul3A_290 : f32 to vector<16xf32>
      %mul3A_1075 = arith.mulf %mul3A_1074, %get3A_943 : vector<16xf32>
      %add3A_1076 = arith.addf %mul3A_1073, %mul3A_1075 : vector<16xf32>
      %add3A_1077 = arith.addf %get3A_947, %add3A_1076 : vector<16xf32>
      %mul3A_1078 = vector.broadcast %mul3A_292 : f32 to vector<16xf32>
      %mul3A_1079 = arith.mulf %mul3A_1078, %get3A_945 : vector<16xf32>
      %add3A_1080 = arith.addf %add3A_1077, %mul3A_1079 : vector<16xf32>
      %get3A_1081 = arith.constant 5 : i32
      %get3A_1082 = arith.index_cast %get3A_1081 : i32 to index
      %get3A_1083 = memref.load %arg26[%get3A_1082] : memref<10xf32, #tpu.memory_space<smem>>
      %lt3A_1084 = vector.broadcast %get3A_1083 : f32 to vector<16xf32>
      %lt3A_1085 = arith.cmpf olt, %add3A_1080, %lt3A_1084 : vector<16xf32>
      %reduce_or3A_1086 = arith.constant 1.000000e+00 : f32
      %reduce_or3A_1087 = arith.constant 0.000000e+00 : f32
      %reduce_or3A_1088 = vector.broadcast %reduce_or3A_1086 : f32 to vector<16xf32>
      %reduce_or3A_1089 = vector.broadcast %reduce_or3A_1087 : f32 to vector<16xf32>
      %reduce_or3A_1090 = arith.select %lt3A_1085, %reduce_or3A_1088, %reduce_or3A_1089 : vector<16xi1>, vector<16xf32>
      %reduce_or3A_1091 = arith.constant true
      %reduce_or3A_1092 = vector.broadcast %reduce_or3A_1091 : i1 to vector<16xi1>
      %reduce_or3A_1093 = tpu.scan <max>, %reduce_or3A_1090 masked %reduce_or3A_1092 : vector<16xf32>, vector<16xi1> -> vector<16xf32>
      %reduce_or3A_1094 = vector.extract %reduce_or3A_1093[15] : f32 from vector<16xf32>
      %reduce_or3A_1095 = arith.constant 0.000000e+00 : f32
      %reduce_or3A_1096 = arith.cmpf ogt, %reduce_or3A_1094, %reduce_or3A_1095 : f32
      %mul3A_1097 = vector.broadcast %mul3A_340 : f32 to vector<16xf32>
      %mul3A_1098 = arith.mulf %mul3A_1097, %get3A_941 : vector<16xf32>
      %mul3A_1099 = vector.broadcast %mul3A_342 : f32 to vector<16xf32>
      %mul3A_1100 = arith.mulf %mul3A_1099, %get3A_943 : vector<16xf32>
      %add3A_1101 = arith.addf %mul3A_1098, %mul3A_1100 : vector<16xf32>
      %add3A_1102 = arith.addf %get3A_947, %add3A_1101 : vector<16xf32>
      %mul3A_1103 = vector.broadcast %mul3A_344 : f32 to vector<16xf32>
      %mul3A_1104 = arith.mulf %mul3A_1103, %get3A_945 : vector<16xf32>
      %add3A_1105 = arith.addf %add3A_1102, %mul3A_1104 : vector<16xf32>
      %get3A_1106 = arith.constant 6 : i32
      %get3A_1107 = arith.index_cast %get3A_1106 : i32 to index
      %get3A_1108 = memref.load %arg26[%get3A_1107] : memref<10xf32, #tpu.memory_space<smem>>
      %lt3A_1109 = vector.broadcast %get3A_1108 : f32 to vector<16xf32>
      %lt3A_1110 = arith.cmpf olt, %add3A_1105, %lt3A_1109 : vector<16xf32>
      %reduce_or3A_1111 = arith.constant 1.000000e+00 : f32
      %reduce_or3A_1112 = arith.constant 0.000000e+00 : f32
      %reduce_or3A_1113 = vector.broadcast %reduce_or3A_1111 : f32 to vector<16xf32>
      %reduce_or3A_1114 = vector.broadcast %reduce_or3A_1112 : f32 to vector<16xf32>
      %reduce_or3A_1115 = arith.select %lt3A_1110, %reduce_or3A_1113, %reduce_or3A_1114 : vector<16xi1>, vector<16xf32>
      %reduce_or3A_1116 = arith.constant true
      %reduce_or3A_1117 = vector.broadcast %reduce_or3A_1116 : i1 to vector<16xi1>
      %reduce_or3A_1118 = tpu.scan <max>, %reduce_or3A_1115 masked %reduce_or3A_1117 : vector<16xf32>, vector<16xi1> -> vector<16xf32>
      %reduce_or3A_1119 = vector.extract %reduce_or3A_1118[15] : f32 from vector<16xf32>
      %reduce_or3A_1120 = arith.constant 0.000000e+00 : f32
      %reduce_or3A_1121 = arith.cmpf ogt, %reduce_or3A_1119, %reduce_or3A_1120 : f32
      %mul3A_1122 = vector.broadcast %mul3A_392 : f32 to vector<16xf32>
      %mul3A_1123 = arith.mulf %mul3A_1122, %get3A_941 : vector<16xf32>
      %mul3A_1124 = vector.broadcast %mul3A_394 : f32 to vector<16xf32>
      %mul3A_1125 = arith.mulf %mul3A_1124, %get3A_943 : vector<16xf32>
      %add3A_1126 = arith.addf %mul3A_1123, %mul3A_1125 : vector<16xf32>
      %add3A_1127 = arith.addf %get3A_947, %add3A_1126 : vector<16xf32>
      %mul3A_1128 = vector.broadcast %mul3A_396 : f32 to vector<16xf32>
      %mul3A_1129 = arith.mulf %mul3A_1128, %get3A_945 : vector<16xf32>
      %add3A_1130 = arith.addf %add3A_1127, %mul3A_1129 : vector<16xf32>
      %get3A_1131 = arith.constant 7 : i32
      %get3A_1132 = arith.index_cast %get3A_1131 : i32 to index
      %get3A_1133 = memref.load %arg26[%get3A_1132] : memref<10xf32, #tpu.memory_space<smem>>
      %lt3A_1134 = vector.broadcast %get3A_1133 : f32 to vector<16xf32>
      %lt3A_1135 = arith.cmpf olt, %add3A_1130, %lt3A_1134 : vector<16xf32>
      %reduce_or3A_1136 = arith.constant 1.000000e+00 : f32
      %reduce_or3A_1137 = arith.constant 0.000000e+00 : f32
      %reduce_or3A_1138 = vector.broadcast %reduce_or3A_1136 : f32 to vector<16xf32>
      %reduce_or3A_1139 = vector.broadcast %reduce_or3A_1137 : f32 to vector<16xf32>
      %reduce_or3A_1140 = arith.select %lt3A_1135, %reduce_or3A_1138, %reduce_or3A_1139 : vector<16xi1>, vector<16xf32>
      %reduce_or3A_1141 = arith.constant true
      %reduce_or3A_1142 = vector.broadcast %reduce_or3A_1141 : i1 to vector<16xi1>
      %reduce_or3A_1143 = tpu.scan <max>, %reduce_or3A_1140 masked %reduce_or3A_1142 : vector<16xf32>, vector<16xi1> -> vector<16xf32>
      %reduce_or3A_1144 = vector.extract %reduce_or3A_1143[15] : f32 from vector<16xf32>
      %reduce_or3A_1145 = arith.constant 0.000000e+00 : f32
      %reduce_or3A_1146 = arith.cmpf ogt, %reduce_or3A_1144, %reduce_or3A_1145 : f32
      %mul3A_1147 = vector.broadcast %mul3A_444 : f32 to vector<16xf32>
      %mul3A_1148 = arith.mulf %mul3A_1147, %get3A_941 : vector<16xf32>
      %mul3A_1149 = vector.broadcast %mul3A_446 : f32 to vector<16xf32>
      %mul3A_1150 = arith.mulf %mul3A_1149, %get3A_943 : vector<16xf32>
      %add3A_1151 = arith.addf %mul3A_1148, %mul3A_1150 : vector<16xf32>
      %add3A_1152 = arith.addf %get3A_947, %add3A_1151 : vector<16xf32>
      %mul3A_1153 = vector.broadcast %mul3A_448 : f32 to vector<16xf32>
      %mul3A_1154 = arith.mulf %mul3A_1153, %get3A_945 : vector<16xf32>
      %add3A_1155 = arith.addf %add3A_1152, %mul3A_1154 : vector<16xf32>
      %get3A_1156 = arith.constant 8 : i32
      %get3A_1157 = arith.index_cast %get3A_1156 : i32 to index
      %get3A_1158 = memref.load %arg26[%get3A_1157] : memref<10xf32, #tpu.memory_space<smem>>
      %lt3A_1159 = vector.broadcast %get3A_1158 : f32 to vector<16xf32>
      %lt3A_1160 = arith.cmpf olt, %add3A_1155, %lt3A_1159 : vector<16xf32>
      %reduce_or3A_1161 = arith.constant 1.000000e+00 : f32
      %reduce_or3A_1162 = arith.constant 0.000000e+00 : f32
      %reduce_or3A_1163 = vector.broadcast %reduce_or3A_1161 : f32 to vector<16xf32>
      %reduce_or3A_1164 = vector.broadcast %reduce_or3A_1162 : f32 to vector<16xf32>
      %reduce_or3A_1165 = arith.select %lt3A_1160, %reduce_or3A_1163, %reduce_or3A_1164 : vector<16xi1>, vector<16xf32>
      %reduce_or3A_1166 = arith.constant true
      %reduce_or3A_1167 = vector.broadcast %reduce_or3A_1166 : i1 to vector<16xi1>
      %reduce_or3A_1168 = tpu.scan <max>, %reduce_or3A_1165 masked %reduce_or3A_1167 : vector<16xf32>, vector<16xi1> -> vector<16xf32>
      %reduce_or3A_1169 = vector.extract %reduce_or3A_1168[15] : f32 from vector<16xf32>
      %reduce_or3A_1170 = arith.constant 0.000000e+00 : f32
      %reduce_or3A_1171 = arith.cmpf ogt, %reduce_or3A_1169, %reduce_or3A_1170 : f32
      %mul3A_1172 = vector.broadcast %mul3A_496 : f32 to vector<16xf32>
      %mul3A_1173 = arith.mulf %mul3A_1172, %get3A_941 : vector<16xf32>
      %mul3A_1174 = vector.broadcast %mul3A_498 : f32 to vector<16xf32>
      %mul3A_1175 = arith.mulf %mul3A_1174, %get3A_943 : vector<16xf32>
      %add3A_1176 = arith.addf %mul3A_1173, %mul3A_1175 : vector<16xf32>
      %add3A_1177 = arith.addf %get3A_947, %add3A_1176 : vector<16xf32>
      %mul3A_1178 = vector.broadcast %mul3A_500 : f32 to vector<16xf32>
      %mul3A_1179 = arith.mulf %mul3A_1178, %get3A_945 : vector<16xf32>
      %add3A_1180 = arith.addf %add3A_1177, %mul3A_1179 : vector<16xf32>
      %get3A_1181 = arith.constant 9 : i32
      %get3A_1182 = arith.index_cast %get3A_1181 : i32 to index
      %get3A_1183 = memref.load %arg26[%get3A_1182] : memref<10xf32, #tpu.memory_space<smem>>
      %lt3A_1184 = vector.broadcast %get3A_1183 : f32 to vector<16xf32>
      %lt3A_1185 = arith.cmpf olt, %add3A_1180, %lt3A_1184 : vector<16xf32>
      %reduce_or3A_1186 = arith.constant 1.000000e+00 : f32
      %reduce_or3A_1187 = arith.constant 0.000000e+00 : f32
      %reduce_or3A_1188 = vector.broadcast %reduce_or3A_1186 : f32 to vector<16xf32>
      %reduce_or3A_1189 = vector.broadcast %reduce_or3A_1187 : f32 to vector<16xf32>
      %reduce_or3A_1190 = arith.select %lt3A_1185, %reduce_or3A_1188, %reduce_or3A_1189 : vector<16xi1>, vector<16xf32>
      %reduce_or3A_1191 = arith.constant true
      %reduce_or3A_1192 = vector.broadcast %reduce_or3A_1191 : i1 to vector<16xi1>
      %reduce_or3A_1193 = tpu.scan <max>, %reduce_or3A_1190 masked %reduce_or3A_1192 : vector<16xf32>, vector<16xi1> -> vector<16xf32>
      %reduce_or3A_1194 = vector.extract %reduce_or3A_1193[15] : f32 from vector<16xf32>
      %reduce_or3A_1195 = arith.constant 0.000000e+00 : f32
      %reduce_or3A_1196 = arith.cmpf ogt, %reduce_or3A_1194, %reduce_or3A_1195 : f32
      %or3A = arith.ori %reduce_or3A_971, %reduce_or3A_996 : i1
      %or3A_1197 = arith.ori %or3A, %reduce_or3A_1021 : i1
      %or3A_1198 = arith.ori %or3A_1197, %reduce_or3A_1046 : i1
      %or3A_1199 = arith.ori %or3A_1198, %reduce_or3A_1071 : i1
      %or3A_1200 = arith.ori %or3A_1199, %reduce_or3A_1096 : i1
      %or3A_1201 = arith.ori %or3A_1200, %reduce_or3A_1121 : i1
      %or3A_1202 = arith.ori %or3A_1201, %reduce_or3A_1146 : i1
      %or3A_1203 = arith.ori %or3A_1202, %reduce_or3A_1171 : i1
      %or3A_1204 = arith.ori %or3A_1203, %reduce_or3A_1196 : i1
      %convert_element_type3A_1205 = arith.extui %or3A_1204 : i1 to i32
      %cond3A = arith.constant 0 : i32
      %cond3A_1206 = arith.cmpi ne, %convert_element_type3A_1205, %cond3A : i32
      scf.if %cond3A_1206 {
        %add3A_1207 = arith.addi %mul3A_2, %mul3A_939 : i32
        %add3A_1208 = vector.broadcast %add3A_1207 : i32 to vector<16xi32>
        %add3A_1209 = arith.addi %iota3A, %add3A_1208 : vector<16xi32>
        %convert_element_type3A_1210 = arith.extui %reduce_or3A_971 : i1 to i32
        %cond3A_1211 = arith.constant 0 : i32
        %cond3A_1212 = arith.cmpi ne, %convert_element_type3A_1210, %cond3A_1211 : i32
        scf.if %cond3A_1212 {
          %get3A_1240 = arith.constant 5 : i32
          %get3A_1241 = arith.constant 0 : i32
          %get3A_1242 = arith.index_cast %get3A_1240 : i32 to index
          %get3A_1243 = arith.index_cast %get3A_1241 : i32 to index
          %get3A_1244 = arith.constant 0 : index
          %get3A_1245 = tpu.vector_load %arg24[%get3A_1242, %get3A_1243, %get3A_1244] {strides = array<i32>} : memref<6x10x16xf32, #tpu.memory_space<vmem>>, vector<16xf32>,
          %get3A_1246 = arith.constant 0 : i32
          %get3A_1247 = arith.index_cast %get3A_1246 : i32 to index
          %get3A_1248 = arith.constant 0 : index
          %get3A_1249 = tpu.vector_load %arg25[%get3A_1247, %get3A_1248] {strides = array<i32>} : memref<10x16xi32, #tpu.memory_space<vmem>>, vector<16xi32>,
          %masked_sort3A = arith.constant dense<true> : vector<16xi1>
          %masked_sort3A_1250, %masked_sort3A_1251, %masked_sort3A_1252 = tpu.sort %add3A_956, %add3A_1209 masked %masked_sort3A : (vector<16xf32>, vector<16xi32>, vector<16xi1>) -> (vector<16xi1>, vector<16xf32>, vector<16xi32>)
          %rev3A = arith.constant 15 : i32
          %rev3A_1253 = vector.broadcast %rev3A : i32 to vector<16xi32>
          %rev3A_1254 = tpu.iota {dimensions = array<i32: 0>} : vector<16xi32>
          %rev3A_1255 = arith.subi %rev3A_1253, %rev3A_1254 : vector<16xi32>
          %rev3A_1256 = tpu.dynamic_gather %masked_sort3A_1251[%rev3A_1255] in [0] : vector<16xf32>, vector<16xi32> -> vector<16xf32>
          %rev3A_1257 = arith.constant 15 : i32
          %rev3A_1258 = vector.broadcast %rev3A_1257 : i32 to vector<16xi32>
          %rev3A_1259 = tpu.iota {dimensions = array<i32: 0>} : vector<16xi32>
          %rev3A_1260 = arith.subi %rev3A_1258, %rev3A_1259 : vector<16xi32>
          %rev3A_1261 = tpu.dynamic_gather %masked_sort3A_1252[%rev3A_1260] in [0] : vector<16xi32>, vector<16xi32> -> vector<16xi32>
          %le3A = arith.cmpf ole, %get3A_1245, %rev3A_1256 : vector<16xf32>
          %select_n3A_1262 = arith.select %le3A, %get3A_1245, %rev3A_1256 : vector<16xi1>, vector<16xf32>
          %select_n3A_1263 = arith.select %le3A, %get3A_1249, %rev3A_1261 : vector<16xi1>, vector<16xi32>
          %masked_sort3A_1264 = arith.constant dense<true> : vector<16xi1>
          %masked_sort3A_1265, %masked_sort3A_1266, %masked_sort3A_1267 = tpu.sort %select_n3A_1262, %select_n3A_1263 masked %masked_sort3A_1264 : (vector<16xf32>, vector<16xi32>, vector<16xi1>) -> (vector<16xi1>, vector<16xf32>, vector<16xi32>)
          %swap3A_1268 = arith.constant 5 : i32
          %swap3A_1269 = arith.constant 0 : i32
          %swap3A_1270 = arith.index_cast %swap3A_1268 : i32 to index
          %swap3A_1271 = arith.index_cast %swap3A_1269 : i32 to index
          %swap3A_1272 = arith.constant 0 : index
          %swap3A_1273 = tpu.vector_load %arg24[%swap3A_1270, %swap3A_1271, %swap3A_1272] {strides = array<i32>} : memref<6x10x16xf32, #tpu.memory_space<vmem>>, vector<16xf32>,
          tpu.vector_store %arg24[%swap3A_1270, %swap3A_1271, %swap3A_1272], %masked_sort3A_1266 {strides = array<i32>} : memref<6x10x16xf32, #tpu.memory_space<vmem>>, vector<16xf32>,
          %swap3A_1274 = arith.constant 0 : i32
          %swap3A_1275 = arith.index_cast %swap3A_1274 : i32 to index
          %swap3A_1276 = arith.constant 0 : index
          %swap3A_1277 = tpu.vector_load %arg25[%swap3A_1275, %swap3A_1276] {strides = array<i32>} : memref<10x16xi32, #tpu.memory_space<vmem>>, vector<16xi32>,
          tpu.vector_store %arg25[%swap3A_1275, %swap3A_1276], %masked_sort3A_1267 {strides = array<i32>} : memref<10x16xi32, #tpu.memory_space<vmem>>, vector<16xi32>,
          %reduce_max3A = arith.constant true
          %reduce_max3A_1278 = vector.broadcast %reduce_max3A : i1 to vector<16xi1>
          %reduce_max3A_1279 = tpu.scan <max>, %masked_sort3A_1266 masked %reduce_max3A_1278 : vector<16xf32>, vector<16xi1> -> vector<16xf32>
          %reduce_max3A_1280 = vector.extract %reduce_max3A_1279[15] : f32 from vector<16xf32>
          %swap3A_1281 = arith.constant 0 : i32
          %swap3A_1282 = arith.index_cast %swap3A_1281 : i32 to index
          %swap3A_1283 = memref.load %arg26[%swap3A_1282] : memref<10xf32, #tpu.memory_space<smem>>
          memref.store %reduce_max3A_1280, %arg26[%swap3A_1282] : memref<10xf32, #tpu.memory_space<smem>>
        } else {
        }
        %convert_element_type3A_1213 = arith.extui %reduce_or3A_996 : i1 to i32
        %cond3A_1214 = arith.constant 0 : i32
        %cond3A_1215 = arith.cmpi ne, %convert_element_type3A_1213, %cond3A_1214 : i32
        scf.if %cond3A_1215 {
          %get3A_1240 = arith.constant 5 : i32
          %get3A_1241 = arith.constant 1 : i32
          %get3A_1242 = arith.index_cast %get3A_1240 : i32 to index
          %get3A_1243 = arith.index_cast %get3A_1241 : i32 to index
          %get3A_1244 = arith.constant 0 : index
          %get3A_1245 = tpu.vector_load %arg24[%get3A_1242, %get3A_1243, %get3A_1244] {strides = array<i32>} : memref<6x10x16xf32, #tpu.memory_space<vmem>>, vector<16xf32>,
          %get3A_1246 = arith.constant 1 : i32
          %get3A_1247 = arith.index_cast %get3A_1246 : i32 to index
          %get3A_1248 = arith.constant 0 : index
          %get3A_1249 = tpu.vector_load %arg25[%get3A_1247, %get3A_1248] {strides = array<i32>} : memref<10x16xi32, #tpu.memory_space<vmem>>, vector<16xi32>,
          %masked_sort3A = arith.constant dense<true> : vector<16xi1>
          %masked_sort3A_1250, %masked_sort3A_1251, %masked_sort3A_1252 = tpu.sort %add3A_980, %add3A_1209 masked %masked_sort3A : (vector<16xf32>, vector<16xi32>, vector<16xi1>) -> (vector<16xi1>, vector<16xf32>, vector<16xi32>)
          %rev3A = arith.constant 15 : i32
          %rev3A_1253 = vector.broadcast %rev3A : i32 to vector<16xi32>
          %rev3A_1254 = tpu.iota {dimensions = array<i32: 0>} : vector<16xi32>
          %rev3A_1255 = arith.subi %rev3A_1253, %rev3A_1254 : vector<16xi32>
          %rev3A_1256 = tpu.dynamic_gather %masked_sort3A_1251[%rev3A_1255] in [0] : vector<16xf32>, vector<16xi32> -> vector<16xf32>
          %rev3A_1257 = arith.constant 15 : i32
          %rev3A_1258 = vector.broadcast %rev3A_1257 : i32 to vector<16xi32>
          %rev3A_1259 = tpu.iota {dimensions = array<i32: 0>} : vector<16xi32>
          %rev3A_1260 = arith.subi %rev3A_1258, %rev3A_1259 : vector<16xi32>
          %rev3A_1261 = tpu.dynamic_gather %masked_sort3A_1252[%rev3A_1260] in [0] : vector<16xi32>, vector<16xi32> -> vector<16xi32>
          %le3A = arith.cmpf ole, %get3A_1245, %rev3A_1256 : vector<16xf32>
          %select_n3A_1262 = arith.select %le3A, %get3A_1245, %rev3A_1256 : vector<16xi1>, vector<16xf32>
          %select_n3A_1263 = arith.select %le3A, %get3A_1249, %rev3A_1261 : vector<16xi1>, vector<16xi32>
          %masked_sort3A_1264 = arith.constant dense<true> : vector<16xi1>
          %masked_sort3A_1265, %masked_sort3A_1266, %masked_sort3A_1267 = tpu.sort %select_n3A_1262, %select_n3A_1263 masked %masked_sort3A_1264 : (vector<16xf32>, vector<16xi32>, vector<16xi1>) -> (vector<16xi1>, vector<16xf32>, vector<16xi32>)
          %swap3A_1268 = arith.constant 5 : i32
          %swap3A_1269 = arith.constant 1 : i32
          %swap3A_1270 = arith.index_cast %swap3A_1268 : i32 to index
          %swap3A_1271 = arith.index_cast %swap3A_1269 : i32 to index
          %swap3A_1272 = arith.constant 0 : index
          %swap3A_1273 = tpu.vector_load %arg24[%swap3A_1270, %swap3A_1271, %swap3A_1272] {strides = array<i32>} : memref<6x10x16xf32, #tpu.memory_space<vmem>>, vector<16xf32>,
          tpu.vector_store %arg24[%swap3A_1270, %swap3A_1271, %swap3A_1272], %masked_sort3A_1266 {strides = array<i32>} : memref<6x10x16xf32, #tpu.memory_space<vmem>>, vector<16xf32>,
          %swap3A_1274 = arith.constant 1 : i32
          %swap3A_1275 = arith.index_cast %swap3A_1274 : i32 to index
          %swap3A_1276 = arith.constant 0 : index
          %swap3A_1277 = tpu.vector_load %arg25[%swap3A_1275, %swap3A_1276] {strides = array<i32>} : memref<10x16xi32, #tpu.memory_space<vmem>>, vector<16xi32>,
          tpu.vector_store %arg25[%swap3A_1275, %swap3A_1276], %masked_sort3A_1267 {strides = array<i32>} : memref<10x16xi32, #tpu.memory_space<vmem>>, vector<16xi32>,
          %reduce_max3A = arith.constant true
          %reduce_max3A_1278 = vector.broadcast %reduce_max3A : i1 to vector<16xi1>
          %reduce_max3A_1279 = tpu.scan <max>, %masked_sort3A_1266 masked %reduce_max3A_1278 : vector<16xf32>, vector<16xi1> -> vector<16xf32>
          %reduce_max3A_1280 = vector.extract %reduce_max3A_1279[15] : f32 from vector<16xf32>
          %swap3A_1281 = arith.constant 1 : i32
          %swap3A_1282 = arith.index_cast %swap3A_1281 : i32 to index
          %swap3A_1283 = memref.load %arg26[%swap3A_1282] : memref<10xf32, #tpu.memory_space<smem>>
          memref.store %reduce_max3A_1280, %arg26[%swap3A_1282] : memref<10xf32, #tpu.memory_space<smem>>
        } else {
        }
        %convert_element_type3A_1216 = arith.extui %reduce_or3A_1021 : i1 to i32
        %cond3A_1217 = arith.constant 0 : i32
        %cond3A_1218 = arith.cmpi ne, %convert_element_type3A_1216, %cond3A_1217 : i32
        scf.if %cond3A_1218 {
          %get3A_1240 = arith.constant 5 : i32
          %get3A_1241 = arith.constant 2 : i32
          %get3A_1242 = arith.index_cast %get3A_1240 : i32 to index
          %get3A_1243 = arith.index_cast %get3A_1241 : i32 to index
          %get3A_1244 = arith.constant 0 : index
          %get3A_1245 = tpu.vector_load %arg24[%get3A_1242, %get3A_1243, %get3A_1244] {strides = array<i32>} : memref<6x10x16xf32, #tpu.memory_space<vmem>>, vector<16xf32>,
          %get3A_1246 = arith.constant 2 : i32
          %get3A_1247 = arith.index_cast %get3A_1246 : i32 to index
          %get3A_1248 = arith.constant 0 : index
          %get3A_1249 = tpu.vector_load %arg25[%get3A_1247, %get3A_1248] {strides = array<i32>} : memref<10x16xi32, #tpu.memory_space<vmem>>, vector<16xi32>,
          %masked_sort3A = arith.constant dense<true> : vector<16xi1>
          %masked_sort3A_1250, %masked_sort3A_1251, %masked_sort3A_1252 = tpu.sort %add3A_1005, %add3A_1209 masked %masked_sort3A : (vector<16xf32>, vector<16xi32>, vector<16xi1>) -> (vector<16xi1>, vector<16xf32>, vector<16xi32>)
          %rev3A = arith.constant 15 : i32
          %rev3A_1253 = vector.broadcast %rev3A : i32 to vector<16xi32>
          %rev3A_1254 = tpu.iota {dimensions = array<i32: 0>} : vector<16xi32>
          %rev3A_1255 = arith.subi %rev3A_1253, %rev3A_1254 : vector<16xi32>
          %rev3A_1256 = tpu.dynamic_gather %masked_sort3A_1251[%rev3A_1255] in [0] : vector<16xf32>, vector<16xi32> -> vector<16xf32>
          %rev3A_1257 = arith.constant 15 : i32
          %rev3A_1258 = vector.broadcast %rev3A_1257 : i32 to vector<16xi32>
          %rev3A_1259 = tpu.iota {dimensions = array<i32: 0>} : vector<16xi32>
          %rev3A_1260 = arith.subi %rev3A_1258, %rev3A_1259 : vector<16xi32>
          %rev3A_1261 = tpu.dynamic_gather %masked_sort3A_1252[%rev3A_1260] in [0] : vector<16xi32>, vector<16xi32> -> vector<16xi32>
          %le3A = arith.cmpf ole, %get3A_1245, %rev3A_1256 : vector<16xf32>
          %select_n3A_1262 = arith.select %le3A, %get3A_1245, %rev3A_1256 : vector<16xi1>, vector<16xf32>
          %select_n3A_1263 = arith.select %le3A, %get3A_1249, %rev3A_1261 : vector<16xi1>, vector<16xi32>
          %masked_sort3A_1264 = arith.constant dense<true> : vector<16xi1>
          %masked_sort3A_1265, %masked_sort3A_1266, %masked_sort3A_1267 = tpu.sort %select_n3A_1262, %select_n3A_1263 masked %masked_sort3A_1264 : (vector<16xf32>, vector<16xi32>, vector<16xi1>) -> (vector<16xi1>, vector<16xf32>, vector<16xi32>)
          %swap3A_1268 = arith.constant 5 : i32
          %swap3A_1269 = arith.constant 2 : i32
          %swap3A_1270 = arith.index_cast %swap3A_1268 : i32 to index
          %swap3A_1271 = arith.index_cast %swap3A_1269 : i32 to index
          %swap3A_1272 = arith.constant 0 : index
          %swap3A_1273 = tpu.vector_load %arg24[%swap3A_1270, %swap3A_1271, %swap3A_1272] {strides = array<i32>} : memref<6x10x16xf32, #tpu.memory_space<vmem>>, vector<16xf32>,
          tpu.vector_store %arg24[%swap3A_1270, %swap3A_1271, %swap3A_1272], %masked_sort3A_1266 {strides = array<i32>} : memref<6x10x16xf32, #tpu.memory_space<vmem>>, vector<16xf32>,
          %swap3A_1274 = arith.constant 2 : i32
          %swap3A_1275 = arith.index_cast %swap3A_1274 : i32 to index
          %swap3A_1276 = arith.constant 0 : index
          %swap3A_1277 = tpu.vector_load %arg25[%swap3A_1275, %swap3A_1276] {strides = array<i32>} : memref<10x16xi32, #tpu.memory_space<vmem>>, vector<16xi32>,
          tpu.vector_store %arg25[%swap3A_1275, %swap3A_1276], %masked_sort3A_1267 {strides = array<i32>} : memref<10x16xi32, #tpu.memory_space<vmem>>, vector<16xi32>,
          %reduce_max3A = arith.constant true
          %reduce_max3A_1278 = vector.broadcast %reduce_max3A : i1 to vector<16xi1>
          %reduce_max3A_1279 = tpu.scan <max>, %masked_sort3A_1266 masked %reduce_max3A_1278 : vector<16xf32>, vector<16xi1> -> vector<16xf32>
          %reduce_max3A_1280 = vector.extract %reduce_max3A_1279[15] : f32 from vector<16xf32>
          %swap3A_1281 = arith.constant 2 : i32
          %swap3A_1282 = arith.index_cast %swap3A_1281 : i32 to index
          %swap3A_1283 = memref.load %arg26[%swap3A_1282] : memref<10xf32, #tpu.memory_space<smem>>
          memref.store %reduce_max3A_1280, %arg26[%swap3A_1282] : memref<10xf32, #tpu.memory_space<smem>>
        } else {
        }
        %convert_element_type3A_1219 = arith.extui %reduce_or3A_1046 : i1 to i32
        %cond3A_1220 = arith.constant 0 : i32
        %cond3A_1221 = arith.cmpi ne, %convert_element_type3A_1219, %cond3A_1220 : i32
        scf.if %cond3A_1221 {
          %get3A_1240 = arith.constant 5 : i32
          %get3A_1241 = arith.constant 3 : i32
          %get3A_1242 = arith.index_cast %get3A_1240 : i32 to index
          %get3A_1243 = arith.index_cast %get3A_1241 : i32 to index
          %get3A_1244 = arith.constant 0 : index
          %get3A_1245 = tpu.vector_load %arg24[%get3A_1242, %get3A_1243, %get3A_1244] {strides = array<i32>} : memref<6x10x16xf32, #tpu.memory_space<vmem>>, vector<16xf32>,
          %get3A_1246 = arith.constant 3 : i32
          %get3A_1247 = arith.index_cast %get3A_1246 : i32 to index
          %get3A_1248 = arith.constant 0 : index
          %get3A_1249 = tpu.vector_load %arg25[%get3A_1247, %get3A_1248] {strides = array<i32>} : memref<10x16xi32, #tpu.memory_space<vmem>>, vector<16xi32>,
          %masked_sort3A = arith.constant dense<true> : vector<16xi1>
          %masked_sort3A_1250, %masked_sort3A_1251, %masked_sort3A_1252 = tpu.sort %add3A_1030, %add3A_1209 masked %masked_sort3A : (vector<16xf32>, vector<16xi32>, vector<16xi1>) -> (vector<16xi1>, vector<16xf32>, vector<16xi32>)
          %rev3A = arith.constant 15 : i32
          %rev3A_1253 = vector.broadcast %rev3A : i32 to vector<16xi32>
          %rev3A_1254 = tpu.iota {dimensions = array<i32: 0>} : vector<16xi32>
          %rev3A_1255 = arith.subi %rev3A_1253, %rev3A_1254 : vector<16xi32>
          %rev3A_1256 = tpu.dynamic_gather %masked_sort3A_1251[%rev3A_1255] in [0] : vector<16xf32>, vector<16xi32> -> vector<16xf32>
          %rev3A_1257 = arith.constant 15 : i32
          %rev3A_1258 = vector.broadcast %rev3A_1257 : i32 to vector<16xi32>
          %rev3A_1259 = tpu.iota {dimensions = array<i32: 0>} : vector<16xi32>
          %rev3A_1260 = arith.subi %rev3A_1258, %rev3A_1259 : vector<16xi32>
          %rev3A_1261 = tpu.dynamic_gather %masked_sort3A_1252[%rev3A_1260] in [0] : vector<16xi32>, vector<16xi32> -> vector<16xi32>
          %le3A = arith.cmpf ole, %get3A_1245, %rev3A_1256 : vector<16xf32>
          %select_n3A_1262 = arith.select %le3A, %get3A_1245, %rev3A_1256 : vector<16xi1>, vector<16xf32>
          %select_n3A_1263 = arith.select %le3A, %get3A_1249, %rev3A_1261 : vector<16xi1>, vector<16xi32>
          %masked_sort3A_1264 = arith.constant dense<true> : vector<16xi1>
          %masked_sort3A_1265, %masked_sort3A_1266, %masked_sort3A_1267 = tpu.sort %select_n3A_1262, %select_n3A_1263 masked %masked_sort3A_1264 : (vector<16xf32>, vector<16xi32>, vector<16xi1>) -> (vector<16xi1>, vector<16xf32>, vector<16xi32>)
          %swap3A_1268 = arith.constant 5 : i32
          %swap3A_1269 = arith.constant 3 : i32
          %swap3A_1270 = arith.index_cast %swap3A_1268 : i32 to index
          %swap3A_1271 = arith.index_cast %swap3A_1269 : i32 to index
          %swap3A_1272 = arith.constant 0 : index
          %swap3A_1273 = tpu.vector_load %arg24[%swap3A_1270, %swap3A_1271, %swap3A_1272] {strides = array<i32>} : memref<6x10x16xf32, #tpu.memory_space<vmem>>, vector<16xf32>,
          tpu.vector_store %arg24[%swap3A_1270, %swap3A_1271, %swap3A_1272], %masked_sort3A_1266 {strides = array<i32>} : memref<6x10x16xf32, #tpu.memory_space<vmem>>, vector<16xf32>,
          %swap3A_1274 = arith.constant 3 : i32
          %swap3A_1275 = arith.index_cast %swap3A_1274 : i32 to index
          %swap3A_1276 = arith.constant 0 : index
          %swap3A_1277 = tpu.vector_load %arg25[%swap3A_1275, %swap3A_1276] {strides = array<i32>} : memref<10x16xi32, #tpu.memory_space<vmem>>, vector<16xi32>,
          tpu.vector_store %arg25[%swap3A_1275, %swap3A_1276], %masked_sort3A_1267 {strides = array<i32>} : memref<10x16xi32, #tpu.memory_space<vmem>>, vector<16xi32>,
          %reduce_max3A = arith.constant true
          %reduce_max3A_1278 = vector.broadcast %reduce_max3A : i1 to vector<16xi1>
          %reduce_max3A_1279 = tpu.scan <max>, %masked_sort3A_1266 masked %reduce_max3A_1278 : vector<16xf32>, vector<16xi1> -> vector<16xf32>
          %reduce_max3A_1280 = vector.extract %reduce_max3A_1279[15] : f32 from vector<16xf32>
          %swap3A_1281 = arith.constant 3 : i32
          %swap3A_1282 = arith.index_cast %swap3A_1281 : i32 to index
          %swap3A_1283 = memref.load %arg26[%swap3A_1282] : memref<10xf32, #tpu.memory_space<smem>>
          memref.store %reduce_max3A_1280, %arg26[%swap3A_1282] : memref<10xf32, #tpu.memory_space<smem>>
        } else {
        }
        %convert_element_type3A_1222 = arith.extui %reduce_or3A_1071 : i1 to i32
        %cond3A_1223 = arith.constant 0 : i32
        %cond3A_1224 = arith.cmpi ne, %convert_element_type3A_1222, %cond3A_1223 : i32
        scf.if %cond3A_1224 {
          %get3A_1240 = arith.constant 5 : i32
          %get3A_1241 = arith.constant 4 : i32
          %get3A_1242 = arith.index_cast %get3A_1240 : i32 to index
          %get3A_1243 = arith.index_cast %get3A_1241 : i32 to index
          %get3A_1244 = arith.constant 0 : index
          %get3A_1245 = tpu.vector_load %arg24[%get3A_1242, %get3A_1243, %get3A_1244] {strides = array<i32>} : memref<6x10x16xf32, #tpu.memory_space<vmem>>, vector<16xf32>,
          %get3A_1246 = arith.constant 4 : i32
          %get3A_1247 = arith.index_cast %get3A_1246 : i32 to index
          %get3A_1248 = arith.constant 0 : index
          %get3A_1249 = tpu.vector_load %arg25[%get3A_1247, %get3A_1248] {strides = array<i32>} : memref<10x16xi32, #tpu.memory_space<vmem>>, vector<16xi32>,
          %masked_sort3A = arith.constant dense<true> : vector<16xi1>
          %masked_sort3A_1250, %masked_sort3A_1251, %masked_sort3A_1252 = tpu.sort %add3A_1055, %add3A_1209 masked %masked_sort3A : (vector<16xf32>, vector<16xi32>, vector<16xi1>) -> (vector<16xi1>, vector<16xf32>, vector<16xi32>)
          %rev3A = arith.constant 15 : i32
          %rev3A_1253 = vector.broadcast %rev3A : i32 to vector<16xi32>
          %rev3A_1254 = tpu.iota {dimensions = array<i32: 0>} : vector<16xi32>
          %rev3A_1255 = arith.subi %rev3A_1253, %rev3A_1254 : vector<16xi32>
          %rev3A_1256 = tpu.dynamic_gather %masked_sort3A_1251[%rev3A_1255] in [0] : vector<16xf32>, vector<16xi32> -> vector<16xf32>
          %rev3A_1257 = arith.constant 15 : i32
          %rev3A_1258 = vector.broadcast %rev3A_1257 : i32 to vector<16xi32>
          %rev3A_1259 = tpu.iota {dimensions = array<i32: 0>} : vector<16xi32>
          %rev3A_1260 = arith.subi %rev3A_1258, %rev3A_1259 : vector<16xi32>
          %rev3A_1261 = tpu.dynamic_gather %masked_sort3A_1252[%rev3A_1260] in [0] : vector<16xi32>, vector<16xi32> -> vector<16xi32>
          %le3A = arith.cmpf ole, %get3A_1245, %rev3A_1256 : vector<16xf32>
          %select_n3A_1262 = arith.select %le3A, %get3A_1245, %rev3A_1256 : vector<16xi1>, vector<16xf32>
          %select_n3A_1263 = arith.select %le3A, %get3A_1249, %rev3A_1261 : vector<16xi1>, vector<16xi32>
          %masked_sort3A_1264 = arith.constant dense<true> : vector<16xi1>
          %masked_sort3A_1265, %masked_sort3A_1266, %masked_sort3A_1267 = tpu.sort %select_n3A_1262, %select_n3A_1263 masked %masked_sort3A_1264 : (vector<16xf32>, vector<16xi32>, vector<16xi1>) -> (vector<16xi1>, vector<16xf32>, vector<16xi32>)
          %swap3A_1268 = arith.constant 5 : i32
          %swap3A_1269 = arith.constant 4 : i32
          %swap3A_1270 = arith.index_cast %swap3A_1268 : i32 to index
          %swap3A_1271 = arith.index_cast %swap3A_1269 : i32 to index
          %swap3A_1272 = arith.constant 0 : index
          %swap3A_1273 = tpu.vector_load %arg24[%swap3A_1270, %swap3A_1271, %swap3A_1272] {strides = array<i32>} : memref<6x10x16xf32, #tpu.memory_space<vmem>>, vector<16xf32>,
          tpu.vector_store %arg24[%swap3A_1270, %swap3A_1271, %swap3A_1272], %masked_sort3A_1266 {strides = array<i32>} : memref<6x10x16xf32, #tpu.memory_space<vmem>>, vector<16xf32>,
          %swap3A_1274 = arith.constant 4 : i32
          %swap3A_1275 = arith.index_cast %swap3A_1274 : i32 to index
          %swap3A_1276 = arith.constant 0 : index
          %swap3A_1277 = tpu.vector_load %arg25[%swap3A_1275, %swap3A_1276] {strides = array<i32>} : memref<10x16xi32, #tpu.memory_space<vmem>>, vector<16xi32>,
          tpu.vector_store %arg25[%swap3A_1275, %swap3A_1276], %masked_sort3A_1267 {strides = array<i32>} : memref<10x16xi32, #tpu.memory_space<vmem>>, vector<16xi32>,
          %reduce_max3A = arith.constant true
          %reduce_max3A_1278 = vector.broadcast %reduce_max3A : i1 to vector<16xi1>
          %reduce_max3A_1279 = tpu.scan <max>, %masked_sort3A_1266 masked %reduce_max3A_1278 : vector<16xf32>, vector<16xi1> -> vector<16xf32>
          %reduce_max3A_1280 = vector.extract %reduce_max3A_1279[15] : f32 from vector<16xf32>
          %swap3A_1281 = arith.constant 4 : i32
          %swap3A_1282 = arith.index_cast %swap3A_1281 : i32 to index
          %swap3A_1283 = memref.load %arg26[%swap3A_1282] : memref<10xf32, #tpu.memory_space<smem>>
          memref.store %reduce_max3A_1280, %arg26[%swap3A_1282] : memref<10xf32, #tpu.memory_space<smem>>
        } else {
        }
        %convert_element_type3A_1225 = arith.extui %reduce_or3A_1096 : i1 to i32
        %cond3A_1226 = arith.constant 0 : i32
        %cond3A_1227 = arith.cmpi ne, %convert_element_type3A_1225, %cond3A_1226 : i32
        scf.if %cond3A_1227 {
          %get3A_1240 = arith.constant 5 : i32
          %get3A_1241 = arith.constant 5 : i32
          %get3A_1242 = arith.index_cast %get3A_1240 : i32 to index
          %get3A_1243 = arith.index_cast %get3A_1241 : i32 to index
          %get3A_1244 = arith.constant 0 : index
          %get3A_1245 = tpu.vector_load %arg24[%get3A_1242, %get3A_1243, %get3A_1244] {strides = array<i32>} : memref<6x10x16xf32, #tpu.memory_space<vmem>>, vector<16xf32>,
          %get3A_1246 = arith.constant 5 : i32
          %get3A_1247 = arith.index_cast %get3A_1246 : i32 to index
          %get3A_1248 = arith.constant 0 : index
          %get3A_1249 = tpu.vector_load %arg25[%get3A_1247, %get3A_1248] {strides = array<i32>} : memref<10x16xi32, #tpu.memory_space<vmem>>, vector<16xi32>,
          %masked_sort3A = arith.constant dense<true> : vector<16xi1>
          %masked_sort3A_1250, %masked_sort3A_1251, %masked_sort3A_1252 = tpu.sort %add3A_1080, %add3A_1209 masked %masked_sort3A : (vector<16xf32>, vector<16xi32>, vector<16xi1>) -> (vector<16xi1>, vector<16xf32>, vector<16xi32>)
          %rev3A = arith.constant 15 : i32
          %rev3A_1253 = vector.broadcast %rev3A : i32 to vector<16xi32>
          %rev3A_1254 = tpu.iota {dimensions = array<i32: 0>} : vector<16xi32>
          %rev3A_1255 = arith.subi %rev3A_1253, %rev3A_1254 : vector<16xi32>
          %rev3A_1256 = tpu.dynamic_gather %masked_sort3A_1251[%rev3A_1255] in [0] : vector<16xf32>, vector<16xi32> -> vector<16xf32>
          %rev3A_1257 = arith.constant 15 : i32
          %rev3A_1258 = vector.broadcast %rev3A_1257 : i32 to vector<16xi32>
          %rev3A_1259 = tpu.iota {dimensions = array<i32: 0>} : vector<16xi32>
          %rev3A_1260 = arith.subi %rev3A_1258, %rev3A_1259 : vector<16xi32>
          %rev3A_1261 = tpu.dynamic_gather %masked_sort3A_1252[%rev3A_1260] in [0] : vector<16xi32>, vector<16xi32> -> vector<16xi32>
          %le3A = arith.cmpf ole, %get3A_1245, %rev3A_1256 : vector<16xf32>
          %select_n3A_1262 = arith.select %le3A, %get3A_1245, %rev3A_1256 : vector<16xi1>, vector<16xf32>
          %select_n3A_1263 = arith.select %le3A, %get3A_1249, %rev3A_1261 : vector<16xi1>, vector<16xi32>
          %masked_sort3A_1264 = arith.constant dense<true> : vector<16xi1>
          %masked_sort3A_1265, %masked_sort3A_1266, %masked_sort3A_1267 = tpu.sort %select_n3A_1262, %select_n3A_1263 masked %masked_sort3A_1264 : (vector<16xf32>, vector<16xi32>, vector<16xi1>) -> (vector<16xi1>, vector<16xf32>, vector<16xi32>)
          %swap3A_1268 = arith.constant 5 : i32
          %swap3A_1269 = arith.constant 5 : i32
          %swap3A_1270 = arith.index_cast %swap3A_1268 : i32 to index
          %swap3A_1271 = arith.index_cast %swap3A_1269 : i32 to index
          %swap3A_1272 = arith.constant 0 : index
          %swap3A_1273 = tpu.vector_load %arg24[%swap3A_1270, %swap3A_1271, %swap3A_1272] {strides = array<i32>} : memref<6x10x16xf32, #tpu.memory_space<vmem>>, vector<16xf32>,
          tpu.vector_store %arg24[%swap3A_1270, %swap3A_1271, %swap3A_1272], %masked_sort3A_1266 {strides = array<i32>} : memref<6x10x16xf32, #tpu.memory_space<vmem>>, vector<16xf32>,
          %swap3A_1274 = arith.constant 5 : i32
          %swap3A_1275 = arith.index_cast %swap3A_1274 : i32 to index
          %swap3A_1276 = arith.constant 0 : index
          %swap3A_1277 = tpu.vector_load %arg25[%swap3A_1275, %swap3A_1276] {strides = array<i32>} : memref<10x16xi32, #tpu.memory_space<vmem>>, vector<16xi32>,
          tpu.vector_store %arg25[%swap3A_1275, %swap3A_1276], %masked_sort3A_1267 {strides = array<i32>} : memref<10x16xi32, #tpu.memory_space<vmem>>, vector<16xi32>,
          %reduce_max3A = arith.constant true
          %reduce_max3A_1278 = vector.broadcast %reduce_max3A : i1 to vector<16xi1>
          %reduce_max3A_1279 = tpu.scan <max>, %masked_sort3A_1266 masked %reduce_max3A_1278 : vector<16xf32>, vector<16xi1> -> vector<16xf32>
          %reduce_max3A_1280 = vector.extract %reduce_max3A_1279[15] : f32 from vector<16xf32>
          %swap3A_1281 = arith.constant 5 : i32
          %swap3A_1282 = arith.index_cast %swap3A_1281 : i32 to index
          %swap3A_1283 = memref.load %arg26[%swap3A_1282] : memref<10xf32, #tpu.memory_space<smem>>
          memref.store %reduce_max3A_1280, %arg26[%swap3A_1282] : memref<10xf32, #tpu.memory_space<smem>>
        } else {
        }
        %convert_element_type3A_1228 = arith.extui %reduce_or3A_1121 : i1 to i32
        %cond3A_1229 = arith.constant 0 : i32
        %cond3A_1230 = arith.cmpi ne, %convert_element_type3A_1228, %cond3A_1229 : i32
        scf.if %cond3A_1230 {
          %get3A_1240 = arith.constant 5 : i32
          %get3A_1241 = arith.constant 6 : i32
          %get3A_1242 = arith.index_cast %get3A_1240 : i32 to index
          %get3A_1243 = arith.index_cast %get3A_1241 : i32 to index
          %get3A_1244 = arith.constant 0 : index
          %get3A_1245 = tpu.vector_load %arg24[%get3A_1242, %get3A_1243, %get3A_1244] {strides = array<i32>} : memref<6x10x16xf32, #tpu.memory_space<vmem>>, vector<16xf32>,
          %get3A_1246 = arith.constant 6 : i32
          %get3A_1247 = arith.index_cast %get3A_1246 : i32 to index
          %get3A_1248 = arith.constant 0 : index
          %get3A_1249 = tpu.vector_load %arg25[%get3A_1247, %get3A_1248] {strides = array<i32>} : memref<10x16xi32, #tpu.memory_space<vmem>>, vector<16xi32>,
          %masked_sort3A = arith.constant dense<true> : vector<16xi1>
          %masked_sort3A_1250, %masked_sort3A_1251, %masked_sort3A_1252 = tpu.sort %add3A_1105, %add3A_1209 masked %masked_sort3A : (vector<16xf32>, vector<16xi32>, vector<16xi1>) -> (vector<16xi1>, vector<16xf32>, vector<16xi32>)
          %rev3A = arith.constant 15 : i32
          %rev3A_1253 = vector.broadcast %rev3A : i32 to vector<16xi32>
          %rev3A_1254 = tpu.iota {dimensions = array<i32: 0>} : vector<16xi32>
          %rev3A_1255 = arith.subi %rev3A_1253, %rev3A_1254 : vector<16xi32>
          %rev3A_1256 = tpu.dynamic_gather %masked_sort3A_1251[%rev3A_1255] in [0] : vector<16xf32>, vector<16xi32> -> vector<16xf32>
          %rev3A_1257 = arith.constant 15 : i32
          %rev3A_1258 = vector.broadcast %rev3A_1257 : i32 to vector<16xi32>
          %rev3A_1259 = tpu.iota {dimensions = array<i32: 0>} : vector<16xi32>
          %rev3A_1260 = arith.subi %rev3A_1258, %rev3A_1259 : vector<16xi32>
          %rev3A_1261 = tpu.dynamic_gather %masked_sort3A_1252[%rev3A_1260] in [0] : vector<16xi32>, vector<16xi32> -> vector<16xi32>
          %le3A = arith.cmpf ole, %get3A_1245, %rev3A_1256 : vector<16xf32>
          %select_n3A_1262 = arith.select %le3A, %get3A_1245, %rev3A_1256 : vector<16xi1>, vector<16xf32>
          %select_n3A_1263 = arith.select %le3A, %get3A_1249, %rev3A_1261 : vector<16xi1>, vector<16xi32>
          %masked_sort3A_1264 = arith.constant dense<true> : vector<16xi1>
          %masked_sort3A_1265, %masked_sort3A_1266, %masked_sort3A_1267 = tpu.sort %select_n3A_1262, %select_n3A_1263 masked %masked_sort3A_1264 : (vector<16xf32>, vector<16xi32>, vector<16xi1>) -> (vector<16xi1>, vector<16xf32>, vector<16xi32>)
          %swap3A_1268 = arith.constant 5 : i32
          %swap3A_1269 = arith.constant 6 : i32
          %swap3A_1270 = arith.index_cast %swap3A_1268 : i32 to index
          %swap3A_1271 = arith.index_cast %swap3A_1269 : i32 to index
          %swap3A_1272 = arith.constant 0 : index
          %swap3A_1273 = tpu.vector_load %arg24[%swap3A_1270, %swap3A_1271, %swap3A_1272] {strides = array<i32>} : memref<6x10x16xf32, #tpu.memory_space<vmem>>, vector<16xf32>,
          tpu.vector_store %arg24[%swap3A_1270, %swap3A_1271, %swap3A_1272], %masked_sort3A_1266 {strides = array<i32>} : memref<6x10x16xf32, #tpu.memory_space<vmem>>, vector<16xf32>,
          %swap3A_1274 = arith.constant 6 : i32
          %swap3A_1275 = arith.index_cast %swap3A_1274 : i32 to index
          %swap3A_1276 = arith.constant 0 : index
          %swap3A_1277 = tpu.vector_load %arg25[%swap3A_1275, %swap3A_1276] {strides = array<i32>} : memref<10x16xi32, #tpu.memory_space<vmem>>, vector<16xi32>,
          tpu.vector_store %arg25[%swap3A_1275, %swap3A_1276], %masked_sort3A_1267 {strides = array<i32>} : memref<10x16xi32, #tpu.memory_space<vmem>>, vector<16xi32>,
          %reduce_max3A = arith.constant true
          %reduce_max3A_1278 = vector.broadcast %reduce_max3A : i1 to vector<16xi1>
          %reduce_max3A_1279 = tpu.scan <max>, %masked_sort3A_1266 masked %reduce_max3A_1278 : vector<16xf32>, vector<16xi1> -> vector<16xf32>
          %reduce_max3A_1280 = vector.extract %reduce_max3A_1279[15] : f32 from vector<16xf32>
          %swap3A_1281 = arith.constant 6 : i32
          %swap3A_1282 = arith.index_cast %swap3A_1281 : i32 to index
          %swap3A_1283 = memref.load %arg26[%swap3A_1282] : memref<10xf32, #tpu.memory_space<smem>>
          memref.store %reduce_max3A_1280, %arg26[%swap3A_1282] : memref<10xf32, #tpu.memory_space<smem>>
        } else {
        }
        %convert_element_type3A_1231 = arith.extui %reduce_or3A_1146 : i1 to i32
        %cond3A_1232 = arith.constant 0 : i32
        %cond3A_1233 = arith.cmpi ne, %convert_element_type3A_1231, %cond3A_1232 : i32
        scf.if %cond3A_1233 {
          %get3A_1240 = arith.constant 5 : i32
          %get3A_1241 = arith.constant 7 : i32
          %get3A_1242 = arith.index_cast %get3A_1240 : i32 to index
          %get3A_1243 = arith.index_cast %get3A_1241 : i32 to index
          %get3A_1244 = arith.constant 0 : index
          %get3A_1245 = tpu.vector_load %arg24[%get3A_1242, %get3A_1243, %get3A_1244] {strides = array<i32>} : memref<6x10x16xf32, #tpu.memory_space<vmem>>, vector<16xf32>,
          %get3A_1246 = arith.constant 7 : i32
          %get3A_1247 = arith.index_cast %get3A_1246 : i32 to index
          %get3A_1248 = arith.constant 0 : index
          %get3A_1249 = tpu.vector_load %arg25[%get3A_1247, %get3A_1248] {strides = array<i32>} : memref<10x16xi32, #tpu.memory_space<vmem>>, vector<16xi32>,
          %masked_sort3A = arith.constant dense<true> : vector<16xi1>
          %masked_sort3A_1250, %masked_sort3A_1251, %masked_sort3A_1252 = tpu.sort %add3A_1130, %add3A_1209 masked %masked_sort3A : (vector<16xf32>, vector<16xi32>, vector<16xi1>) -> (vector<16xi1>, vector<16xf32>, vector<16xi32>)
          %rev3A = arith.constant 15 : i32
          %rev3A_1253 = vector.broadcast %rev3A : i32 to vector<16xi32>
          %rev3A_1254 = tpu.iota {dimensions = array<i32: 0>} : vector<16xi32>
          %rev3A_1255 = arith.subi %rev3A_1253, %rev3A_1254 : vector<16xi32>
          %rev3A_1256 = tpu.dynamic_gather %masked_sort3A_1251[%rev3A_1255] in [0] : vector<16xf32>, vector<16xi32> -> vector<16xf32>
          %rev3A_1257 = arith.constant 15 : i32
          %rev3A_1258 = vector.broadcast %rev3A_1257 : i32 to vector<16xi32>
          %rev3A_1259 = tpu.iota {dimensions = array<i32: 0>} : vector<16xi32>
          %rev3A_1260 = arith.subi %rev3A_1258, %rev3A_1259 : vector<16xi32>
          %rev3A_1261 = tpu.dynamic_gather %masked_sort3A_1252[%rev3A_1260] in [0] : vector<16xi32>, vector<16xi32> -> vector<16xi32>
          %le3A = arith.cmpf ole, %get3A_1245, %rev3A_1256 : vector<16xf32>
          %select_n3A_1262 = arith.select %le3A, %get3A_1245, %rev3A_1256 : vector<16xi1>, vector<16xf32>
          %select_n3A_1263 = arith.select %le3A, %get3A_1249, %rev3A_1261 : vector<16xi1>, vector<16xi32>
          %masked_sort3A_1264 = arith.constant dense<true> : vector<16xi1>
          %masked_sort3A_1265, %masked_sort3A_1266, %masked_sort3A_1267 = tpu.sort %select_n3A_1262, %select_n3A_1263 masked %masked_sort3A_1264 : (vector<16xf32>, vector<16xi32>, vector<16xi1>) -> (vector<16xi1>, vector<16xf32>, vector<16xi32>)
          %swap3A_1268 = arith.constant 5 : i32
          %swap3A_1269 = arith.constant 7 : i32
          %swap3A_1270 = arith.index_cast %swap3A_1268 : i32 to index
          %swap3A_1271 = arith.index_cast %swap3A_1269 : i32 to index
          %swap3A_1272 = arith.constant 0 : index
          %swap3A_1273 = tpu.vector_load %arg24[%swap3A_1270, %swap3A_1271, %swap3A_1272] {strides = array<i32>} : memref<6x10x16xf32, #tpu.memory_space<vmem>>, vector<16xf32>,
          tpu.vector_store %arg24[%swap3A_1270, %swap3A_1271, %swap3A_1272], %masked_sort3A_1266 {strides = array<i32>} : memref<6x10x16xf32, #tpu.memory_space<vmem>>, vector<16xf32>,
          %swap3A_1274 = arith.constant 7 : i32
          %swap3A_1275 = arith.index_cast %swap3A_1274 : i32 to index
          %swap3A_1276 = arith.constant 0 : index
          %swap3A_1277 = tpu.vector_load %arg25[%swap3A_1275, %swap3A_1276] {strides = array<i32>} : memref<10x16xi32, #tpu.memory_space<vmem>>, vector<16xi32>,
          tpu.vector_store %arg25[%swap3A_1275, %swap3A_1276], %masked_sort3A_1267 {strides = array<i32>} : memref<10x16xi32, #tpu.memory_space<vmem>>, vector<16xi32>,
          %reduce_max3A = arith.constant true
          %reduce_max3A_1278 = vector.broadcast %reduce_max3A : i1 to vector<16xi1>
          %reduce_max3A_1279 = tpu.scan <max>, %masked_sort3A_1266 masked %reduce_max3A_1278 : vector<16xf32>, vector<16xi1> -> vector<16xf32>
          %reduce_max3A_1280 = vector.extract %reduce_max3A_1279[15] : f32 from vector<16xf32>
          %swap3A_1281 = arith.constant 7 : i32
          %swap3A_1282 = arith.index_cast %swap3A_1281 : i32 to index
          %swap3A_1283 = memref.load %arg26[%swap3A_1282] : memref<10xf32, #tpu.memory_space<smem>>
          memref.store %reduce_max3A_1280, %arg26[%swap3A_1282] : memref<10xf32, #tpu.memory_space<smem>>
        } else {
        }
        %convert_element_type3A_1234 = arith.extui %reduce_or3A_1171 : i1 to i32
        %cond3A_1235 = arith.constant 0 : i32
        %cond3A_1236 = arith.cmpi ne, %convert_element_type3A_1234, %cond3A_1235 : i32
        scf.if %cond3A_1236 {
          %get3A_1240 = arith.constant 5 : i32
          %get3A_1241 = arith.constant 8 : i32
          %get3A_1242 = arith.index_cast %get3A_1240 : i32 to index
          %get3A_1243 = arith.index_cast %get3A_1241 : i32 to index
          %get3A_1244 = arith.constant 0 : index
          %get3A_1245 = tpu.vector_load %arg24[%get3A_1242, %get3A_1243, %get3A_1244] {strides = array<i32>} : memref<6x10x16xf32, #tpu.memory_space<vmem>>, vector<16xf32>,
          %get3A_1246 = arith.constant 8 : i32
          %get3A_1247 = arith.index_cast %get3A_1246 : i32 to index
          %get3A_1248 = arith.constant 0 : index
          %get3A_1249 = tpu.vector_load %arg25[%get3A_1247, %get3A_1248] {strides = array<i32>} : memref<10x16xi32, #tpu.memory_space<vmem>>, vector<16xi32>,
          %masked_sort3A = arith.constant dense<true> : vector<16xi1>
          %masked_sort3A_1250, %masked_sort3A_1251, %masked_sort3A_1252 = tpu.sort %add3A_1155, %add3A_1209 masked %masked_sort3A : (vector<16xf32>, vector<16xi32>, vector<16xi1>) -> (vector<16xi1>, vector<16xf32>, vector<16xi32>)
          %rev3A = arith.constant 15 : i32
          %rev3A_1253 = vector.broadcast %rev3A : i32 to vector<16xi32>
          %rev3A_1254 = tpu.iota {dimensions = array<i32: 0>} : vector<16xi32>
          %rev3A_1255 = arith.subi %rev3A_1253, %rev3A_1254 : vector<16xi32>
          %rev3A_1256 = tpu.dynamic_gather %masked_sort3A_1251[%rev3A_1255] in [0] : vector<16xf32>, vector<16xi32> -> vector<16xf32>
          %rev3A_1257 = arith.constant 15 : i32
          %rev3A_1258 = vector.broadcast %rev3A_1257 : i32 to vector<16xi32>
          %rev3A_1259 = tpu.iota {dimensions = array<i32: 0>} : vector<16xi32>
          %rev3A_1260 = arith.subi %rev3A_1258, %rev3A_1259 : vector<16xi32>
          %rev3A_1261 = tpu.dynamic_gather %masked_sort3A_1252[%rev3A_1260] in [0] : vector<16xi32>, vector<16xi32> -> vector<16xi32>
          %le3A = arith.cmpf ole, %get3A_1245, %rev3A_1256 : vector<16xf32>
          %select_n3A_1262 = arith.select %le3A, %get3A_1245, %rev3A_1256 : vector<16xi1>, vector<16xf32>
          %select_n3A_1263 = arith.select %le3A, %get3A_1249, %rev3A_1261 : vector<16xi1>, vector<16xi32>
          %masked_sort3A_1264 = arith.constant dense<true> : vector<16xi1>
          %masked_sort3A_1265, %masked_sort3A_1266, %masked_sort3A_1267 = tpu.sort %select_n3A_1262, %select_n3A_1263 masked %masked_sort3A_1264 : (vector<16xf32>, vector<16xi32>, vector<16xi1>) -> (vector<16xi1>, vector<16xf32>, vector<16xi32>)
          %swap3A_1268 = arith.constant 5 : i32
          %swap3A_1269 = arith.constant 8 : i32
          %swap3A_1270 = arith.index_cast %swap3A_1268 : i32 to index
          %swap3A_1271 = arith.index_cast %swap3A_1269 : i32 to index
          %swap3A_1272 = arith.constant 0 : index
          %swap3A_1273 = tpu.vector_load %arg24[%swap3A_1270, %swap3A_1271, %swap3A_1272] {strides = array<i32>} : memref<6x10x16xf32, #tpu.memory_space<vmem>>, vector<16xf32>,
          tpu.vector_store %arg24[%swap3A_1270, %swap3A_1271, %swap3A_1272], %masked_sort3A_1266 {strides = array<i32>} : memref<6x10x16xf32, #tpu.memory_space<vmem>>, vector<16xf32>,
          %swap3A_1274 = arith.constant 8 : i32
          %swap3A_1275 = arith.index_cast %swap3A_1274 : i32 to index
          %swap3A_1276 = arith.constant 0 : index
          %swap3A_1277 = tpu.vector_load %arg25[%swap3A_1275, %swap3A_1276] {strides = array<i32>} : memref<10x16xi32, #tpu.memory_space<vmem>>, vector<16xi32>,
          tpu.vector_store %arg25[%swap3A_1275, %swap3A_1276], %masked_sort3A_1267 {strides = array<i32>} : memref<10x16xi32, #tpu.memory_space<vmem>>, vector<16xi32>,
          %reduce_max3A = arith.constant true
          %reduce_max3A_1278 = vector.broadcast %reduce_max3A : i1 to vector<16xi1>
          %reduce_max3A_1279 = tpu.scan <max>, %masked_sort3A_1266 masked %reduce_max3A_1278 : vector<16xf32>, vector<16xi1> -> vector<16xf32>
          %reduce_max3A_1280 = vector.extract %reduce_max3A_1279[15] : f32 from vector<16xf32>
          %swap3A_1281 = arith.constant 8 : i32
          %swap3A_1282 = arith.index_cast %swap3A_1281 : i32 to index
          %swap3A_1283 = memref.load %arg26[%swap3A_1282] : memref<10xf32, #tpu.memory_space<smem>>
          memref.store %reduce_max3A_1280, %arg26[%swap3A_1282] : memref<10xf32, #tpu.memory_space<smem>>
        } else {
        }
        %convert_element_type3A_1237 = arith.extui %reduce_or3A_1196 : i1 to i32
        %cond3A_1238 = arith.constant 0 : i32
        %cond3A_1239 = arith.cmpi ne, %convert_element_type3A_1237, %cond3A_1238 : i32
        scf.if %cond3A_1239 {
          %get3A_1240 = arith.constant 5 : i32
          %get3A_1241 = arith.constant 9 : i32
          %get3A_1242 = arith.index_cast %get3A_1240 : i32 to index
          %get3A_1243 = arith.index_cast %get3A_1241 : i32 to index
          %get3A_1244 = arith.constant 0 : index
          %get3A_1245 = tpu.vector_load %arg24[%get3A_1242, %get3A_1243, %get3A_1244] {strides = array<i32>} : memref<6x10x16xf32, #tpu.memory_space<vmem>>, vector<16xf32>,
          %get3A_1246 = arith.constant 9 : i32
          %get3A_1247 = arith.index_cast %get3A_1246 : i32 to index
          %get3A_1248 = arith.constant 0 : index
          %get3A_1249 = tpu.vector_load %arg25[%get3A_1247, %get3A_1248] {strides = array<i32>} : memref<10x16xi32, #tpu.memory_space<vmem>>, vector<16xi32>,
          %masked_sort3A = arith.constant dense<true> : vector<16xi1>
          %masked_sort3A_1250, %masked_sort3A_1251, %masked_sort3A_1252 = tpu.sort %add3A_1180, %add3A_1209 masked %masked_sort3A : (vector<16xf32>, vector<16xi32>, vector<16xi1>) -> (vector<16xi1>, vector<16xf32>, vector<16xi32>)
          %rev3A = arith.constant 15 : i32
          %rev3A_1253 = vector.broadcast %rev3A : i32 to vector<16xi32>
          %rev3A_1254 = tpu.iota {dimensions = array<i32: 0>} : vector<16xi32>
          %rev3A_1255 = arith.subi %rev3A_1253, %rev3A_1254 : vector<16xi32>
          %rev3A_1256 = tpu.dynamic_gather %masked_sort3A_1251[%rev3A_1255] in [0] : vector<16xf32>, vector<16xi32> -> vector<16xf32>
          %rev3A_1257 = arith.constant 15 : i32
          %rev3A_1258 = vector.broadcast %rev3A_1257 : i32 to vector<16xi32>
          %rev3A_1259 = tpu.iota {dimensions = array<i32: 0>} : vector<16xi32>
          %rev3A_1260 = arith.subi %rev3A_1258, %rev3A_1259 : vector<16xi32>
          %rev3A_1261 = tpu.dynamic_gather %masked_sort3A_1252[%rev3A_1260] in [0] : vector<16xi32>, vector<16xi32> -> vector<16xi32>
          %le3A = arith.cmpf ole, %get3A_1245, %rev3A_1256 : vector<16xf32>
          %select_n3A_1262 = arith.select %le3A, %get3A_1245, %rev3A_1256 : vector<16xi1>, vector<16xf32>
          %select_n3A_1263 = arith.select %le3A, %get3A_1249, %rev3A_1261 : vector<16xi1>, vector<16xi32>
          %masked_sort3A_1264 = arith.constant dense<true> : vector<16xi1>
          %masked_sort3A_1265, %masked_sort3A_1266, %masked_sort3A_1267 = tpu.sort %select_n3A_1262, %select_n3A_1263 masked %masked_sort3A_1264 : (vector<16xf32>, vector<16xi32>, vector<16xi1>) -> (vector<16xi1>, vector<16xf32>, vector<16xi32>)
          %swap3A_1268 = arith.constant 5 : i32
          %swap3A_1269 = arith.constant 9 : i32
          %swap3A_1270 = arith.index_cast %swap3A_1268 : i32 to index
          %swap3A_1271 = arith.index_cast %swap3A_1269 : i32 to index
          %swap3A_1272 = arith.constant 0 : index
          %swap3A_1273 = tpu.vector_load %arg24[%swap3A_1270, %swap3A_1271, %swap3A_1272] {strides = array<i32>} : memref<6x10x16xf32, #tpu.memory_space<vmem>>, vector<16xf32>,
          tpu.vector_store %arg24[%swap3A_1270, %swap3A_1271, %swap3A_1272], %masked_sort3A_1266 {strides = array<i32>} : memref<6x10x16xf32, #tpu.memory_space<vmem>>, vector<16xf32>,
          %swap3A_1274 = arith.constant 9 : i32
          %swap3A_1275 = arith.index_cast %swap3A_1274 : i32 to index
          %swap3A_1276 = arith.constant 0 : index
          %swap3A_1277 = tpu.vector_load %arg25[%swap3A_1275, %swap3A_1276] {strides = array<i32>} : memref<10x16xi32, #tpu.memory_space<vmem>>, vector<16xi32>,
          tpu.vector_store %arg25[%swap3A_1275, %swap3A_1276], %masked_sort3A_1267 {strides = array<i32>} : memref<10x16xi32, #tpu.memory_space<vmem>>, vector<16xi32>,
          %reduce_max3A = arith.constant true
          %reduce_max3A_1278 = vector.broadcast %reduce_max3A : i1 to vector<16xi1>
          %reduce_max3A_1279 = tpu.scan <max>, %masked_sort3A_1266 masked %reduce_max3A_1278 : vector<16xf32>, vector<16xi1> -> vector<16xf32>
          %reduce_max3A_1280 = vector.extract %reduce_max3A_1279[15] : f32 from vector<16xf32>
          %swap3A_1281 = arith.constant 9 : i32
          %swap3A_1282 = arith.index_cast %swap3A_1281 : i32 to index
          %swap3A_1283 = memref.load %arg26[%swap3A_1282] : memref<10xf32, #tpu.memory_space<smem>>
          memref.store %reduce_max3A_1280, %arg26[%swap3A_1282] : memref<10xf32, #tpu.memory_space<smem>>
        } else {
        }
      } else {
      }
    }
    %scan3A_528 = arith.constant 625 : i32
    %get3A_529 = arith.constant 0 : i32
    %get3A_530 = arith.index_cast %get3A_529 : i32 to index
    %get3A_531 = arith.constant 0 : index
    %get3A_532 = tpu.vector_load %arg25[%get3A_530, %get3A_531] {strides = array<i32>} : memref<10x16xi32, #tpu.memory_space<vmem>>, vector<16xi32>,
    %sub3A = vector.broadcast %mul3A_2 : i32 to vector<16xi32>
    %sub3A_533 = arith.subi %get3A_532, %sub3A : vector<16xi32>
    %gather3A = tpu.vector_load_idx %arg12[%sub3A_533] : memref<10000xf32, #tpu.memory_space<vmem>>[vector<16xi32>], vector<16xf32>,
    %swap3A_534 = arith.constant 0 : i32
    %swap3A_535 = arith.constant 0 : i32
    %swap3A_536 = arith.index_cast %swap3A_534 : i32 to index
    %swap3A_537 = arith.index_cast %swap3A_535 : i32 to index
    %swap3A_538 = arith.constant 0 : index
    %swap3A_539 = tpu.vector_load %arg24[%swap3A_536, %swap3A_537, %swap3A_538] {strides = array<i32>} : memref<6x10x16xf32, #tpu.memory_space<vmem>>, vector<16xf32>,
    tpu.vector_store %arg24[%swap3A_536, %swap3A_537, %swap3A_538], %gather3A {strides = array<i32>} : memref<6x10x16xf32, #tpu.memory_space<vmem>>, vector<16xf32>,
    %gather3A_540 = tpu.vector_load_idx %arg13[%sub3A_533] : memref<10000xf32, #tpu.memory_space<vmem>>[vector<16xi32>], vector<16xf32>,
    %swap3A_541 = arith.constant 1 : i32
    %swap3A_542 = arith.constant 0 : i32
    %swap3A_543 = arith.index_cast %swap3A_541 : i32 to index
    %swap3A_544 = arith.index_cast %swap3A_542 : i32 to index
    %swap3A_545 = arith.constant 0 : index
    %swap3A_546 = tpu.vector_load %arg24[%swap3A_543, %swap3A_544, %swap3A_545] {strides = array<i32>} : memref<6x10x16xf32, #tpu.memory_space<vmem>>, vector<16xf32>,
    tpu.vector_store %arg24[%swap3A_543, %swap3A_544, %swap3A_545], %gather3A_540 {strides = array<i32>} : memref<6x10x16xf32, #tpu.memory_space<vmem>>, vector<16xf32>,
    %gather3A_547 = tpu.vector_load_idx %arg14[%sub3A_533] : memref<10000xf32, #tpu.memory_space<vmem>>[vector<16xi32>], vector<16xf32>,
    %swap3A_548 = arith.constant 2 : i32
    %swap3A_549 = arith.constant 0 : i32
    %swap3A_550 = arith.index_cast %swap3A_548 : i32 to index
    %swap3A_551 = arith.index_cast %swap3A_549 : i32 to index
    %swap3A_552 = arith.constant 0 : index
    %swap3A_553 = tpu.vector_load %arg24[%swap3A_550, %swap3A_551, %swap3A_552] {strides = array<i32>} : memref<6x10x16xf32, #tpu.memory_space<vmem>>, vector<16xf32>,
    tpu.vector_store %arg24[%swap3A_550, %swap3A_551, %swap3A_552], %gather3A_547 {strides = array<i32>} : memref<6x10x16xf32, #tpu.memory_space<vmem>>, vector<16xf32>,
    %gather3A_554 = tpu.vector_load_idx %arg15[%sub3A_533] : memref<10000xf32, #tpu.memory_space<vmem>>[vector<16xi32>], vector<16xf32>,
    %swap3A_555 = arith.constant 3 : i32
    %swap3A_556 = arith.constant 0 : i32
    %swap3A_557 = arith.index_cast %swap3A_555 : i32 to index
    %swap3A_558 = arith.index_cast %swap3A_556 : i32 to index
    %swap3A_559 = arith.constant 0 : index
    %swap3A_560 = tpu.vector_load %arg24[%swap3A_557, %swap3A_558, %swap3A_559] {strides = array<i32>} : memref<6x10x16xf32, #tpu.memory_space<vmem>>, vector<16xf32>,
    tpu.vector_store %arg24[%swap3A_557, %swap3A_558, %swap3A_559], %gather3A_554 {strides = array<i32>} : memref<6x10x16xf32, #tpu.memory_space<vmem>>, vector<16xf32>,
    %gather3A_561 = tpu.vector_load_idx %arg16[%sub3A_533] : memref<10000xf32, #tpu.memory_space<vmem>>[vector<16xi32>], vector<16xf32>,
    %swap3A_562 = arith.constant 4 : i32
    %swap3A_563 = arith.constant 0 : i32
    %swap3A_564 = arith.index_cast %swap3A_562 : i32 to index
    %swap3A_565 = arith.index_cast %swap3A_563 : i32 to index
    %swap3A_566 = arith.constant 0 : index
    %swap3A_567 = tpu.vector_load %arg24[%swap3A_564, %swap3A_565, %swap3A_566] {strides = array<i32>} : memref<6x10x16xf32, #tpu.memory_space<vmem>>, vector<16xf32>,
    tpu.vector_store %arg24[%swap3A_564, %swap3A_565, %swap3A_566], %gather3A_561 {strides = array<i32>} : memref<6x10x16xf32, #tpu.memory_space<vmem>>, vector<16xf32>,
    %get3A_568 = arith.constant 1 : i32
    %get3A_569 = arith.index_cast %get3A_568 : i32 to index
    %get3A_570 = arith.constant 0 : index
    %get3A_571 = tpu.vector_load %arg25[%get3A_569, %get3A_570] {strides = array<i32>} : memref<10x16xi32, #tpu.memory_space<vmem>>, vector<16xi32>,
    %sub3A_572 = vector.broadcast %mul3A_2 : i32 to vector<16xi32>
    %sub3A_573 = arith.subi %get3A_571, %sub3A_572 : vector<16xi32>
    %gather3A_574 = tpu.vector_load_idx %arg12[%sub3A_573] : memref<10000xf32, #tpu.memory_space<vmem>>[vector<16xi32>], vector<16xf32>,
    %swap3A_575 = arith.constant 0 : i32
    %swap3A_576 = arith.constant 1 : i32
    %swap3A_577 = arith.index_cast %swap3A_575 : i32 to index
    %swap3A_578 = arith.index_cast %swap3A_576 : i32 to index
    %swap3A_579 = arith.constant 0 : index
    %swap3A_580 = tpu.vector_load %arg24[%swap3A_577, %swap3A_578, %swap3A_579] {strides = array<i32>} : memref<6x10x16xf32, #tpu.memory_space<vmem>>, vector<16xf32>,
    tpu.vector_store %arg24[%swap3A_577, %swap3A_578, %swap3A_579], %gather3A_574 {strides = array<i32>} : memref<6x10x16xf32, #tpu.memory_space<vmem>>, vector<16xf32>,
    %gather3A_581 = tpu.vector_load_idx %arg13[%sub3A_573] : memref<10000xf32, #tpu.memory_space<vmem>>[vector<16xi32>], vector<16xf32>,
    %swap3A_582 = arith.constant 1 : i32
    %swap3A_583 = arith.constant 1 : i32
    %swap3A_584 = arith.index_cast %swap3A_582 : i32 to index
    %swap3A_585 = arith.index_cast %swap3A_583 : i32 to index
    %swap3A_586 = arith.constant 0 : index
    %swap3A_587 = tpu.vector_load %arg24[%swap3A_584, %swap3A_585, %swap3A_586] {strides = array<i32>} : memref<6x10x16xf32, #tpu.memory_space<vmem>>, vector<16xf32>,
    tpu.vector_store %arg24[%swap3A_584, %swap3A_585, %swap3A_586], %gather3A_581 {strides = array<i32>} : memref<6x10x16xf32, #tpu.memory_space<vmem>>, vector<16xf32>,
    %gather3A_588 = tpu.vector_load_idx %arg14[%sub3A_573] : memref<10000xf32, #tpu.memory_space<vmem>>[vector<16xi32>], vector<16xf32>,
    %swap3A_589 = arith.constant 2 : i32
    %swap3A_590 = arith.constant 1 : i32
    %swap3A_591 = arith.index_cast %swap3A_589 : i32 to index
    %swap3A_592 = arith.index_cast %swap3A_590 : i32 to index
    %swap3A_593 = arith.constant 0 : index
    %swap3A_594 = tpu.vector_load %arg24[%swap3A_591, %swap3A_592, %swap3A_593] {strides = array<i32>} : memref<6x10x16xf32, #tpu.memory_space<vmem>>, vector<16xf32>,
    tpu.vector_store %arg24[%swap3A_591, %swap3A_592, %swap3A_593], %gather3A_588 {strides = array<i32>} : memref<6x10x16xf32, #tpu.memory_space<vmem>>, vector<16xf32>,
    %gather3A_595 = tpu.vector_load_idx %arg15[%sub3A_573] : memref<10000xf32, #tpu.memory_space<vmem>>[vector<16xi32>], vector<16xf32>,
    %swap3A_596 = arith.constant 3 : i32
    %swap3A_597 = arith.constant 1 : i32
    %swap3A_598 = arith.index_cast %swap3A_596 : i32 to index
    %swap3A_599 = arith.index_cast %swap3A_597 : i32 to index
    %swap3A_600 = arith.constant 0 : index
    %swap3A_601 = tpu.vector_load %arg24[%swap3A_598, %swap3A_599, %swap3A_600] {strides = array<i32>} : memref<6x10x16xf32, #tpu.memory_space<vmem>>, vector<16xf32>,
    tpu.vector_store %arg24[%swap3A_598, %swap3A_599, %swap3A_600], %gather3A_595 {strides = array<i32>} : memref<6x10x16xf32, #tpu.memory_space<vmem>>, vector<16xf32>,
    %gather3A_602 = tpu.vector_load_idx %arg16[%sub3A_573] : memref<10000xf32, #tpu.memory_space<vmem>>[vector<16xi32>], vector<16xf32>,
    %swap3A_603 = arith.constant 4 : i32
    %swap3A_604 = arith.constant 1 : i32
    %swap3A_605 = arith.index_cast %swap3A_603 : i32 to index
    %swap3A_606 = arith.index_cast %swap3A_604 : i32 to index
    %swap3A_607 = arith.constant 0 : index
    %swap3A_608 = tpu.vector_load %arg24[%swap3A_605, %swap3A_606, %swap3A_607] {strides = array<i32>} : memref<6x10x16xf32, #tpu.memory_space<vmem>>, vector<16xf32>,
    tpu.vector_store %arg24[%swap3A_605, %swap3A_606, %swap3A_607], %gather3A_602 {strides = array<i32>} : memref<6x10x16xf32, #tpu.memory_space<vmem>>, vector<16xf32>,
    %get3A_609 = arith.constant 2 : i32
    %get3A_610 = arith.index_cast %get3A_609 : i32 to index
    %get3A_611 = arith.constant 0 : index
    %get3A_612 = tpu.vector_load %arg25[%get3A_610, %get3A_611] {strides = array<i32>} : memref<10x16xi32, #tpu.memory_space<vmem>>, vector<16xi32>,
    %sub3A_613 = vector.broadcast %mul3A_2 : i32 to vector<16xi32>
    %sub3A_614 = arith.subi %get3A_612, %sub3A_613 : vector<16xi32>
    %gather3A_615 = tpu.vector_load_idx %arg12[%sub3A_614] : memref<10000xf32, #tpu.memory_space<vmem>>[vector<16xi32>], vector<16xf32>,
    %swap3A_616 = arith.constant 0 : i32
    %swap3A_617 = arith.constant 2 : i32
    %swap3A_618 = arith.index_cast %swap3A_616 : i32 to index
    %swap3A_619 = arith.index_cast %swap3A_617 : i32 to index
    %swap3A_620 = arith.constant 0 : index
    %swap3A_621 = tpu.vector_load %arg24[%swap3A_618, %swap3A_619, %swap3A_620] {strides = array<i32>} : memref<6x10x16xf32, #tpu.memory_space<vmem>>, vector<16xf32>,
    tpu.vector_store %arg24[%swap3A_618, %swap3A_619, %swap3A_620], %gather3A_615 {strides = array<i32>} : memref<6x10x16xf32, #tpu.memory_space<vmem>>, vector<16xf32>,
    %gather3A_622 = tpu.vector_load_idx %arg13[%sub3A_614] : memref<10000xf32, #tpu.memory_space<vmem>>[vector<16xi32>], vector<16xf32>,
    %swap3A_623 = arith.constant 1 : i32
    %swap3A_624 = arith.constant 2 : i32
    %swap3A_625 = arith.index_cast %swap3A_623 : i32 to index
    %swap3A_626 = arith.index_cast %swap3A_624 : i32 to index
    %swap3A_627 = arith.constant 0 : index
    %swap3A_628 = tpu.vector_load %arg24[%swap3A_625, %swap3A_626, %swap3A_627] {strides = array<i32>} : memref<6x10x16xf32, #tpu.memory_space<vmem>>, vector<16xf32>,
    tpu.vector_store %arg24[%swap3A_625, %swap3A_626, %swap3A_627], %gather3A_622 {strides = array<i32>} : memref<6x10x16xf32, #tpu.memory_space<vmem>>, vector<16xf32>,
    %gather3A_629 = tpu.vector_load_idx %arg14[%sub3A_614] : memref<10000xf32, #tpu.memory_space<vmem>>[vector<16xi32>], vector<16xf32>,
    %swap3A_630 = arith.constant 2 : i32
    %swap3A_631 = arith.constant 2 : i32
    %swap3A_632 = arith.index_cast %swap3A_630 : i32 to index
    %swap3A_633 = arith.index_cast %swap3A_631 : i32 to index
    %swap3A_634 = arith.constant 0 : index
    %swap3A_635 = tpu.vector_load %arg24[%swap3A_632, %swap3A_633, %swap3A_634] {strides = array<i32>} : memref<6x10x16xf32, #tpu.memory_space<vmem>>, vector<16xf32>,
    tpu.vector_store %arg24[%swap3A_632, %swap3A_633, %swap3A_634], %gather3A_629 {strides = array<i32>} : memref<6x10x16xf32, #tpu.memory_space<vmem>>, vector<16xf32>,
    %gather3A_636 = tpu.vector_load_idx %arg15[%sub3A_614] : memref<10000xf32, #tpu.memory_space<vmem>>[vector<16xi32>], vector<16xf32>,
    %swap3A_637 = arith.constant 3 : i32
    %swap3A_638 = arith.constant 2 : i32
    %swap3A_639 = arith.index_cast %swap3A_637 : i32 to index
    %swap3A_640 = arith.index_cast %swap3A_638 : i32 to index
    %swap3A_641 = arith.constant 0 : index
    %swap3A_642 = tpu.vector_load %arg24[%swap3A_639, %swap3A_640, %swap3A_641] {strides = array<i32>} : memref<6x10x16xf32, #tpu.memory_space<vmem>>, vector<16xf32>,
    tpu.vector_store %arg24[%swap3A_639, %swap3A_640, %swap3A_641], %gather3A_636 {strides = array<i32>} : memref<6x10x16xf32, #tpu.memory_space<vmem>>, vector<16xf32>,
    %gather3A_643 = tpu.vector_load_idx %arg16[%sub3A_614] : memref<10000xf32, #tpu.memory_space<vmem>>[vector<16xi32>], vector<16xf32>,
    %swap3A_644 = arith.constant 4 : i32
    %swap3A_645 = arith.constant 2 : i32
    %swap3A_646 = arith.index_cast %swap3A_644 : i32 to index
    %swap3A_647 = arith.index_cast %swap3A_645 : i32 to index
    %swap3A_648 = arith.constant 0 : index
    %swap3A_649 = tpu.vector_load %arg24[%swap3A_646, %swap3A_647, %swap3A_648] {strides = array<i32>} : memref<6x10x16xf32, #tpu.memory_space<vmem>>, vector<16xf32>,
    tpu.vector_store %arg24[%swap3A_646, %swap3A_647, %swap3A_648], %gather3A_643 {strides = array<i32>} : memref<6x10x16xf32, #tpu.memory_space<vmem>>, vector<16xf32>,
    %get3A_650 = arith.constant 3 : i32
    %get3A_651 = arith.index_cast %get3A_650 : i32 to index
    %get3A_652 = arith.constant 0 : index
    %get3A_653 = tpu.vector_load %arg25[%get3A_651, %get3A_652] {strides = array<i32>} : memref<10x16xi32, #tpu.memory_space<vmem>>, vector<16xi32>,
    %sub3A_654 = vector.broadcast %mul3A_2 : i32 to vector<16xi32>
    %sub3A_655 = arith.subi %get3A_653, %sub3A_654 : vector<16xi32>
    %gather3A_656 = tpu.vector_load_idx %arg12[%sub3A_655] : memref<10000xf32, #tpu.memory_space<vmem>>[vector<16xi32>], vector<16xf32>,
    %swap3A_657 = arith.constant 0 : i32
    %swap3A_658 = arith.constant 3 : i32
    %swap3A_659 = arith.index_cast %swap3A_657 : i32 to index
    %swap3A_660 = arith.index_cast %swap3A_658 : i32 to index
    %swap3A_661 = arith.constant 0 : index
    %swap3A_662 = tpu.vector_load %arg24[%swap3A_659, %swap3A_660, %swap3A_661] {strides = array<i32>} : memref<6x10x16xf32, #tpu.memory_space<vmem>>, vector<16xf32>,
    tpu.vector_store %arg24[%swap3A_659, %swap3A_660, %swap3A_661], %gather3A_656 {strides = array<i32>} : memref<6x10x16xf32, #tpu.memory_space<vmem>>, vector<16xf32>,
    %gather3A_663 = tpu.vector_load_idx %arg13[%sub3A_655] : memref<10000xf32, #tpu.memory_space<vmem>>[vector<16xi32>], vector<16xf32>,
    %swap3A_664 = arith.constant 1 : i32
    %swap3A_665 = arith.constant 3 : i32
    %swap3A_666 = arith.index_cast %swap3A_664 : i32 to index
    %swap3A_667 = arith.index_cast %swap3A_665 : i32 to index
    %swap3A_668 = arith.constant 0 : index
    %swap3A_669 = tpu.vector_load %arg24[%swap3A_666, %swap3A_667, %swap3A_668] {strides = array<i32>} : memref<6x10x16xf32, #tpu.memory_space<vmem>>, vector<16xf32>,
    tpu.vector_store %arg24[%swap3A_666, %swap3A_667, %swap3A_668], %gather3A_663 {strides = array<i32>} : memref<6x10x16xf32, #tpu.memory_space<vmem>>, vector<16xf32>,
    %gather3A_670 = tpu.vector_load_idx %arg14[%sub3A_655] : memref<10000xf32, #tpu.memory_space<vmem>>[vector<16xi32>], vector<16xf32>,
    %swap3A_671 = arith.constant 2 : i32
    %swap3A_672 = arith.constant 3 : i32
    %swap3A_673 = arith.index_cast %swap3A_671 : i32 to index
    %swap3A_674 = arith.index_cast %swap3A_672 : i32 to index
    %swap3A_675 = arith.constant 0 : index
    %swap3A_676 = tpu.vector_load %arg24[%swap3A_673, %swap3A_674, %swap3A_675] {strides = array<i32>} : memref<6x10x16xf32, #tpu.memory_space<vmem>>, vector<16xf32>,
    tpu.vector_store %arg24[%swap3A_673, %swap3A_674, %swap3A_675], %gather3A_670 {strides = array<i32>} : memref<6x10x16xf32, #tpu.memory_space<vmem>>, vector<16xf32>,
    %gather3A_677 = tpu.vector_load_idx %arg15[%sub3A_655] : memref<10000xf32, #tpu.memory_space<vmem>>[vector<16xi32>], vector<16xf32>,
    %swap3A_678 = arith.constant 3 : i32
    %swap3A_679 = arith.constant 3 : i32
    %swap3A_680 = arith.index_cast %swap3A_678 : i32 to index
    %swap3A_681 = arith.index_cast %swap3A_679 : i32 to index
    %swap3A_682 = arith.constant 0 : index
    %swap3A_683 = tpu.vector_load %arg24[%swap3A_680, %swap3A_681, %swap3A_682] {strides = array<i32>} : memref<6x10x16xf32, #tpu.memory_space<vmem>>, vector<16xf32>,
    tpu.vector_store %arg24[%swap3A_680, %swap3A_681, %swap3A_682], %gather3A_677 {strides = array<i32>} : memref<6x10x16xf32, #tpu.memory_space<vmem>>, vector<16xf32>,
    %gather3A_684 = tpu.vector_load_idx %arg16[%sub3A_655] : memref<10000xf32, #tpu.memory_space<vmem>>[vector<16xi32>], vector<16xf32>,
    %swap3A_685 = arith.constant 4 : i32
    %swap3A_686 = arith.constant 3 : i32
    %swap3A_687 = arith.index_cast %swap3A_685 : i32 to index
    %swap3A_688 = arith.index_cast %swap3A_686 : i32 to index
    %swap3A_689 = arith.constant 0 : index
    %swap3A_690 = tpu.vector_load %arg24[%swap3A_687, %swap3A_688, %swap3A_689] {strides = array<i32>} : memref<6x10x16xf32, #tpu.memory_space<vmem>>, vector<16xf32>,
    tpu.vector_store %arg24[%swap3A_687, %swap3A_688, %swap3A_689], %gather3A_684 {strides = array<i32>} : memref<6x10x16xf32, #tpu.memory_space<vmem>>, vector<16xf32>,
    %get3A_691 = arith.constant 4 : i32
    %get3A_692 = arith.index_cast %get3A_691 : i32 to index
    %get3A_693 = arith.constant 0 : index
    %get3A_694 = tpu.vector_load %arg25[%get3A_692, %get3A_693] {strides = array<i32>} : memref<10x16xi32, #tpu.memory_space<vmem>>, vector<16xi32>,
    %sub3A_695 = vector.broadcast %mul3A_2 : i32 to vector<16xi32>
    %sub3A_696 = arith.subi %get3A_694, %sub3A_695 : vector<16xi32>
    %gather3A_697 = tpu.vector_load_idx %arg12[%sub3A_696] : memref<10000xf32, #tpu.memory_space<vmem>>[vector<16xi32>], vector<16xf32>,
    %swap3A_698 = arith.constant 0 : i32
    %swap3A_699 = arith.constant 4 : i32
    %swap3A_700 = arith.index_cast %swap3A_698 : i32 to index
    %swap3A_701 = arith.index_cast %swap3A_699 : i32 to index
    %swap3A_702 = arith.constant 0 : index
    %swap3A_703 = tpu.vector_load %arg24[%swap3A_700, %swap3A_701, %swap3A_702] {strides = array<i32>} : memref<6x10x16xf32, #tpu.memory_space<vmem>>, vector<16xf32>,
    tpu.vector_store %arg24[%swap3A_700, %swap3A_701, %swap3A_702], %gather3A_697 {strides = array<i32>} : memref<6x10x16xf32, #tpu.memory_space<vmem>>, vector<16xf32>,
    %gather3A_704 = tpu.vector_load_idx %arg13[%sub3A_696] : memref<10000xf32, #tpu.memory_space<vmem>>[vector<16xi32>], vector<16xf32>,
    %swap3A_705 = arith.constant 1 : i32
    %swap3A_706 = arith.constant 4 : i32
    %swap3A_707 = arith.index_cast %swap3A_705 : i32 to index
    %swap3A_708 = arith.index_cast %swap3A_706 : i32 to index
    %swap3A_709 = arith.constant 0 : index
    %swap3A_710 = tpu.vector_load %arg24[%swap3A_707, %swap3A_708, %swap3A_709] {strides = array<i32>} : memref<6x10x16xf32, #tpu.memory_space<vmem>>, vector<16xf32>,
    tpu.vector_store %arg24[%swap3A_707, %swap3A_708, %swap3A_709], %gather3A_704 {strides = array<i32>} : memref<6x10x16xf32, #tpu.memory_space<vmem>>, vector<16xf32>,
    %gather3A_711 = tpu.vector_load_idx %arg14[%sub3A_696] : memref<10000xf32, #tpu.memory_space<vmem>>[vector<16xi32>], vector<16xf32>,
    %swap3A_712 = arith.constant 2 : i32
    %swap3A_713 = arith.constant 4 : i32
    %swap3A_714 = arith.index_cast %swap3A_712 : i32 to index
    %swap3A_715 = arith.index_cast %swap3A_713 : i32 to index
    %swap3A_716 = arith.constant 0 : index
    %swap3A_717 = tpu.vector_load %arg24[%swap3A_714, %swap3A_715, %swap3A_716] {strides = array<i32>} : memref<6x10x16xf32, #tpu.memory_space<vmem>>, vector<16xf32>,
    tpu.vector_store %arg24[%swap3A_714, %swap3A_715, %swap3A_716], %gather3A_711 {strides = array<i32>} : memref<6x10x16xf32, #tpu.memory_space<vmem>>, vector<16xf32>,
    %gather3A_718 = tpu.vector_load_idx %arg15[%sub3A_696] : memref<10000xf32, #tpu.memory_space<vmem>>[vector<16xi32>], vector<16xf32>,
    %swap3A_719 = arith.constant 3 : i32
    %swap3A_720 = arith.constant 4 : i32
    %swap3A_721 = arith.index_cast %swap3A_719 : i32 to index
    %swap3A_722 = arith.index_cast %swap3A_720 : i32 to index
    %swap3A_723 = arith.constant 0 : index
    %swap3A_724 = tpu.vector_load %arg24[%swap3A_721, %swap3A_722, %swap3A_723] {strides = array<i32>} : memref<6x10x16xf32, #tpu.memory_space<vmem>>, vector<16xf32>,
    tpu.vector_store %arg24[%swap3A_721, %swap3A_722, %swap3A_723], %gather3A_718 {strides = array<i32>} : memref<6x10x16xf32, #tpu.memory_space<vmem>>, vector<16xf32>,
    %gather3A_725 = tpu.vector_load_idx %arg16[%sub3A_696] : memref<10000xf32, #tpu.memory_space<vmem>>[vector<16xi32>], vector<16xf32>,
    %swap3A_726 = arith.constant 4 : i32
    %swap3A_727 = arith.constant 4 : i32
    %swap3A_728 = arith.index_cast %swap3A_726 : i32 to index
    %swap3A_729 = arith.index_cast %swap3A_727 : i32 to index
    %swap3A_730 = arith.constant 0 : index
    %swap3A_731 = tpu.vector_load %arg24[%swap3A_728, %swap3A_729, %swap3A_730] {strides = array<i32>} : memref<6x10x16xf32, #tpu.memory_space<vmem>>, vector<16xf32>,
    tpu.vector_store %arg24[%swap3A_728, %swap3A_729, %swap3A_730], %gather3A_725 {strides = array<i32>} : memref<6x10x16xf32, #tpu.memory_space<vmem>>, vector<16xf32>,
    %get3A_732 = arith.constant 5 : i32
    %get3A_733 = arith.index_cast %get3A_732 : i32 to index
    %get3A_734 = arith.constant 0 : index
    %get3A_735 = tpu.vector_load %arg25[%get3A_733, %get3A_734] {strides = array<i32>} : memref<10x16xi32, #tpu.memory_space<vmem>>, vector<16xi32>,
    %sub3A_736 = vector.broadcast %mul3A_2 : i32 to vector<16xi32>
    %sub3A_737 = arith.subi %get3A_735, %sub3A_736 : vector<16xi32>
    %gather3A_738 = tpu.vector_load_idx %arg12[%sub3A_737] : memref<10000xf32, #tpu.memory_space<vmem>>[vector<16xi32>], vector<16xf32>,
    %swap3A_739 = arith.constant 0 : i32
    %swap3A_740 = arith.constant 5 : i32
    %swap3A_741 = arith.index_cast %swap3A_739 : i32 to index
    %swap3A_742 = arith.index_cast %swap3A_740 : i32 to index
    %swap3A_743 = arith.constant 0 : index
    %swap3A_744 = tpu.vector_load %arg24[%swap3A_741, %swap3A_742, %swap3A_743] {strides = array<i32>} : memref<6x10x16xf32, #tpu.memory_space<vmem>>, vector<16xf32>,
    tpu.vector_store %arg24[%swap3A_741, %swap3A_742, %swap3A_743], %gather3A_738 {strides = array<i32>} : memref<6x10x16xf32, #tpu.memory_space<vmem>>, vector<16xf32>,
    %gather3A_745 = tpu.vector_load_idx %arg13[%sub3A_737] : memref<10000xf32, #tpu.memory_space<vmem>>[vector<16xi32>], vector<16xf32>,
    %swap3A_746 = arith.constant 1 : i32
    %swap3A_747 = arith.constant 5 : i32
    %swap3A_748 = arith.index_cast %swap3A_746 : i32 to index
    %swap3A_749 = arith.index_cast %swap3A_747 : i32 to index
    %swap3A_750 = arith.constant 0 : index
    %swap3A_751 = tpu.vector_load %arg24[%swap3A_748, %swap3A_749, %swap3A_750] {strides = array<i32>} : memref<6x10x16xf32, #tpu.memory_space<vmem>>, vector<16xf32>,
    tpu.vector_store %arg24[%swap3A_748, %swap3A_749, %swap3A_750], %gather3A_745 {strides = array<i32>} : memref<6x10x16xf32, #tpu.memory_space<vmem>>, vector<16xf32>,
    %gather3A_752 = tpu.vector_load_idx %arg14[%sub3A_737] : memref<10000xf32, #tpu.memory_space<vmem>>[vector<16xi32>], vector<16xf32>,
    %swap3A_753 = arith.constant 2 : i32
    %swap3A_754 = arith.constant 5 : i32
    %swap3A_755 = arith.index_cast %swap3A_753 : i32 to index
    %swap3A_756 = arith.index_cast %swap3A_754 : i32 to index
    %swap3A_757 = arith.constant 0 : index
    %swap3A_758 = tpu.vector_load %arg24[%swap3A_755, %swap3A_756, %swap3A_757] {strides = array<i32>} : memref<6x10x16xf32, #tpu.memory_space<vmem>>, vector<16xf32>,
    tpu.vector_store %arg24[%swap3A_755, %swap3A_756, %swap3A_757], %gather3A_752 {strides = array<i32>} : memref<6x10x16xf32, #tpu.memory_space<vmem>>, vector<16xf32>,
    %gather3A_759 = tpu.vector_load_idx %arg15[%sub3A_737] : memref<10000xf32, #tpu.memory_space<vmem>>[vector<16xi32>], vector<16xf32>,
    %swap3A_760 = arith.constant 3 : i32
    %swap3A_761 = arith.constant 5 : i32
    %swap3A_762 = arith.index_cast %swap3A_760 : i32 to index
    %swap3A_763 = arith.index_cast %swap3A_761 : i32 to index
    %swap3A_764 = arith.constant 0 : index
    %swap3A_765 = tpu.vector_load %arg24[%swap3A_762, %swap3A_763, %swap3A_764] {strides = array<i32>} : memref<6x10x16xf32, #tpu.memory_space<vmem>>, vector<16xf32>,
    tpu.vector_store %arg24[%swap3A_762, %swap3A_763, %swap3A_764], %gather3A_759 {strides = array<i32>} : memref<6x10x16xf32, #tpu.memory_space<vmem>>, vector<16xf32>,
    %gather3A_766 = tpu.vector_load_idx %arg16[%sub3A_737] : memref<10000xf32, #tpu.memory_space<vmem>>[vector<16xi32>], vector<16xf32>,
    %swap3A_767 = arith.constant 4 : i32
    %swap3A_768 = arith.constant 5 : i32
    %swap3A_769 = arith.index_cast %swap3A_767 : i32 to index
    %swap3A_770 = arith.index_cast %swap3A_768 : i32 to index
    %swap3A_771 = arith.constant 0 : index
    %swap3A_772 = tpu.vector_load %arg24[%swap3A_769, %swap3A_770, %swap3A_771] {strides = array<i32>} : memref<6x10x16xf32, #tpu.memory_space<vmem>>, vector<16xf32>,
    tpu.vector_store %arg24[%swap3A_769, %swap3A_770, %swap3A_771], %gather3A_766 {strides = array<i32>} : memref<6x10x16xf32, #tpu.memory_space<vmem>>, vector<16xf32>,
    %get3A_773 = arith.constant 6 : i32
    %get3A_774 = arith.index_cast %get3A_773 : i32 to index
    %get3A_775 = arith.constant 0 : index
    %get3A_776 = tpu.vector_load %arg25[%get3A_774, %get3A_775] {strides = array<i32>} : memref<10x16xi32, #tpu.memory_space<vmem>>, vector<16xi32>,
    %sub3A_777 = vector.broadcast %mul3A_2 : i32 to vector<16xi32>
    %sub3A_778 = arith.subi %get3A_776, %sub3A_777 : vector<16xi32>
    %gather3A_779 = tpu.vector_load_idx %arg12[%sub3A_778] : memref<10000xf32, #tpu.memory_space<vmem>>[vector<16xi32>], vector<16xf32>,
    %swap3A_780 = arith.constant 0 : i32
    %swap3A_781 = arith.constant 6 : i32
    %swap3A_782 = arith.index_cast %swap3A_780 : i32 to index
    %swap3A_783 = arith.index_cast %swap3A_781 : i32 to index
    %swap3A_784 = arith.constant 0 : index
    %swap3A_785 = tpu.vector_load %arg24[%swap3A_782, %swap3A_783, %swap3A_784] {strides = array<i32>} : memref<6x10x16xf32, #tpu.memory_space<vmem>>, vector<16xf32>,
    tpu.vector_store %arg24[%swap3A_782, %swap3A_783, %swap3A_784], %gather3A_779 {strides = array<i32>} : memref<6x10x16xf32, #tpu.memory_space<vmem>>, vector<16xf32>,
    %gather3A_786 = tpu.vector_load_idx %arg13[%sub3A_778] : memref<10000xf32, #tpu.memory_space<vmem>>[vector<16xi32>], vector<16xf32>,
    %swap3A_787 = arith.constant 1 : i32
    %swap3A_788 = arith.constant 6 : i32
    %swap3A_789 = arith.index_cast %swap3A_787 : i32 to index
    %swap3A_790 = arith.index_cast %swap3A_788 : i32 to index
    %swap3A_791 = arith.constant 0 : index
    %swap3A_792 = tpu.vector_load %arg24[%swap3A_789, %swap3A_790, %swap3A_791] {strides = array<i32>} : memref<6x10x16xf32, #tpu.memory_space<vmem>>, vector<16xf32>,
    tpu.vector_store %arg24[%swap3A_789, %swap3A_790, %swap3A_791], %gather3A_786 {strides = array<i32>} : memref<6x10x16xf32, #tpu.memory_space<vmem>>, vector<16xf32>,
    %gather3A_793 = tpu.vector_load_idx %arg14[%sub3A_778] : memref<10000xf32, #tpu.memory_space<vmem>>[vector<16xi32>], vector<16xf32>,
    %swap3A_794 = arith.constant 2 : i32
    %swap3A_795 = arith.constant 6 : i32
    %swap3A_796 = arith.index_cast %swap3A_794 : i32 to index
    %swap3A_797 = arith.index_cast %swap3A_795 : i32 to index
    %swap3A_798 = arith.constant 0 : index
    %swap3A_799 = tpu.vector_load %arg24[%swap3A_796, %swap3A_797, %swap3A_798] {strides = array<i32>} : memref<6x10x16xf32, #tpu.memory_space<vmem>>, vector<16xf32>,
    tpu.vector_store %arg24[%swap3A_796, %swap3A_797, %swap3A_798], %gather3A_793 {strides = array<i32>} : memref<6x10x16xf32, #tpu.memory_space<vmem>>, vector<16xf32>,
    %gather3A_800 = tpu.vector_load_idx %arg15[%sub3A_778] : memref<10000xf32, #tpu.memory_space<vmem>>[vector<16xi32>], vector<16xf32>,
    %swap3A_801 = arith.constant 3 : i32
    %swap3A_802 = arith.constant 6 : i32
    %swap3A_803 = arith.index_cast %swap3A_801 : i32 to index
    %swap3A_804 = arith.index_cast %swap3A_802 : i32 to index
    %swap3A_805 = arith.constant 0 : index
    %swap3A_806 = tpu.vector_load %arg24[%swap3A_803, %swap3A_804, %swap3A_805] {strides = array<i32>} : memref<6x10x16xf32, #tpu.memory_space<vmem>>, vector<16xf32>,
    tpu.vector_store %arg24[%swap3A_803, %swap3A_804, %swap3A_805], %gather3A_800 {strides = array<i32>} : memref<6x10x16xf32, #tpu.memory_space<vmem>>, vector<16xf32>,
    %gather3A_807 = tpu.vector_load_idx %arg16[%sub3A_778] : memref<10000xf32, #tpu.memory_space<vmem>>[vector<16xi32>], vector<16xf32>,
    %swap3A_808 = arith.constant 4 : i32
    %swap3A_809 = arith.constant 6 : i32
    %swap3A_810 = arith.index_cast %swap3A_808 : i32 to index
    %swap3A_811 = arith.index_cast %swap3A_809 : i32 to index
    %swap3A_812 = arith.constant 0 : index
    %swap3A_813 = tpu.vector_load %arg24[%swap3A_810, %swap3A_811, %swap3A_812] {strides = array<i32>} : memref<6x10x16xf32, #tpu.memory_space<vmem>>, vector<16xf32>,
    tpu.vector_store %arg24[%swap3A_810, %swap3A_811, %swap3A_812], %gather3A_807 {strides = array<i32>} : memref<6x10x16xf32, #tpu.memory_space<vmem>>, vector<16xf32>,
    %get3A_814 = arith.constant 7 : i32
    %get3A_815 = arith.index_cast %get3A_814 : i32 to index
    %get3A_816 = arith.constant 0 : index
    %get3A_817 = tpu.vector_load %arg25[%get3A_815, %get3A_816] {strides = array<i32>} : memref<10x16xi32, #tpu.memory_space<vmem>>, vector<16xi32>,
    %sub3A_818 = vector.broadcast %mul3A_2 : i32 to vector<16xi32>
    %sub3A_819 = arith.subi %get3A_817, %sub3A_818 : vector<16xi32>
    %gather3A_820 = tpu.vector_load_idx %arg12[%sub3A_819] : memref<10000xf32, #tpu.memory_space<vmem>>[vector<16xi32>], vector<16xf32>,
    %swap3A_821 = arith.constant 0 : i32
    %swap3A_822 = arith.constant 7 : i32
    %swap3A_823 = arith.index_cast %swap3A_821 : i32 to index
    %swap3A_824 = arith.index_cast %swap3A_822 : i32 to index
    %swap3A_825 = arith.constant 0 : index
    %swap3A_826 = tpu.vector_load %arg24[%swap3A_823, %swap3A_824, %swap3A_825] {strides = array<i32>} : memref<6x10x16xf32, #tpu.memory_space<vmem>>, vector<16xf32>,
    tpu.vector_store %arg24[%swap3A_823, %swap3A_824, %swap3A_825], %gather3A_820 {strides = array<i32>} : memref<6x10x16xf32, #tpu.memory_space<vmem>>, vector<16xf32>,
    %gather3A_827 = tpu.vector_load_idx %arg13[%sub3A_819] : memref<10000xf32, #tpu.memory_space<vmem>>[vector<16xi32>], vector<16xf32>,
    %swap3A_828 = arith.constant 1 : i32
    %swap3A_829 = arith.constant 7 : i32
    %swap3A_830 = arith.index_cast %swap3A_828 : i32 to index
    %swap3A_831 = arith.index_cast %swap3A_829 : i32 to index
    %swap3A_832 = arith.constant 0 : index
    %swap3A_833 = tpu.vector_load %arg24[%swap3A_830, %swap3A_831, %swap3A_832] {strides = array<i32>} : memref<6x10x16xf32, #tpu.memory_space<vmem>>, vector<16xf32>,
    tpu.vector_store %arg24[%swap3A_830, %swap3A_831, %swap3A_832], %gather3A_827 {strides = array<i32>} : memref<6x10x16xf32, #tpu.memory_space<vmem>>, vector<16xf32>,
    %gather3A_834 = tpu.vector_load_idx %arg14[%sub3A_819] : memref<10000xf32, #tpu.memory_space<vmem>>[vector<16xi32>], vector<16xf32>,
    %swap3A_835 = arith.constant 2 : i32
    %swap3A_836 = arith.constant 7 : i32
    %swap3A_837 = arith.index_cast %swap3A_835 : i32 to index
    %swap3A_838 = arith.index_cast %swap3A_836 : i32 to index
    %swap3A_839 = arith.constant 0 : index
    %swap3A_840 = tpu.vector_load %arg24[%swap3A_837, %swap3A_838, %swap3A_839] {strides = array<i32>} : memref<6x10x16xf32, #tpu.memory_space<vmem>>, vector<16xf32>,
    tpu.vector_store %arg24[%swap3A_837, %swap3A_838, %swap3A_839], %gather3A_834 {strides = array<i32>} : memref<6x10x16xf32, #tpu.memory_space<vmem>>, vector<16xf32>,
    %gather3A_841 = tpu.vector_load_idx %arg15[%sub3A_819] : memref<10000xf32, #tpu.memory_space<vmem>>[vector<16xi32>], vector<16xf32>,
    %swap3A_842 = arith.constant 3 : i32
    %swap3A_843 = arith.constant 7 : i32
    %swap3A_844 = arith.index_cast %swap3A_842 : i32 to index
    %swap3A_845 = arith.index_cast %swap3A_843 : i32 to index
    %swap3A_846 = arith.constant 0 : index
    %swap3A_847 = tpu.vector_load %arg24[%swap3A_844, %swap3A_845, %swap3A_846] {strides = array<i32>} : memref<6x10x16xf32, #tpu.memory_space<vmem>>, vector<16xf32>,
    tpu.vector_store %arg24[%swap3A_844, %swap3A_845, %swap3A_846], %gather3A_841 {strides = array<i32>} : memref<6x10x16xf32, #tpu.memory_space<vmem>>, vector<16xf32>,
    %gather3A_848 = tpu.vector_load_idx %arg16[%sub3A_819] : memref<10000xf32, #tpu.memory_space<vmem>>[vector<16xi32>], vector<16xf32>,
    %swap3A_849 = arith.constant 4 : i32
    %swap3A_850 = arith.constant 7 : i32
    %swap3A_851 = arith.index_cast %swap3A_849 : i32 to index
    %swap3A_852 = arith.index_cast %swap3A_850 : i32 to index
    %swap3A_853 = arith.constant 0 : index
    %swap3A_854 = tpu.vector_load %arg24[%swap3A_851, %swap3A_852, %swap3A_853] {strides = array<i32>} : memref<6x10x16xf32, #tpu.memory_space<vmem>>, vector<16xf32>,
    tpu.vector_store %arg24[%swap3A_851, %swap3A_852, %swap3A_853], %gather3A_848 {strides = array<i32>} : memref<6x10x16xf32, #tpu.memory_space<vmem>>, vector<16xf32>,
    %get3A_855 = arith.constant 8 : i32
    %get3A_856 = arith.index_cast %get3A_855 : i32 to index
    %get3A_857 = arith.constant 0 : index
    %get3A_858 = tpu.vector_load %arg25[%get3A_856, %get3A_857] {strides = array<i32>} : memref<10x16xi32, #tpu.memory_space<vmem>>, vector<16xi32>,
    %sub3A_859 = vector.broadcast %mul3A_2 : i32 to vector<16xi32>
    %sub3A_860 = arith.subi %get3A_858, %sub3A_859 : vector<16xi32>
    %gather3A_861 = tpu.vector_load_idx %arg12[%sub3A_860] : memref<10000xf32, #tpu.memory_space<vmem>>[vector<16xi32>], vector<16xf32>,
    %swap3A_862 = arith.constant 0 : i32
    %swap3A_863 = arith.constant 8 : i32
    %swap3A_864 = arith.index_cast %swap3A_862 : i32 to index
    %swap3A_865 = arith.index_cast %swap3A_863 : i32 to index
    %swap3A_866 = arith.constant 0 : index
    %swap3A_867 = tpu.vector_load %arg24[%swap3A_864, %swap3A_865, %swap3A_866] {strides = array<i32>} : memref<6x10x16xf32, #tpu.memory_space<vmem>>, vector<16xf32>,
    tpu.vector_store %arg24[%swap3A_864, %swap3A_865, %swap3A_866], %gather3A_861 {strides = array<i32>} : memref<6x10x16xf32, #tpu.memory_space<vmem>>, vector<16xf32>,
    %gather3A_868 = tpu.vector_load_idx %arg13[%sub3A_860] : memref<10000xf32, #tpu.memory_space<vmem>>[vector<16xi32>], vector<16xf32>,
    %swap3A_869 = arith.constant 1 : i32
    %swap3A_870 = arith.constant 8 : i32
    %swap3A_871 = arith.index_cast %swap3A_869 : i32 to index
    %swap3A_872 = arith.index_cast %swap3A_870 : i32 to index
    %swap3A_873 = arith.constant 0 : index
    %swap3A_874 = tpu.vector_load %arg24[%swap3A_871, %swap3A_872, %swap3A_873] {strides = array<i32>} : memref<6x10x16xf32, #tpu.memory_space<vmem>>, vector<16xf32>,
    tpu.vector_store %arg24[%swap3A_871, %swap3A_872, %swap3A_873], %gather3A_868 {strides = array<i32>} : memref<6x10x16xf32, #tpu.memory_space<vmem>>, vector<16xf32>,
    %gather3A_875 = tpu.vector_load_idx %arg14[%sub3A_860] : memref<10000xf32, #tpu.memory_space<vmem>>[vector<16xi32>], vector<16xf32>,
    %swap3A_876 = arith.constant 2 : i32
    %swap3A_877 = arith.constant 8 : i32
    %swap3A_878 = arith.index_cast %swap3A_876 : i32 to index
    %swap3A_879 = arith.index_cast %swap3A_877 : i32 to index
    %swap3A_880 = arith.constant 0 : index
    %swap3A_881 = tpu.vector_load %arg24[%swap3A_878, %swap3A_879, %swap3A_880] {strides = array<i32>} : memref<6x10x16xf32, #tpu.memory_space<vmem>>, vector<16xf32>,
    tpu.vector_store %arg24[%swap3A_878, %swap3A_879, %swap3A_880], %gather3A_875 {strides = array<i32>} : memref<6x10x16xf32, #tpu.memory_space<vmem>>, vector<16xf32>,
    %gather3A_882 = tpu.vector_load_idx %arg15[%sub3A_860] : memref<10000xf32, #tpu.memory_space<vmem>>[vector<16xi32>], vector<16xf32>,
    %swap3A_883 = arith.constant 3 : i32
    %swap3A_884 = arith.constant 8 : i32
    %swap3A_885 = arith.index_cast %swap3A_883 : i32 to index
    %swap3A_886 = arith.index_cast %swap3A_884 : i32 to index
    %swap3A_887 = arith.constant 0 : index
    %swap3A_888 = tpu.vector_load %arg24[%swap3A_885, %swap3A_886, %swap3A_887] {strides = array<i32>} : memref<6x10x16xf32, #tpu.memory_space<vmem>>, vector<16xf32>,
    tpu.vector_store %arg24[%swap3A_885, %swap3A_886, %swap3A_887], %gather3A_882 {strides = array<i32>} : memref<6x10x16xf32, #tpu.memory_space<vmem>>, vector<16xf32>,
    %gather3A_889 = tpu.vector_load_idx %arg16[%sub3A_860] : memref<10000xf32, #tpu.memory_space<vmem>>[vector<16xi32>], vector<16xf32>,
    %swap3A_890 = arith.constant 4 : i32
    %swap3A_891 = arith.constant 8 : i32
    %swap3A_892 = arith.index_cast %swap3A_890 : i32 to index
    %swap3A_893 = arith.index_cast %swap3A_891 : i32 to index
    %swap3A_894 = arith.constant 0 : index
    %swap3A_895 = tpu.vector_load %arg24[%swap3A_892, %swap3A_893, %swap3A_894] {strides = array<i32>} : memref<6x10x16xf32, #tpu.memory_space<vmem>>, vector<16xf32>,
    tpu.vector_store %arg24[%swap3A_892, %swap3A_893, %swap3A_894], %gather3A_889 {strides = array<i32>} : memref<6x10x16xf32, #tpu.memory_space<vmem>>, vector<16xf32>,
    %get3A_896 = arith.constant 9 : i32
    %get3A_897 = arith.index_cast %get3A_896 : i32 to index
    %get3A_898 = arith.constant 0 : index
    %get3A_899 = tpu.vector_load %arg25[%get3A_897, %get3A_898] {strides = array<i32>} : memref<10x16xi32, #tpu.memory_space<vmem>>, vector<16xi32>,
    %sub3A_900 = vector.broadcast %mul3A_2 : i32 to vector<16xi32>
    %sub3A_901 = arith.subi %get3A_899, %sub3A_900 : vector<16xi32>
    %gather3A_902 = tpu.vector_load_idx %arg12[%sub3A_901] : memref<10000xf32, #tpu.memory_space<vmem>>[vector<16xi32>], vector<16xf32>,
    %swap3A_903 = arith.constant 0 : i32
    %swap3A_904 = arith.constant 9 : i32
    %swap3A_905 = arith.index_cast %swap3A_903 : i32 to index
    %swap3A_906 = arith.index_cast %swap3A_904 : i32 to index
    %swap3A_907 = arith.constant 0 : index
    %swap3A_908 = tpu.vector_load %arg24[%swap3A_905, %swap3A_906, %swap3A_907] {strides = array<i32>} : memref<6x10x16xf32, #tpu.memory_space<vmem>>, vector<16xf32>,
    tpu.vector_store %arg24[%swap3A_905, %swap3A_906, %swap3A_907], %gather3A_902 {strides = array<i32>} : memref<6x10x16xf32, #tpu.memory_space<vmem>>, vector<16xf32>,
    %gather3A_909 = tpu.vector_load_idx %arg13[%sub3A_901] : memref<10000xf32, #tpu.memory_space<vmem>>[vector<16xi32>], vector<16xf32>,
    %swap3A_910 = arith.constant 1 : i32
    %swap3A_911 = arith.constant 9 : i32
    %swap3A_912 = arith.index_cast %swap3A_910 : i32 to index
    %swap3A_913 = arith.index_cast %swap3A_911 : i32 to index
    %swap3A_914 = arith.constant 0 : index
    %swap3A_915 = tpu.vector_load %arg24[%swap3A_912, %swap3A_913, %swap3A_914] {strides = array<i32>} : memref<6x10x16xf32, #tpu.memory_space<vmem>>, vector<16xf32>,
    tpu.vector_store %arg24[%swap3A_912, %swap3A_913, %swap3A_914], %gather3A_909 {strides = array<i32>} : memref<6x10x16xf32, #tpu.memory_space<vmem>>, vector<16xf32>,
    %gather3A_916 = tpu.vector_load_idx %arg14[%sub3A_901] : memref<10000xf32, #tpu.memory_space<vmem>>[vector<16xi32>], vector<16xf32>,
    %swap3A_917 = arith.constant 2 : i32
    %swap3A_918 = arith.constant 9 : i32
    %swap3A_919 = arith.index_cast %swap3A_917 : i32 to index
    %swap3A_920 = arith.index_cast %swap3A_918 : i32 to index
    %swap3A_921 = arith.constant 0 : index
    %swap3A_922 = tpu.vector_load %arg24[%swap3A_919, %swap3A_920, %swap3A_921] {strides = array<i32>} : memref<6x10x16xf32, #tpu.memory_space<vmem>>, vector<16xf32>,
    tpu.vector_store %arg24[%swap3A_919, %swap3A_920, %swap3A_921], %gather3A_916 {strides = array<i32>} : memref<6x10x16xf32, #tpu.memory_space<vmem>>, vector<16xf32>,
    %gather3A_923 = tpu.vector_load_idx %arg15[%sub3A_901] : memref<10000xf32, #tpu.memory_space<vmem>>[vector<16xi32>], vector<16xf32>,
    %swap3A_924 = arith.constant 3 : i32
    %swap3A_925 = arith.constant 9 : i32
    %swap3A_926 = arith.index_cast %swap3A_924 : i32 to index
    %swap3A_927 = arith.index_cast %swap3A_925 : i32 to index
    %swap3A_928 = arith.constant 0 : index
    %swap3A_929 = tpu.vector_load %arg24[%swap3A_926, %swap3A_927, %swap3A_928] {strides = array<i32>} : memref<6x10x16xf32, #tpu.memory_space<vmem>>, vector<16xf32>,
    tpu.vector_store %arg24[%swap3A_926, %swap3A_927, %swap3A_928], %gather3A_923 {strides = array<i32>} : memref<6x10x16xf32, #tpu.memory_space<vmem>>, vector<16xf32>,
    %gather3A_930 = tpu.vector_load_idx %arg16[%sub3A_901] : memref<10000xf32, #tpu.memory_space<vmem>>[vector<16xi32>], vector<16xf32>,
    %swap3A_931 = arith.constant 4 : i32
    %swap3A_932 = arith.constant 9 : i32
    %swap3A_933 = arith.index_cast %swap3A_931 : i32 to index
    %swap3A_934 = arith.index_cast %swap3A_932 : i32 to index
    %swap3A_935 = arith.constant 0 : index
    %swap3A_936 = tpu.vector_load %arg24[%swap3A_933, %swap3A_934, %swap3A_935] {strides = array<i32>} : memref<6x10x16xf32, #tpu.memory_space<vmem>>, vector<16xf32>,
    tpu.vector_store %arg24[%swap3A_933, %swap3A_934, %swap3A_935], %gather3A_930 {strides = array<i32>} : memref<6x10x16xf32, #tpu.memory_space<vmem>>, vector<16xf32>,
    "tpu.region"() ({
      %run_scoped3A = tpu.sem_alloc : memref<!tpu.dma_semaphore, #tpu.memory_space<semaphore_mem>>
      %dma_start3A = arith.constant 0 : i32
      %dma_start3A_937 = arith.constant 0 : i32
      %dma_start3A_938 = arith.constant 0 : i32
      %dma_start3A_939 = tpu.memref_slice %arg10[%add3A, %dma_start3A, %dma_start3A_937, %dma_start3A_938] : memref<32x6x10x16xf32, #tpu.memory_space<hbm>> -> memref<1x6x10x16xf32, #tpu.memory_space<hbm>>
      %dma_start3A_940 = tpu.memref_squeeze %dma_start3A_939 : memref<1x6x10x16xf32, #tpu.memory_space<hbm>> -> memref<6x10x16xf32, #tpu.memory_space<hbm>>
      %dma_start3A_941 = arith.constant 0 : i32
      %dma_start3A_942 = arith.constant 0 : i32
      %dma_start3A_943 = arith.constant 0 : i32
      %dma_start3A_944 = tpu.memref_slice %arg10[%add3A, %dma_start3A_941, %dma_start3A_942, %dma_start3A_943] : memref<32x6x10x16xf32, #tpu.memory_space<hbm>> -> memref<1x6x10x16xf32, #tpu.memory_space<hbm>>
      %dma_start3A_945 = tpu.memref_squeeze %dma_start3A_944 : memref<1x6x10x16xf32, #tpu.memory_space<hbm>> -> memref<6x10x16xf32, #tpu.memory_space<hbm>>
      tpu.enqueue_dma source(%arg24 : memref<6x10x16xf32, #tpu.memory_space<vmem>>) target(%dma_start3A_945 : memref<6x10x16xf32, #tpu.memory_space<hbm>>) target_semaphore(%run_scoped3A : memref<!tpu.dma_semaphore, #tpu.memory_space<semaphore_mem>>)
      %dma_wait3A = arith.constant 0 : i32
      %dma_wait3A_946 = arith.constant 0 : i32
      %dma_wait3A_947 = arith.constant 0 : i32
      %dma_wait3A_948 = tpu.memref_slice %arg10[%add3A, %dma_wait3A, %dma_wait3A_946, %dma_wait3A_947] : memref<32x6x10x16xf32, #tpu.memory_space<hbm>> -> memref<1x6x10x16xf32, #tpu.memory_space<hbm>>
      %dma_wait3A_949 = tpu.memref_squeeze %dma_wait3A_948 : memref<1x6x10x16xf32, #tpu.memory_space<hbm>> -> memref<6x10x16xf32, #tpu.memory_space<hbm>>
      %dma_wait3A_950 = arith.constant 0 : i32
      %dma_wait3A_951 = arith.constant 0 : i32
      %dma_wait3A_952 = arith.constant 0 : i32
      %dma_wait3A_953 = tpu.memref_slice %arg10[%add3A, %dma_wait3A_950, %dma_wait3A_951, %dma_wait3A_952] : memref<32x6x10x16xf32, #tpu.memory_space<hbm>> -> memref<1x6x10x16xf32, #tpu.memory_space<hbm>>
      %dma_wait3A_954 = tpu.memref_squeeze %dma_wait3A_953 : memref<1x6x10x16xf32, #tpu.memory_space<hbm>> -> memref<6x10x16xf32, #tpu.memory_space<hbm>>
      tpu.wait_dma2 semaphore(%run_scoped3A : memref<!tpu.dma_semaphore, #tpu.memory_space<semaphore_mem>>) src(%arg24 : memref<6x10x16xf32, #tpu.memory_space<vmem>>) dst(%dma_wait3A_954 : memref<6x10x16xf32, #tpu.memory_space<hbm>>)
      tpu.yield
    }) : () -> ()
    "tpu.region"() ({
      %run_scoped3A = tpu.sem_alloc : memref<!tpu.dma_semaphore, #tpu.memory_space<semaphore_mem>>
      %dma_start3A = arith.constant 0 : i32
      %dma_start3A_937 = arith.constant 0 : i32
      %dma_start3A_938 = tpu.memref_slice %arg11[%add3A, %dma_start3A, %dma_start3A_937] : memref<32x10x16xi32, #tpu.memory_space<hbm>> -> memref<1x10x16xi32, #tpu.memory_space<hbm>>
      %dma_start3A_939 = tpu.memref_squeeze %dma_start3A_938 : memref<1x10x16xi32, #tpu.memory_space<hbm>> -> memref<10x16xi32, #tpu.memory_space<hbm>>
      %dma_start3A_940 = arith.constant 0 : i32
      %dma_start3A_941 = arith.constant 0 : i32
      %dma_start3A_942 = tpu.memref_slice %arg11[%add3A, %dma_start3A_940, %dma_start3A_941] : memref<32x10x16xi32, #tpu.memory_space<hbm>> -> memref<1x10x16xi32, #tpu.memory_space<hbm>>
      %dma_start3A_943 = tpu.memref_squeeze %dma_start3A_942 : memref<1x10x16xi32, #tpu.memory_space<hbm>> -> memref<10x16xi32, #tpu.memory_space<hbm>>
      tpu.enqueue_dma source(%arg25 : memref<10x16xi32, #tpu.memory_space<vmem>>) target(%dma_start3A_943 : memref<10x16xi32, #tpu.memory_space<hbm>>) target_semaphore(%run_scoped3A : memref<!tpu.dma_semaphore, #tpu.memory_space<semaphore_mem>>)
      %dma_wait3A = arith.constant 0 : i32
      %dma_wait3A_944 = arith.constant 0 : i32
      %dma_wait3A_945 = tpu.memref_slice %arg11[%add3A, %dma_wait3A, %dma_wait3A_944] : memref<32x10x16xi32, #tpu.memory_space<hbm>> -> memref<1x10x16xi32, #tpu.memory_space<hbm>>
      %dma_wait3A_946 = tpu.memref_squeeze %dma_wait3A_945 : memref<1x10x16xi32, #tpu.memory_space<hbm>> -> memref<10x16xi32, #tpu.memory_space<hbm>>
      %dma_wait3A_947 = arith.constant 0 : i32
      %dma_wait3A_948 = arith.constant 0 : i32
      %dma_wait3A_949 = tpu.memref_slice %arg11[%add3A, %dma_wait3A_947, %dma_wait3A_948] : memref<32x10x16xi32, #tpu.memory_space<hbm>> -> memref<1x10x16xi32, #tpu.memory_space<hbm>>
      %dma_wait3A_950 = tpu.memref_squeeze %dma_wait3A_949 : memref<1x10x16xi32, #tpu.memory_space<hbm>> -> memref<10x16xi32, #tpu.memory_space<hbm>>
      tpu.wait_dma2 semaphore(%run_scoped3A : memref<!tpu.dma_semaphore, #tpu.memory_space<semaphore_mem>>) src(%arg25 : memref<10x16xi32, #tpu.memory_space<vmem>>) dst(%dma_wait3A_950 : memref<10x16xi32, #tpu.memory_space<hbm>>)
      tpu.yield
    }) : () -> ()
    return
  }
}

module attributes {stable_mosaic.version = 14 : i64} {
  func.func @_tc_body(%arg0: memref<6x16x10x32xf32, #tpu.memory_space<vmem>>, %arg1: memref<16x10x32xi32, #tpu.memory_space<vmem>>, %arg2: memref<16x10x1xf32, #tpu.memory_space<vmem>>, %arg3: memref<16x10x1xf32, #tpu.memory_space<vmem>>, %arg4: memref<16x10x1xf32, #tpu.memory_space<vmem>>, %arg5: memref<1x1xf32, #tpu.memory_space<vmem>>) attributes {dimension_semantics = [], scalar_prefetch = 0 : i64, scratch_operands = 0 : i64, tpu.core_type = #tpu.core_type<tc>} {
    %get3A = arith.constant 0 : index
    %get3A_0 = arith.constant 0 : index
    %get3A_1 = arith.constant 0 : index
    %get3A_2 = arith.constant 0 : index
    %get3A_3 = vector.load %arg0[%get3A, %get3A_0, %get3A_1, %get3A_2] : memref<6x16x10x32xf32, #tpu.memory_space<vmem>>, vector<1x16x10x32xf32>
    %get3A_4 = vector.shape_cast %get3A_3 : vector<1x16x10x32xf32> to vector<16x10x32xf32>
    %get3A_5 = arith.constant 1 : index
    %get3A_6 = arith.constant 0 : index
    %get3A_7 = arith.constant 0 : index
    %get3A_8 = arith.constant 0 : index
    %get3A_9 = vector.load %arg0[%get3A_5, %get3A_6, %get3A_7, %get3A_8] : memref<6x16x10x32xf32, #tpu.memory_space<vmem>>, vector<1x16x10x32xf32>
    %get3A_10 = vector.shape_cast %get3A_9 : vector<1x16x10x32xf32> to vector<16x10x32xf32>
    %get3A_11 = arith.constant 2 : index
    %get3A_12 = arith.constant 0 : index
    %get3A_13 = arith.constant 0 : index
    %get3A_14 = arith.constant 0 : index
    %get3A_15 = vector.load %arg0[%get3A_11, %get3A_12, %get3A_13, %get3A_14] : memref<6x16x10x32xf32, #tpu.memory_space<vmem>>, vector<1x16x10x32xf32>
    %get3A_16 = vector.shape_cast %get3A_15 : vector<1x16x10x32xf32> to vector<16x10x32xf32>
    %get3A_17 = arith.constant 3 : index
    %get3A_18 = arith.constant 0 : index
    %get3A_19 = arith.constant 0 : index
    %get3A_20 = arith.constant 0 : index
    %get3A_21 = vector.load %arg0[%get3A_17, %get3A_18, %get3A_19, %get3A_20] : memref<6x16x10x32xf32, #tpu.memory_space<vmem>>, vector<1x16x10x32xf32>
    %get3A_22 = vector.shape_cast %get3A_21 : vector<1x16x10x32xf32> to vector<16x10x32xf32>
    %get3A_23 = arith.constant 4 : index
    %get3A_24 = arith.constant 0 : index
    %get3A_25 = arith.constant 0 : index
    %get3A_26 = arith.constant 0 : index
    %get3A_27 = vector.load %arg0[%get3A_23, %get3A_24, %get3A_25, %get3A_26] : memref<6x16x10x32xf32, #tpu.memory_space<vmem>>, vector<1x16x10x32xf32>
    %get3A_28 = vector.shape_cast %get3A_27 : vector<1x16x10x32xf32> to vector<16x10x32xf32>
    %get3A_29 = arith.constant 0 : index
    %get3A_30 = arith.constant 0 : index
    %get3A_31 = arith.constant 0 : index
    %get3A_32 = vector.load %arg1[%get3A_29, %get3A_30, %get3A_31] : memref<16x10x32xi32, #tpu.memory_space<vmem>>, vector<16x10x32xi32>
    %get3A_33 = arith.constant 0 : index
    %get3A_34 = arith.constant 0 : index
    %get3A_35 = arith.constant 0 : index
    %get3A_36 = vector.load %arg2[%get3A_33, %get3A_34, %get3A_35] : memref<16x10x1xf32, #tpu.memory_space<vmem>>, vector<16x10x1xf32>
    %get3A_37 = arith.constant 0 : index
    %get3A_38 = arith.constant 0 : index
    %get3A_39 = arith.constant 0 : index
    %get3A_40 = vector.load %arg3[%get3A_37, %get3A_38, %get3A_39] : memref<16x10x1xf32, #tpu.memory_space<vmem>>, vector<16x10x1xf32>
    %get3A_41 = arith.constant 0 : index
    %get3A_42 = arith.constant 0 : index
    %get3A_43 = arith.constant 0 : index
    %get3A_44 = vector.load %arg4[%get3A_41, %get3A_42, %get3A_43] : memref<16x10x1xf32, #tpu.memory_space<vmem>>, vector<16x10x1xf32>
    %eq3A = arith.cmpf oeq, %get3A_36, %get3A_36 : vector<16x10x1xf32>
    %eq3A_45 = arith.cmpf oeq, %get3A_40, %get3A_40 : vector<16x10x1xf32>
    %and3A = arith.andi %eq3A, %eq3A_45 : vector<16x10x1xi1>
    %eq3A_46 = arith.cmpf oeq, %get3A_44, %get3A_44 : vector<16x10x1xf32>
    %and3A_47 = arith.andi %and3A, %eq3A_46 : vector<16x10x1xi1>
    %eq3A_48 = arith.cmpf oeq, %get3A_36, %get3A_36 : vector<16x10x1xf32>
    %jit3A = arith.constant 0.000000e+00 : f32
    %broadcast_in_dim3A = vector.broadcast %jit3A : f32 to vector<16x10x1xf32>
    %select_n3A = arith.select %eq3A_48, %get3A_36, %broadcast_in_dim3A : vector<16x10x1xi1>, vector<16x10x1xf32>
    %eq3A_49 = arith.cmpf oeq, %get3A_40, %get3A_40 : vector<16x10x1xf32>
    %jit3A_50 = arith.constant 0.000000e+00 : f32
    %broadcast_in_dim3A_51 = vector.broadcast %jit3A_50 : f32 to vector<16x10x1xf32>
    %select_n3A_52 = arith.select %eq3A_49, %get3A_40, %broadcast_in_dim3A_51 : vector<16x10x1xi1>, vector<16x10x1xf32>
    %eq3A_53 = arith.cmpf oeq, %get3A_44, %get3A_44 : vector<16x10x1xf32>
    %jit3A_54 = arith.constant 0.000000e+00 : f32
    %broadcast_in_dim3A_55 = vector.broadcast %jit3A_54 : f32 to vector<16x10x1xf32>
    %select_n3A_56 = arith.select %eq3A_53, %get3A_44, %broadcast_in_dim3A_55 : vector<16x10x1xi1>, vector<16x10x1xf32>
    %lt3A = arith.constant 1.000000e+00 : f32
    %lt3A_57 = vector.broadcast %lt3A : f32 to vector<16x10x1xf32>
    %lt3A_58 = arith.cmpf olt, %select_n3A_56, %lt3A_57 : vector<16x10x1xf32>
    %convert_element_type3A = arith.extui %lt3A_58 : vector<16x10x1xi1> to vector<16x10x1xi32>
    %convert_element_type3A_59 = arith.sitofp %convert_element_type3A : vector<16x10x1xi32> to vector<16x10x1xf32>
    %ge3A = arith.constant 1.000000e+00 : f32
    %ge3A_60 = vector.broadcast %ge3A : f32 to vector<16x10x1xf32>
    %ge3A_61 = arith.cmpf oge, %select_n3A_56, %ge3A_60 : vector<16x10x1xf32>
    %convert_element_type3A_62 = arith.extui %ge3A_61 : vector<16x10x1xi1> to vector<16x10x1xi32>
    %convert_element_type3A_63 = arith.sitofp %convert_element_type3A_62 : vector<16x10x1xi32> to vector<16x10x1xf32>
    %neg3A = arith.constant 0.000000e+00 : f32
    %neg3A_64 = vector.broadcast %neg3A : f32 to vector<16x10x32xf32>
    %neg3A_65 = arith.subf %neg3A_64, %get3A_4 : vector<16x10x32xf32>
    %exp3A = math.exp %neg3A_65 : vector<16x10x32xf32>
    %add3A = arith.constant 1.000000e+00 : f32
    %add3A_66 = vector.broadcast %add3A : f32 to vector<16x10x32xf32>
    %add3A_67 = arith.addf %add3A_66, %exp3A : vector<16x10x32xf32>
    %div3A = arith.constant 1.000000e+00 : f32
    %div3A_68 = vector.broadcast %div3A : f32 to vector<16x10x32xf32>
    %div3A_69 = arith.divf %div3A_68, %add3A_67 : vector<16x10x32xf32>
    %neg3A_70 = arith.constant 0.000000e+00 : f32
    %neg3A_71 = vector.broadcast %neg3A_70 : f32 to vector<16x10x32xf32>
    %neg3A_72 = arith.subf %neg3A_71, %get3A_10 : vector<16x10x32xf32>
    %exp3A_73 = math.exp %neg3A_72 : vector<16x10x32xf32>
    %add3A_74 = arith.constant 1.000000e+00 : f32
    %add3A_75 = vector.broadcast %add3A_74 : f32 to vector<16x10x32xf32>
    %add3A_76 = arith.addf %add3A_75, %exp3A_73 : vector<16x10x32xf32>
    %div3A_77 = arith.constant 1.000000e+00 : f32
    %div3A_78 = vector.broadcast %div3A_77 : f32 to vector<16x10x32xf32>
    %div3A_79 = arith.divf %div3A_78, %add3A_76 : vector<16x10x32xf32>
    %neg3A_80 = arith.constant 0.000000e+00 : f32
    %neg3A_81 = vector.broadcast %neg3A_80 : f32 to vector<16x10x32xf32>
    %neg3A_82 = arith.subf %neg3A_81, %get3A_16 : vector<16x10x32xf32>
    %exp3A_83 = math.exp %neg3A_82 : vector<16x10x32xf32>
    %add3A_84 = arith.constant 1.000000e+00 : f32
    %add3A_85 = vector.broadcast %add3A_84 : f32 to vector<16x10x32xf32>
    %add3A_86 = arith.addf %add3A_85, %exp3A_83 : vector<16x10x32xf32>
    %div3A_87 = arith.constant 1.000000e+00 : f32
    %div3A_88 = vector.broadcast %div3A_87 : f32 to vector<16x10x32xf32>
    %div3A_89 = arith.divf %div3A_88, %add3A_86 : vector<16x10x32xf32>
    %neg3A_90 = arith.constant 0.000000e+00 : f32
    %neg3A_91 = vector.broadcast %neg3A_90 : f32 to vector<16x10x32xf32>
    %neg3A_92 = arith.subf %neg3A_91, %get3A_22 : vector<16x10x32xf32>
    %exp3A_93 = math.exp %neg3A_92 : vector<16x10x32xf32>
    %add3A_94 = arith.constant 1.000000e+00 : f32
    %add3A_95 = vector.broadcast %add3A_94 : f32 to vector<16x10x32xf32>
    %add3A_96 = arith.addf %add3A_95, %exp3A_93 : vector<16x10x32xf32>
    %div3A_97 = arith.constant 1.000000e+00 : f32
    %div3A_98 = vector.broadcast %div3A_97 : f32 to vector<16x10x32xf32>
    %div3A_99 = arith.divf %div3A_98, %add3A_96 : vector<16x10x32xf32>
    %sub3A = vector.broadcast %select_n3A : vector<16x10x1xf32> to vector<16x10x32xf32>
    %sub3A_100 = arith.subf %div3A_69, %sub3A : vector<16x10x32xf32>
    %integer_pow3A = arith.mulf %sub3A_100, %sub3A_100 : vector<16x10x32xf32>
    %sub3A_101 = vector.broadcast %select_n3A_52 : vector<16x10x1xf32> to vector<16x10x32xf32>
    %sub3A_102 = arith.subf %div3A_79, %sub3A_101 : vector<16x10x32xf32>
    %integer_pow3A_103 = arith.mulf %sub3A_102, %sub3A_102 : vector<16x10x32xf32>
    %add3A_104 = arith.addf %integer_pow3A, %integer_pow3A_103 : vector<16x10x32xf32>
    %sub3A_105 = vector.broadcast %convert_element_type3A_59 : vector<16x10x1xf32> to vector<16x10x32xf32>
    %sub3A_106 = arith.subf %div3A_89, %sub3A_105 : vector<16x10x32xf32>
    %integer_pow3A_107 = arith.mulf %sub3A_106, %sub3A_106 : vector<16x10x32xf32>
    %sub3A_108 = vector.broadcast %convert_element_type3A_63 : vector<16x10x1xf32> to vector<16x10x32xf32>
    %sub3A_109 = arith.subf %div3A_99, %sub3A_108 : vector<16x10x32xf32>
    %integer_pow3A_110 = arith.mulf %sub3A_109, %sub3A_109 : vector<16x10x32xf32>
    %add3A_111 = arith.addf %integer_pow3A_107, %integer_pow3A_110 : vector<16x10x32xf32>
    %add3A_112 = arith.addf %add3A_104, %add3A_111 : vector<16x10x32xf32>
    %jit3A_113 = arith.constant 1.000000e+06 : f32
    %broadcast_in_dim3A_114 = vector.shape_cast %and3A_47 : vector<16x10x1xi1> to vector<16x10x1xi1>
    %broadcast_in_dim3A_115 = vector.broadcast %broadcast_in_dim3A_114 : vector<16x10x1xi1> to vector<16x10x32xi1>
    %broadcast_in_dim3A_116 = vector.broadcast %jit3A_113 : f32 to vector<16x10x32xf32>
    %select_n3A_117 = arith.select %broadcast_in_dim3A_115, %add3A_112, %broadcast_in_dim3A_116 : vector<16x10x32xi1>, vector<16x10x32xf32>
    %iota3A = tpu.iota {dimensions = array<i32: 1>} : vector<16x10x32xi32>
    %mul3A = arith.constant 20000 : i32
    %mul3A_118 = vector.broadcast %mul3A : i32 to vector<16x10x32xi32>
    %mul3A_119 = arith.muli %iota3A, %mul3A_118 : vector<16x10x32xi32>
    %add3A_120 = arith.addi %mul3A_119, %get3A_32 : vector<16x10x32xi32>
    %iota3A_121 = tpu.iota {dimensions = array<i32: 1>} : vector<16x10x1xi32>
    %broadcast_in_dim3A_122 = arith.constant 0.000000e+00 : f32
    %broadcast_in_dim3A_123 = vector.broadcast %broadcast_in_dim3A_122 : f32 to vector<16x1x1xf32>
    %scan3A = arith.constant 1073741824 : i32
    %scan3A_124 = arith.constant 0 : i32
    %scan3A_125 = arith.constant 10 : i32
    %scan3A_126 = arith.addi %scan3A_124, %scan3A_125 : i32
    %scan3A_127 = arith.constant 1 : i32
    %scan3A_128:5 = scf.for %scan3A_160 = %scan3A_124 to %scan3A_126 step %scan3A_127 iter_args(%scan3A_161 = %select_n3A_117, %scan3A_162 = %broadcast_in_dim3A_123, %scan3A_163 = %broadcast_in_dim3A_123, %scan3A_164 = %broadcast_in_dim3A_123, %scan3A_165 = %broadcast_in_dim3A_123) -> (vector<16x10x32xf32>, vector<16x1x1xf32>, vector<16x1x1xf32>, vector<16x1x1xf32>, vector<16x1x1xf32>)  : i32 {
      %reduce_min3A = arith.constant dense<0x7F800000> : vector<16xf32>
      %reduce_min3A_166 = vector.multi_reduction <minimumf>, %scan3A_161, %reduce_min3A [1, 2] : vector<16x10x32xf32> to vector<16xf32>
      %broadcast_in_dim3A_167 = vector.shape_cast %reduce_min3A_166 : vector<16xf32> to vector<16x1x1xf32>
      %eq3A_168 = vector.broadcast %broadcast_in_dim3A_167 : vector<16x1x1xf32> to vector<16x10x32xf32>
      %eq3A_169 = arith.cmpf oeq, %scan3A_161, %eq3A_168 : vector<16x10x32xf32>
      %broadcast_in_dim3A_170 = vector.broadcast %scan3A : i32 to vector<16x10x32xi32>
      %select_n3A_171 = arith.select %eq3A_169, %add3A_120, %broadcast_in_dim3A_170 : vector<16x10x32xi1>, vector<16x10x32xi32>
      %reduce_min3A_172 = arith.constant dense<2147483647> : vector<16xi32>
      %reduce_min3A_173 = vector.multi_reduction <minsi>, %select_n3A_171, %reduce_min3A_172 [1, 2] : vector<16x10x32xi32> to vector<16xi32>
      %broadcast_in_dim3A_174 = vector.shape_cast %reduce_min3A_173 : vector<16xi32> to vector<16x1x1xi32>
      %lt3A_175 = arith.constant 5.000000e+05 : f32
      %lt3A_176 = vector.broadcast %lt3A_175 : f32 to vector<16x1x1xf32>
      %lt3A_177 = arith.cmpf olt, %broadcast_in_dim3A_167, %lt3A_176 : vector<16x1x1xf32>
      %convert_element_type3A_178 = arith.extui %lt3A_177 : vector<16x1x1xi1> to vector<16x1x1xi32>
      %convert_element_type3A_179 = arith.sitofp %convert_element_type3A_178 : vector<16x1x1xi32> to vector<16x1x1xf32>
      %jit3A_180 = arith.constant 20000 : i32
      %div3A_181 = vector.broadcast %jit3A_180 : i32 to vector<16x1x1xi32>
      %div3A_182 = arith.divsi %broadcast_in_dim3A_174, %div3A_181 : vector<16x1x1xi32>
      %sign3A = arith.constant 0 : i32
      %sign3A_183 = vector.broadcast %sign3A : i32 to vector<16x1x1xi32>
      %sign3A_184 = arith.cmpi sgt, %broadcast_in_dim3A_174, %sign3A_183 : vector<16x1x1xi32>
      %sign3A_185 = arith.extui %sign3A_184 : vector<16x1x1xi1> to vector<16x1x1xi32>
      %sign3A_186 = arith.constant 0 : i32
      %sign3A_187 = vector.broadcast %sign3A_186 : i32 to vector<16x1x1xi32>
      %sign3A_188 = arith.cmpi slt, %broadcast_in_dim3A_174, %sign3A_187 : vector<16x1x1xi32>
      %sign3A_189 = arith.extui %sign3A_188 : vector<16x1x1xi1> to vector<16x1x1xi32>
      %sign3A_190 = arith.subi %sign3A_185, %sign3A_189 : vector<16x1x1xi32>
      %sign3A_191 = arith.constant 0 : i32
      %sign3A_192 = arith.cmpi sgt, %jit3A_180, %sign3A_191 : i32
      %sign3A_193 = arith.extui %sign3A_192 : i1 to i32
      %sign3A_194 = arith.constant 0 : i32
      %sign3A_195 = arith.cmpi slt, %jit3A_180, %sign3A_194 : i32
      %sign3A_196 = arith.extui %sign3A_195 : i1 to i32
      %sign3A_197 = arith.subi %sign3A_193, %sign3A_196 : i32
      %ne3A = vector.broadcast %sign3A_197 : i32 to vector<16x1x1xi32>
      %ne3A_198 = arith.cmpi ne, %sign3A_190, %ne3A : vector<16x1x1xi32>
      %rem3A = vector.broadcast %jit3A_180 : i32 to vector<16x1x1xi32>
      %rem3A_199 = arith.remsi %broadcast_in_dim3A_174, %rem3A : vector<16x1x1xi32>
      %ne3A_200 = arith.constant 0 : i32
      %ne3A_201 = vector.broadcast %ne3A_200 : i32 to vector<16x1x1xi32>
      %ne3A_202 = arith.cmpi ne, %rem3A_199, %ne3A_201 : vector<16x1x1xi32>
      %and3A_203 = arith.andi %ne3A_198, %ne3A_202 : vector<16x1x1xi1>
      %sub3A_204 = arith.constant 1 : i32
      %sub3A_205 = vector.broadcast %sub3A_204 : i32 to vector<16x1x1xi32>
      %sub3A_206 = arith.subi %div3A_182, %sub3A_205 : vector<16x1x1xi32>
      %select_n3A_207 = arith.select %and3A_203, %sub3A_206, %div3A_182 : vector<16x1x1xi1>, vector<16x1x1xi32>
      %mul3A_208 = arith.constant 20000 : i32
      %mul3A_209 = vector.broadcast %mul3A_208 : i32 to vector<16x1x1xi32>
      %mul3A_210 = arith.muli %select_n3A_207, %mul3A_209 : vector<16x1x1xi32>
      %sub3A_211 = arith.subi %broadcast_in_dim3A_174, %mul3A_210 : vector<16x1x1xi32>
      %eq3A_212 = vector.broadcast %broadcast_in_dim3A_174 : vector<16x1x1xi32> to vector<16x10x32xi32>
      %eq3A_213 = arith.cmpi eq, %select_n3A_171, %eq3A_212 : vector<16x10x32xi32>
      %convert_element_type3A_214 = arith.extui %eq3A_213 : vector<16x10x32xi1> to vector<16x10x32xi32>
      %convert_element_type3A_215 = arith.sitofp %convert_element_type3A_214 : vector<16x10x32xi32> to vector<16x10x32xf32>
      %mul3A_216 = arith.mulf %div3A_69, %convert_element_type3A_215 : vector<16x10x32xf32>
      %reduce_sum3A_217 = arith.constant dense<0.000000e+00> : vector<16xf32>
      %reduce_sum3A_218 = vector.multi_reduction <add>, %mul3A_216, %reduce_sum3A_217 [1, 2] : vector<16x10x32xf32> to vector<16xf32>
      %broadcast_in_dim3A_219 = vector.shape_cast %reduce_sum3A_218 : vector<16xf32> to vector<16x1x1xf32>
      %mul3A_220 = arith.mulf %div3A_79, %convert_element_type3A_215 : vector<16x10x32xf32>
      %reduce_sum3A_221 = arith.constant dense<0.000000e+00> : vector<16xf32>
      %reduce_sum3A_222 = vector.multi_reduction <add>, %mul3A_220, %reduce_sum3A_221 [1, 2] : vector<16x10x32xf32> to vector<16xf32>
      %broadcast_in_dim3A_223 = vector.shape_cast %reduce_sum3A_222 : vector<16xf32> to vector<16x1x1xf32>
      %mul3A_224 = arith.mulf %get3A_16, %convert_element_type3A_215 : vector<16x10x32xf32>
      %reduce_sum3A_225 = arith.constant dense<0.000000e+00> : vector<16xf32>
      %reduce_sum3A_226 = vector.multi_reduction <add>, %mul3A_224, %reduce_sum3A_225 [1, 2] : vector<16x10x32xf32> to vector<16xf32>
      %broadcast_in_dim3A_227 = vector.shape_cast %reduce_sum3A_226 : vector<16xf32> to vector<16x1x1xf32>
      %mul3A_228 = arith.mulf %get3A_22, %convert_element_type3A_215 : vector<16x10x32xf32>
      %reduce_sum3A_229 = arith.constant dense<0.000000e+00> : vector<16xf32>
      %reduce_sum3A_230 = vector.multi_reduction <add>, %mul3A_228, %reduce_sum3A_229 [1, 2] : vector<16x10x32xf32> to vector<16xf32>
      %broadcast_in_dim3A_231 = vector.shape_cast %reduce_sum3A_230 : vector<16xf32> to vector<16x1x1xf32>
      %mul3A_232 = arith.mulf %get3A_28, %convert_element_type3A_215 : vector<16x10x32xf32>
      %reduce_sum3A_233 = arith.constant dense<0.000000e+00> : vector<16xf32>
      %reduce_sum3A_234 = vector.multi_reduction <add>, %mul3A_232, %reduce_sum3A_233 [1, 2] : vector<16x10x32xf32> to vector<16xf32>
      %broadcast_in_dim3A_235 = vector.shape_cast %reduce_sum3A_234 : vector<16xf32> to vector<16x1x1xf32>
      %eq3A_236 = vector.broadcast %select_n3A_207 : vector<16x1x1xi32> to vector<16x10x1xi32>
      %eq3A_237 = arith.cmpi eq, %iota3A_121, %eq3A_236 : vector<16x10x1xi32>
      %convert_element_type3A_238 = arith.extui %eq3A_237 : vector<16x10x1xi1> to vector<16x10x1xi32>
      %convert_element_type3A_239 = arith.sitofp %convert_element_type3A_238 : vector<16x10x1xi32> to vector<16x10x1xf32>
      %mul3A_240 = arith.mulf %select_n3A, %convert_element_type3A_239 : vector<16x10x1xf32>
      %reduce_sum3A_241 = arith.constant dense<0.000000e+00> : vector<16xf32>
      %reduce_sum3A_242 = vector.multi_reduction <add>, %mul3A_240, %reduce_sum3A_241 [1, 2] : vector<16x10x1xf32> to vector<16xf32>
      %broadcast_in_dim3A_243 = vector.shape_cast %reduce_sum3A_242 : vector<16xf32> to vector<16x1x1xf32>
      %mul3A_244 = arith.mulf %select_n3A_52, %convert_element_type3A_239 : vector<16x10x1xf32>
      %reduce_sum3A_245 = arith.constant dense<0.000000e+00> : vector<16xf32>
      %reduce_sum3A_246 = vector.multi_reduction <add>, %mul3A_244, %reduce_sum3A_245 [1, 2] : vector<16x10x1xf32> to vector<16xf32>
      %broadcast_in_dim3A_247 = vector.shape_cast %reduce_sum3A_246 : vector<16xf32> to vector<16x1x1xf32>
      %mul3A_248 = arith.mulf %convert_element_type3A_59, %convert_element_type3A_239 : vector<16x10x1xf32>
      %reduce_sum3A_249 = arith.constant dense<0.000000e+00> : vector<16xf32>
      %reduce_sum3A_250 = vector.multi_reduction <add>, %mul3A_248, %reduce_sum3A_249 [1, 2] : vector<16x10x1xf32> to vector<16xf32>
      %broadcast_in_dim3A_251 = vector.shape_cast %reduce_sum3A_250 : vector<16xf32> to vector<16x1x1xf32>
      %mul3A_252 = arith.mulf %convert_element_type3A_63, %convert_element_type3A_239 : vector<16x10x1xf32>
      %reduce_sum3A_253 = arith.constant dense<0.000000e+00> : vector<16xf32>
      %reduce_sum3A_254 = vector.multi_reduction <add>, %mul3A_252, %reduce_sum3A_253 [1, 2] : vector<16x10x1xf32> to vector<16xf32>
      %broadcast_in_dim3A_255 = vector.shape_cast %reduce_sum3A_254 : vector<16xf32> to vector<16x1x1xf32>
      %sub3A_256 = arith.subf %broadcast_in_dim3A_219, %broadcast_in_dim3A_243 : vector<16x1x1xf32>
      %integer_pow3A_257 = arith.mulf %sub3A_256, %sub3A_256 : vector<16x1x1xf32>
      %sub3A_258 = arith.subf %broadcast_in_dim3A_223, %broadcast_in_dim3A_247 : vector<16x1x1xf32>
      %integer_pow3A_259 = arith.mulf %sub3A_258, %sub3A_258 : vector<16x1x1xf32>
      %add3A_260 = arith.addf %integer_pow3A_257, %integer_pow3A_259 : vector<16x1x1xf32>
      %mul3A_261 = arith.mulf %convert_element_type3A_179, %add3A_260 : vector<16x1x1xf32>
      %add3A_262 = arith.addf %scan3A_162, %mul3A_261 : vector<16x1x1xf32>
      %max3A = arith.constant 0.000000e+00 : f32
      %max3A_263 = vector.broadcast %max3A : f32 to vector<16x1x1xf32>
      %max3A_264 = arith.maximumf %broadcast_in_dim3A_227, %max3A_263 : vector<16x1x1xf32>
      %mul3A_265 = arith.mulf %broadcast_in_dim3A_227, %broadcast_in_dim3A_251 : vector<16x1x1xf32>
      %sub3A_266 = arith.subf %max3A_264, %mul3A_265 : vector<16x1x1xf32>
      %abs3A = math.absf %broadcast_in_dim3A_227 : vector<16x1x1xf32>
      %neg3A_267 = arith.constant 0.000000e+00 : f32
      %neg3A_268 = vector.broadcast %neg3A_267 : f32 to vector<16x1x1xf32>
      %neg3A_269 = arith.subf %neg3A_268, %abs3A : vector<16x1x1xf32>
      %exp3A_270 = math.exp %neg3A_269 : vector<16x1x1xf32>
      %log1p3A = math.log1p %exp3A_270 : vector<16x1x1xf32>
      %add3A_271 = arith.addf %sub3A_266, %log1p3A : vector<16x1x1xf32>
      %max3A_272 = arith.constant 0.000000e+00 : f32
      %max3A_273 = vector.broadcast %max3A_272 : f32 to vector<16x1x1xf32>
      %max3A_274 = arith.maximumf %broadcast_in_dim3A_231, %max3A_273 : vector<16x1x1xf32>
      %mul3A_275 = arith.mulf %broadcast_in_dim3A_231, %broadcast_in_dim3A_255 : vector<16x1x1xf32>
      %sub3A_276 = arith.subf %max3A_274, %mul3A_275 : vector<16x1x1xf32>
      %abs3A_277 = math.absf %broadcast_in_dim3A_231 : vector<16x1x1xf32>
      %neg3A_278 = arith.constant 0.000000e+00 : f32
      %neg3A_279 = vector.broadcast %neg3A_278 : f32 to vector<16x1x1xf32>
      %neg3A_280 = arith.subf %neg3A_279, %abs3A_277 : vector<16x1x1xf32>
      %exp3A_281 = math.exp %neg3A_280 : vector<16x1x1xf32>
      %log1p3A_282 = math.log1p %exp3A_281 : vector<16x1x1xf32>
      %add3A_283 = arith.addf %sub3A_276, %log1p3A_282 : vector<16x1x1xf32>
      %add3A_284 = arith.addf %add3A_271, %add3A_283 : vector<16x1x1xf32>
      %mul3A_285 = arith.mulf %convert_element_type3A_179, %add3A_284 : vector<16x1x1xf32>
      %add3A_286 = arith.addf %scan3A_163, %mul3A_285 : vector<16x1x1xf32>
      %min3A = arith.minimumf %broadcast_in_dim3A_219, %broadcast_in_dim3A_223 : vector<16x1x1xf32>
      %max3A_287 = arith.maximumf %broadcast_in_dim3A_219, %broadcast_in_dim3A_223 : vector<16x1x1xf32>
      %min3A_288 = arith.minimumf %broadcast_in_dim3A_243, %broadcast_in_dim3A_247 : vector<16x1x1xf32>
      %max3A_289 = arith.maximumf %broadcast_in_dim3A_243, %broadcast_in_dim3A_247 : vector<16x1x1xf32>
      %min3A_290 = arith.minimumf %max3A_287, %max3A_289 : vector<16x1x1xf32>
      %max3A_291 = arith.maximumf %min3A, %min3A_288 : vector<16x1x1xf32>
      %sub3A_292 = arith.subf %min3A_290, %max3A_291 : vector<16x1x1xf32>
      %max3A_293 = arith.constant 0.000000e+00 : f32
      %max3A_294 = vector.broadcast %max3A_293 : f32 to vector<16x1x1xf32>
      %max3A_295 = arith.maximumf %max3A_294, %sub3A_292 : vector<16x1x1xf32>
      %max3A_296 = arith.maximumf %max3A_287, %max3A_289 : vector<16x1x1xf32>
      %min3A_297 = arith.minimumf %min3A, %min3A_288 : vector<16x1x1xf32>
      %sub3A_298 = arith.subf %max3A_296, %min3A_297 : vector<16x1x1xf32>
      %max3A_299 = arith.constant 9.99999993E-9 : f32
      %max3A_300 = vector.broadcast %max3A_299 : f32 to vector<16x1x1xf32>
      %max3A_301 = arith.maximumf %max3A_300, %sub3A_298 : vector<16x1x1xf32>
      %div3A_302 = arith.divf %max3A_295, %max3A_301 : vector<16x1x1xf32>
      %neg3A_303 = arith.constant 0.000000e+00 : f32
      %neg3A_304 = vector.broadcast %neg3A_303 : f32 to vector<16x1x1xf32>
      %neg3A_305 = arith.subf %neg3A_304, %broadcast_in_dim3A_235 : vector<16x1x1xf32>
      %exp3A_306 = math.exp %neg3A_305 : vector<16x1x1xf32>
      %add3A_307 = arith.constant 1.000000e+00 : f32
      %add3A_308 = vector.broadcast %add3A_307 : f32 to vector<16x1x1xf32>
      %add3A_309 = arith.addf %add3A_308, %exp3A_306 : vector<16x1x1xf32>
      %div3A_310 = arith.constant 1.000000e+00 : f32
      %div3A_311 = vector.broadcast %div3A_310 : f32 to vector<16x1x1xf32>
      %div3A_312 = arith.divf %div3A_311, %add3A_309 : vector<16x1x1xf32>
      %sub3A_313 = arith.subf %div3A_312, %div3A_302 : vector<16x1x1xf32>
      %integer_pow3A_314 = arith.mulf %sub3A_313, %sub3A_313 : vector<16x1x1xf32>
      %mul3A_315 = arith.mulf %convert_element_type3A_179, %integer_pow3A_314 : vector<16x1x1xf32>
      %add3A_316 = arith.addf %scan3A_164, %mul3A_315 : vector<16x1x1xf32>
      %add3A_317 = arith.addf %scan3A_165, %convert_element_type3A_179 : vector<16x1x1xf32>
      %eq3A_318 = vector.broadcast %select_n3A_207 : vector<16x1x1xi32> to vector<16x10x32xi32>
      %eq3A_319 = arith.cmpi eq, %iota3A, %eq3A_318 : vector<16x10x32xi32>
      %eq3A_320 = vector.broadcast %sub3A_211 : vector<16x1x1xi32> to vector<16x10x32xi32>
      %eq3A_321 = arith.cmpi eq, %get3A_32, %eq3A_320 : vector<16x10x32xi32>
      %or3A = arith.ori %eq3A_319, %eq3A_321 : vector<16x10x32xi1>
      %jit3A_322 = arith.constant 1.000000e+06 : f32
      %broadcast_in_dim3A_323 = vector.broadcast %jit3A_322 : f32 to vector<16x10x32xf32>
      %select_n3A_324 = arith.select %or3A, %broadcast_in_dim3A_323, %scan3A_161 : vector<16x10x32xi1>, vector<16x10x32xf32>
      scf.yield %select_n3A_324, %add3A_262, %add3A_286, %add3A_316, %add3A_317 : vector<16x10x32xf32>, vector<16x1x1xf32>, vector<16x1x1xf32>, vector<16x1x1xf32>, vector<16x1x1xf32>
    }
    %reduce_sum3A = vector.shape_cast %scan3A_128#1 : vector<16x1x1xf32> to vector<1x16x1x1xf32>
    %reduce_sum3A_129 = arith.constant dense<0.000000e+00> : vector<1xf32>
    %reduce_sum3A_130 = vector.multi_reduction <add>, %reduce_sum3A, %reduce_sum3A_129 [1, 2, 3] : vector<1x16x1x1xf32> to vector<1xf32>
    %reduce_sum3A_131 = vector.shape_cast %reduce_sum3A_130 : vector<1xf32> to vector<1x1x1x1xf32>
    %reduce_sum3A_132 = vector.extract %reduce_sum3A_131[0, 0, 0, 0] : f32 from vector<1x1x1x1xf32>
    %reduce_sum3A_133 = vector.shape_cast %scan3A_128#2 : vector<16x1x1xf32> to vector<1x16x1x1xf32>
    %reduce_sum3A_134 = arith.constant dense<0.000000e+00> : vector<1xf32>
    %reduce_sum3A_135 = vector.multi_reduction <add>, %reduce_sum3A_133, %reduce_sum3A_134 [1, 2, 3] : vector<1x16x1x1xf32> to vector<1xf32>
    %reduce_sum3A_136 = vector.shape_cast %reduce_sum3A_135 : vector<1xf32> to vector<1x1x1x1xf32>
    %reduce_sum3A_137 = vector.extract %reduce_sum3A_136[0, 0, 0, 0] : f32 from vector<1x1x1x1xf32>
    %reduce_sum3A_138 = vector.shape_cast %scan3A_128#3 : vector<16x1x1xf32> to vector<1x16x1x1xf32>
    %reduce_sum3A_139 = arith.constant dense<0.000000e+00> : vector<1xf32>
    %reduce_sum3A_140 = vector.multi_reduction <add>, %reduce_sum3A_138, %reduce_sum3A_139 [1, 2, 3] : vector<1x16x1x1xf32> to vector<1xf32>
    %reduce_sum3A_141 = vector.shape_cast %reduce_sum3A_140 : vector<1xf32> to vector<1x1x1x1xf32>
    %reduce_sum3A_142 = vector.extract %reduce_sum3A_141[0, 0, 0, 0] : f32 from vector<1x1x1x1xf32>
    %reduce_sum3A_143 = vector.shape_cast %scan3A_128#4 : vector<16x1x1xf32> to vector<1x16x1x1xf32>
    %reduce_sum3A_144 = arith.constant dense<0.000000e+00> : vector<1xf32>
    %reduce_sum3A_145 = vector.multi_reduction <add>, %reduce_sum3A_143, %reduce_sum3A_144 [1, 2, 3] : vector<1x16x1x1xf32> to vector<1xf32>
    %reduce_sum3A_146 = vector.shape_cast %reduce_sum3A_145 : vector<1xf32> to vector<1x1x1x1xf32>
    %reduce_sum3A_147 = vector.extract %reduce_sum3A_146[0, 0, 0, 0] : f32 from vector<1x1x1x1xf32>
    %add3A_148 = arith.constant 9.99999993E-9 : f32
    %add3A_149 = arith.addf %reduce_sum3A_147, %add3A_148 : f32
    %div3A_150 = arith.divf %reduce_sum3A_132, %add3A_149 : f32
    %div3A_151 = arith.divf %reduce_sum3A_137, %add3A_149 : f32
    %add3A_152 = arith.addf %div3A_150, %div3A_151 : f32
    %div3A_153 = arith.divf %reduce_sum3A_142, %add3A_149 : f32
    %add3A_154 = arith.addf %add3A_152, %div3A_153 : f32
    %gt3A = arith.constant 0.000000e+00 : f32
    %gt3A_155 = arith.cmpf ogt, %reduce_sum3A_147, %gt3A : f32
    %jit3A_156 = arith.constant 0.000000e+00 : f32
    %select_n3A_157 = arith.select %gt3A_155, %add3A_154, %jit3A_156 : f32
    %reshape3A = vector.broadcast %select_n3A_157 : f32 to vector<1x1xf32>
    %swap3A = arith.constant 0 : index
    %swap3A_158 = arith.constant 0 : index
    %swap3A_159 = vector.load %arg5[%swap3A, %swap3A_158] : memref<1x1xf32, #tpu.memory_space<vmem>>, vector<1x1xf32>
    tpu.vector_store %arg5[%swap3A, %swap3A_158], %reshape3A {strides = array<i32>} : memref<1x1xf32, #tpu.memory_space<vmem>>, vector<1x1xf32>,
    return
  }
}

</mosaic_0001>

<sc_bundles>
// kernel: kernel.4.cloned.1.call-start
scs
__scs_entry_jumppad:
0x0: {  	(pc) =	sbr.rel $0x88, $3  }
0x1: {  	(tag) =	ssettag $0x0;
	lr =	simm.s32 $0x1  }
0x2: {  	[smem:$0x3F9C] =	sst lr;
	_ =	strace $0xD0000000  }
0x3: {  	_ = 	snop  }
0x4: {  	_ = 	snop  }
0x5: {  	_ = 	snop  }
0x6: {  	_ = 	snop  }
0x7: {  	_ = 	snop  }
__scs_overlays_trampoline_lowered:
0x8: {  	[smem:$0x3FAB] =	sst s0  }
0x9: {  	[smem:$0x3FAC] =	sst s1  }
0xa: {  	[smem:$0x3FAD] =	sst s2  }
0xb: {  	[smem:$0x3FAE] =	sst s3  }
0xc: {  	[smem:$0x3FAF] =	sst s4  }
0xd: {  	[smem:$0x3FB0] =	sst s5  }
0xe: {  	[smem:$0x3FB1] =	sst s6  }
0xf: {  	[smem:$0x3FB2] =	sst s7  }
0x10: {  	[smem:$0x3FB3] =	sst s8  }
0x11: {  	[smem:$0x3FB4] =	sst s9;
	s0 =	simm.s32 @!p0 $0x0  }
0x12: {  	s1 =	sld [smem:$0x3F9A];
	s0 =	simm.s32 @p0 $0x1  }
0x13: {  	[smem:$0x3FB5] =	sst s0;
	s0 =	simm.s32 @!p1 $0x0  }
0x14: {  	s2 =	sld [smem:$0x3F99];
	s0 =	simm.s32 @p1 $0x1  }
0x15: {  	[smem:$0x3FB6] =	sst s0;
	s0 =	simm.s32 @!p2 $0x0  }
0x16: {  	s3 =	sld [smem:$0x3FDB];
	s0 =	simm.s32 @p2 $0x1  }
0x17: {  	s4 =	simm.s32 $0x1BF5;
	[smem:$0x3FB8] =	sst s0  }
0x18: {  	s0 =	sld [smem:$0x3F9B];
	_ =	swait.ge [sflag:s4], $0x0  }
0x19: {  	s7 =	sld [smem:$0x3F9C]  }
0x1a: {  	s8 =	sadd.s32 $0xFFFFE003, lr  }
0x1b: {  	s9 =	sadd.s32 $0xFFFFFEF7, lr;
	s5 =	simm.s32 $0xFFFFFFFF;
	p2 =	slt.u32 s8, $0xFFFFF086  }
0x1c: {  	p1 =	slt.u32 s9, $0xF7A;
	s5 =	simm.s32 @!p2 $0x0  }
0x1d: {  	s5 =	simm.s32 @p1 $0x1;
	p0 =	seq.s32 s7, s2  }
0x1e: {  	s7 =	smul.u32 @!p0 $0xF7A, s2;
	p2 =	seq.s32 @!p0 s5, $0x0  }
0x1f: {  	s9 =	smul.u32 $0xF7A, s1;
	s8 =	simm.s32 @!p0 $0x1BF5;
	p2 =	por !p2, p0  }
0x20: {  	[sflag:s8] =	ssyncset.s32 @!p0 $0xFFFFF086;
	s6 =	sadd.s32 @!p0 s3, s7;
	s7 =	simm.s32 @!p0 $0x108  }
0x21: {  	s3 =	sadd.s32 s3, s9;
	s6 =	sadd.s32 @!p0 $0x88, s6;
	s7 =	simm.s32 @p2 $0x1082  }
0x22: {  	[simem:s7], [sflag:s8] =	dma.local @!p0 [hbm:s6], $0xF7A  }
0x23: {  	s9 =	sor.u32 $0xD0000000, s2;
	s6 =	simm.s32 $0x108;
	_ =	swait.ge @!p0 [sflag:s8], $0x0  }
0x24: {  	s3 =	sadd.s32 $0x88, s3;
	s6 =	simm.s32 @!p1 $0x1082;
	[sflag:s4] =	ssyncset.s32 $0xFFFFF086  }
0x25: {  	[simem:s6], [sflag:s4] =	dma.local [hbm:s3], $0xF7A  }
0x26: {  	[smem:$0x3F9C] =	sst s1;
	(tag) =	ssettag s2;
	_ =	strace s9  }
0x27: {  	s1 =	sld [smem:$0x3FAC]  }
0x28: {  	s2 =	sld [smem:$0x3FAD]  }
0x29: {  	s4 =	sld [smem:$0x3FAF]  }
0x2a: {  	p0 =	seq.s32 s5, $0x0;
	s5 =	sld [smem:$0x3FB0]  }
0x2b: {  	s6 =	sld [smem:$0x3FB1]  }
0x2c: {  	s7 =	sld [smem:$0x3FB2]  }
0x2d: {  	s3 =	simm.s32 $0x108;
	s8 =	sld [smem:$0x3FB3]  }
0x2e: {  	s3 =	simm.s32 @!p0 $0x1082;
	s9 =	sld [smem:$0x3FB4]  }
0x2f: {  	lr =	sadd.s32 s0, s3;
	s0 =	sld [smem:$0x3FAB]  }
0x30: {  	s3 =	sld [smem:$0x3FAE]  }
0x31: {  	[smem:$0x3FB7] =	sst s10  }
0x32: {  	s10 =	sld [smem:$0x3FB5];
	_ =	sdelay $0x3  }
0x33: {  	p0 =	seq.s32 s10, $0x1;
	s10 =	sld [smem:$0x3FB7];
	_ =	sdelay $0x3  }
0x34: {  	[smem:$0x3FB7] =	sst s10  }
0x35: {  	s10 =	sld [smem:$0x3FB6];
	_ =	sdelay $0x3  }
0x36: {  	p1 =	seq.s32 s10, $0x1;
	s10 =	sld [smem:$0x3FB7];
	_ =	sdelay $0x3  }
0x37: {  	[smem:$0x3FB7] =	sst s10  }
0x38: {  	s10 =	sld [smem:$0x3FB8]  }
0x39: {  	_ = 	snop;
	(pc) =	sbr.ind lr, $3  }
0x3a: {  	_ = 	snop  }
0x3b: {  	_ = 	snop  }
0x3c: {  	p2 =	seq.s32 s10, $0x1;
	s10 =	sld [smem:$0x3FB7]  }
0x3d: {  	_ =	shalt  }
0x3e: {  	_ =	shalt  }
0x3f: {  	_ =	shalt  }
0x40: {  	_ =	shalt  }
0x41: {  	_ =	shalt  }
0x42: {  	_ =	shalt  }
0x43: {  	_ =	shalt  }
0x44: {  	_ =	shalt  }
0x45: {  	_ =	shalt  }
0x46: {  	_ =	shalt  }
0x47: {  	_ =	shalt  }
0x48: {  	_ =	shalt  }
0x49: {  	_ =	shalt  }
0x4a: {  	_ =	shalt  }
0x4b: {  	_ =	shalt  }
0x4c: {  	_ =	shalt  }
0x4d: {  	_ =	shalt  }
0x4e: {  	_ =	shalt  }
0x4f: {  	_ =	shalt  }
0x50: {  	_ =	shalt  }
0x51: {  	_ =	shalt  }
0x52: {  	_ =	shalt  }
0x53: {  	_ =	shalt  }
0x54: {  	_ =	shalt  }
0x55: {  	_ =	shalt  }
0x56: {  	_ =	shalt  }
0x57: {  	_ =	shalt  }
0x58: {  	_ =	shalt  }
0x59: {  	_ =	shalt  }
0x5a: {  	_ =	shalt  }
0x5b: {  	_ =	shalt  }
0x5c: {  	_ =	shalt  }
0x5d: {  	_ =	shalt  }
0x5e: {  	_ =	shalt  }
0x5f: {  	_ =	shalt  }
0x60: {  	_ =	shalt  }
0x61: {  	_ =	shalt  }
0x62: {  	_ =	shalt  }
0x63: {  	_ =	shalt  }
0x64: {  	_ =	shalt  }
0x65: {  	_ =	shalt  }
0x66: {  	_ =	shalt  }
0x67: {  	_ =	shalt  }
0x68: {  	_ =	shalt  }
0x69: {  	_ =	shalt  }
0x6a: {  	_ =	shalt  }
0x6b: {  	_ =	shalt  }
0x6c: {  	_ =	shalt  }
0x6d: {  	_ =	shalt  }
0x6e: {  	_ =	shalt  }
0x6f: {  	_ =	shalt  }
0x70: {  	_ =	shalt  }
0x71: {  	_ =	shalt  }
0x72: {  	_ =	shalt  }
0x73: {  	_ =	shalt  }
0x74: {  	_ =	shalt  }
0x75: {  	_ =	shalt  }
0x76: {  	_ =	shalt  }
0x77: {  	_ =	shalt  }
0x78: {  	_ =	shalt  }
0x79: {  	_ =	shalt  }
0x7a: {  	_ =	shalt  }
0x7b: {  	_ =	shalt  }
0x7c: {  	_ =	shalt  }
0x7d: {  	_ =	shalt  }
0x7e: {  	_ =	shalt  }
0x7f: {  	_ =	shalt  }
0x80: {  	_ =	shalt  }
0x81: {  	_ =	shalt  }
0x82: {  	_ =	shalt  }
0x83: {  	_ =	shalt  }
0x84: {  	_ =	shalt  }
0x85: {  	_ =	shalt  }
0x86: {  	_ =	shalt  }
0x87: {  	_ =	shalt  }
.Lfunc_end0:
.L_simem_size_0:
called_computation_lowered:
.L_overlay_start_0:
0x88: {  	s2 =	sld [smem:$0x3FD9]  }
0x89: {  	s3 =	sld [smem:$0x3FFE];
	_ =	sdelay $0x1  }
0x8a: {  	s1 =	srdreg.scid  }
0x8b: {  	s0 =	sand.u32 $0x1, s1  }
0x8c: {  	s16 =	sshll.u32 s0, $0xA;
	s2 =	sadd.s32 s3, s2  }
0x8d: {  	s2 =	sadd.s32 s2, s16  }
0x8e: {  	[smem:$0x3FC3] =	sst s2  }
0x8f: {  	_ = 	snop  }
0x90: {  	(tm) =	ssettm $0x1  }
0x91: {  	s17 =	sld [smem:$0x3FFB];
	_ =	sdelay $0x3  }
0x92: {  	_ =	strace s17  }
0x93: {  	s2 =	sld [smem:$0x3FFC];
	_ =	sdelay $0x3  }
0x94: {  	_ =	strace s2  }
0x95: {  	s2 =	sld [smem:$0x3FFD];
	_ =	sdelay $0x3  }
0x96: {  	_ =	strace s2  }
0x97: {  	_ =	strace $0x8FFFFFFF  }
0x98: {  	s18 =	sld [smem:$0x3FDB];
	_ =	sdelay $0x1  }
0x99: {  	s19 =	simm.s32 $_scs_section_size  }
0x9a: {  	s4 =	simm.s32 $_size__tile_overlayer_lowered;
	s5 =	simm.s32 $_tile_overlayer_lowered  }
0x9b: {  	s22 =	simm.s32 $0x1BFF;
	s21 =	sshll.u32 s5, $0x1;
	s2 =	sadd.s32 s19, s18  }
0x9c: {  	s6 =	simm.s32 $0x0;
	s20 =	sshll.u32 s4, $0x1;
	s4 =	sadd.s32 s21, s2  }
0x9d: {  	[timem:s6], [sflag:s22] =	dma.local [hbm:s4], s20  }
0x9e: {  	_ =	swait.ge [sflag:s22], s20  }
0x9f: {  	s3 =	ssub.s32 $0x0, s20;
	[sflag:s22] =	ssyncset.done $0x0  }
0xa0: {  	[sflag:s22] =	ssyncadd.s32 s3;
	_ =	sdelay $0x1  }
0xa1: {  	s23 =	simm.s32 $0x1B8B  }
0xa2: {  	_ =	swait.ge [sflag:s23], $0x1  }
0xa3: {  	[sflag:s23] =	ssyncset.done $0x0  }
0xa4: {  	s25 =	simm.s32 $0x1B8E;
	s24 =	sld [smem:$0x3FFE];
	[sflag:s23] =	ssyncadd.s32 $0xFFFFFFFF  }
0xa5: {  	s26 =	simm.s32 $execute0_lowered;
	[smem:$0x3FD2] =	sst s25  }
0xa6: {  	s4 =	sshll.u32 s26, $0x1;
	_ =	strace $0x80000046;
	[dreg:$0x1] =	wrdreg $0xFFFFFFFF  }
0xa7: {  	s28 =	simm.s32 $_size_execute0_lowered;
	s2 =	sadd.s32 s2, s4;
	[dreg:$0x0] =	wrdreg $0x0  }
0xa8: {  	s4 =	sshll.u32 s28, $0x1;
	[dreg:$0x2] =	wrdreg s2  }
0xa9: {  	[dreg:$0x3] =	wrdreg s4  }
0xaa: {  	[dreg:$0x4] =	wrdreg $0xC0  }
0xab: {  	_ =	task [dreg:s6], $0x5FFFF  }
0xac: {  	[dreg:$0x1] =	wrdreg $0xFFFFFFFF  }
0xad: {  	[dreg:$0x0] =	wrdreg $0x60  }
0xae: {  	[dreg:$0x2] =	wrdreg s24  }
0xaf: {  	[dreg:$0x3] =	wrdreg $0x9  }
0xb0: {  	_ =	task.clear_ibuf [dreg:s6], $0x4FFFF;
	_ =	strace $0x90000046  }
0xb1: {  	s29 =	simm.s32 $0x9;
	_ =	strace $0x80000048  }
0xb2: {  	_ =	swait.ge [sflag:s29], $0x1  }
0xb3: {  	[sflag:s29] =	ssyncadd.s32 $0xFFFFFFFF  }
0xb4: {  	_ =	strace $0x90000048  }
0xb5: {  	_ =	sfence  }
0xb6: {  	s30 =	sld [smem:$0x0];
	_ =	sdelay $0x2  }
0xb7: {  	s31 =	sshll.u32 s1, $0xD;
	s1 =	sshrl.u32 s1, $0x2  }
0xb8: {  	s3 =	sand.u32 $0x4000, s31;
	s1 =	sadd.s32 s1, s30  }
0xb9: {  	s0 =	sor.u32 s3, s0;
	s1 =	sshll.u32 s1, $0x11  }
0xba: {  	s0 =	sor.u32 s1, s0  }
0xbb: {  	s0 =	sadd.s32 $0x8F2B, s0  }
0xbc: {  	[sflag:s0] =	ssyncadd.remote.s32 $0x1  }
0xbd: {  	_ =	sfence.sel $0xFFFF  }
0xbe: {  	[dreg:$0x0] =	wrdreg $0xFFFFFFFF;
	(pc) =	sbr.abs _section_cstart, $3  }
0xbf: {  	[dreg:$0x1] =	wrdreg $0xFFFFFFFF  }
0xc0: {  	_ =	task.clear_ibuf [dreg:s6], $0x2FFFF;
	_ =	strace $0x9FFFFFFF  }
0xc1: {  	(tm) =	ssettm $0x7FFFFFFF  }
tec
execute0_lowered:
.L_overlay_start_1:
0x0: {  	(tag) =	ssettag $0x1  }
0x1: {  	s0 =	srdreg.scid  }
0x2: {  	s3 =	stileid.u32;
	s1 =	rddreg [dreg:$0x0];
	s9 =	simm.s32 $0x0  }
0x3: {  	s0 =	sand.u32 $0x1, s0;
	s2 =	smul.u32 $0x4E20, s3;
	s4 =	sshll.u32 s3, $0x1  }
0x4: {  	[smem:$0x7FF] =	sst s9;
	s5 =	sor.u32 s0, s4;
	s4 =	sadd.s32 s4, s1  }
0x5: {  	s3 =	simm.s32 $0x4E20;
	s8 =	smul.u32 $0x2710, s0;
	s28 =	sadd.s32 $0xA00, s4  }
0x6: {  	_ =	strace $0x80000047;
	s29 =	sadd.s32 $0x800, s4;
	[dreg:$0x8] =	wrdreg s28  }
0x7: {  	s0 =	ssub.s32 $0x2, s0;
	s30 =	sadd.s32 $0x600, s4;
	[dreg:$0x9] =	wrdreg s29  }
0x8: {  	s6 =	smul.u32 $0x78, s5;
	s7 =	sshrl.u32 s0, $0x1;
	[dreg:$0xa] =	wrdreg s30  }
0x9: {  	s2 =	sadd.s32 s8, s2;
	s0 =	ssub.s32 s0, s7;
	[dreg:$0x2] =	wrdreg s8  }
0xa: {  	s2 =	sshrl.u32 s2, $0x3;
	s6 =	sadd.s32 s6, s1;
	s0 =	smax.u32 s0, $0x1  }
0xb: {  	s2 =	sadd.s32 s2, s1;
	s31 =	sadd.s32 $0x32200, s6;
	[dreg:$0xd] =	wrdreg s0  }
0xc: {  	s5 =	smul.u32 $0x14, s5;
	s23 =	sadd.s32 $0x28400, s2;
	[dreg:$0xb] =	wrdreg s31  }
0xd: {  	s4 =	simm.s32 $0x7530;
	s24 =	sadd.s32 $0x1E600, s2;
	[dreg:$0x3] =	wrdreg s23  }
.Ltmp0:
0xe: {  	s25 =	sadd.s32 $0xAA00, s2;
	[dreg:$0x4] =	wrdreg s24;
	(pc) =	sbr.rel .LBB2_1-.Ltmp0, $4  }
0xf: {  	s1 =	sadd.s32 s5, s1;
	s26 =	sadd.s32 $0xC00, s2;
	[dreg:$0x5] =	wrdreg s25  }
0x10: {  	s5 =	simm.s32 $0x9C40;
	s2 =	sadd.s32 $0x14800, s2;
	[dreg:$0x6] =	wrdreg s26  }
0x11: {  	v1 =	vimm.f32 $1.000000000e+06;
	s6 =	simm.s32 $0x0;
	s1 =	sadd.s32 $0x33200, s1;
	[dreg:$0x7] =	wrdreg s2  }
0x12: {  	v2 =	vimm.f32 $0.0e+00;
	v3 =	vlaneseq.u32;
	v0 =	vmov s8;
	[dreg:$0xc] =	wrdreg s1;
	s1 =	simm.s32 $0x1;
	s2 =	simm.s32 $0x2710  }
.LBB2_7:
0x13: {  	v4 =	vld [tilespmem:$0x16380];
	_ =	sdelay $0x4  }
0x14: {  	v5 =	vsub.s32 v4, v0  }
0x15: {  	v4 =	vand.u32 $0x7, v4;
	v5 =	vand.u32 $0xFFFFFFF8, v5  }
0x16: {  	v4 =	vor.u32 v4, v5;
	_ =	sdelay $0x3  }
0x17: {  	s9 =	simm.s32 $0x0  }
0x18: {  	v5 =	vld.idx.msk [tilespmem:v4+s9+$0x0], $0xffff;
	_ =	sdelay $0x4  }
0x19: {  	s2 =	simm.s32 $0x2710;
	[tilespmem:$0x15FC0] =	vst v5  }
0x1a: {  	v5 =	vld.idx.msk [tilespmem:v4+s2+$0x0], $0xffff;
	_ =	sdelay $0x4  }
0x1b: {  	s3 =	simm.s32 $0x4E20;
	[tilespmem:$0x16060] =	vst v5  }
0x1c: {  	v5 =	vld.idx.msk [tilespmem:v4+s3+$0x0], $0xffff;
	_ =	sdelay $0x4  }
0x1d: {  	s4 =	simm.s32 $0x7530;
	v6 =	vld [tilespmem:$0x16390];
	[tilespmem:$0x16100] =	vst v5  }
0x1e: {  	v5 =	vld.idx.msk [tilespmem:v4+s4+$0x0], $0xffff;
	_ =	sdelay $0x4  }
0x1f: {  	s5 =	simm.s32 $0x9C40;
	[tilespmem:$0x161A0] =	vst v5;
	v5 =	vsub.s32 v6, v0  }
0x20: {  	v6 =	vand.u32 $0x7, v6;
	v4 =	vld.idx.msk [tilespmem:v4+s5+$0x0], $0xffff;
	v5 =	vand.u32 $0xFFFFFFF8, v5  }
0x21: {  	v5 =	vor.u32 v6, v5;
	_ =	sdelay $0x3  }
0x22: {  	[tilespmem:$0x16240] =	vst v4  }
0x23: {  	v4 =	vld.idx.msk [tilespmem:v5+s9+$0x0], $0xffff;
	_ =	sdelay $0x4  }
0x24: {  	[tilespmem:$0x15FD0] =	vst v4  }
0x25: {  	v4 =	vld.idx.msk [tilespmem:v5+s2+$0x0], $0xffff;
	_ =	sdelay $0x4  }
0x26: {  	[tilespmem:$0x16070] =	vst v4  }
0x27: {  	v4 =	vld.idx.msk [tilespmem:v5+s3+$0x0], $0xffff;
	_ =	sdelay $0x4  }
0x28: {  	v56 =	vld [tilespmem:$0x163A0];
	[tilespmem:$0x16110] =	vst v4  }
0x29: {  	v4 =	vld.idx.msk [tilespmem:v5+s4+$0x0], $0xffff;
	_ =	sdelay $0x4  }
0x2a: {  	[tilespmem:$0x161B0] =	vst v4;
	v4 =	vsub.s32 v56, v0  }
0x2b: {  	v6 =	vand.u32 $0x7, v56;
	v5 =	vld.idx.msk [tilespmem:v5+s5+$0x0], $0xffff;
	v4 =	vand.u32 $0xFFFFFFF8, v4  }
0x2c: {  	v4 =	vor.u32 v6, v4;
	_ =	sdelay $0x3  }
0x2d: {  	[tilespmem:$0x16250] =	vst v5  }
0x2e: {  	v5 =	vld.idx.msk [tilespmem:v4+s9+$0x0], $0xffff;
	_ =	sdelay $0x4  }
0x2f: {  	[tilespmem:$0x15FE0] =	vst v5  }
0x30: {  	v5 =	vld.idx.msk [tilespmem:v4+s2+$0x0], $0xffff;
	_ =	sdelay $0x4  }
0x31: {  	[tilespmem:$0x16080] =	vst v5  }
0x32: {  	v5 =	vld.idx.msk [tilespmem:v4+s3+$0x0], $0xffff;
	_ =	sdelay $0x4  }
0x33: {  	v57 =	vld [tilespmem:$0x163B0];
	[tilespmem:$0x16120] =	vst v5  }
0x34: {  	v5 =	vld.idx.msk [tilespmem:v4+s4+$0x0], $0xffff;
	_ =	sdelay $0x4  }
0x35: {  	[tilespmem:$0x161C0] =	vst v5;
	v5 =	vsub.s32 v57, v0  }
0x36: {  	v6 =	vand.u32 $0x7, v57;
	v4 =	vld.idx.msk [tilespmem:v4+s5+$0x0], $0xffff;
	v5 =	vand.u32 $0xFFFFFFF8, v5  }
0x37: {  	v5 =	vor.u32 v6, v5;
	_ =	sdelay $0x3  }
0x38: {  	[tilespmem:$0x16260] =	vst v4  }
0x39: {  	v4 =	vld.idx.msk [tilespmem:v5+s9+$0x0], $0xffff;
	_ =	sdelay $0x4  }
0x3a: {  	[tilespmem:$0x15FF0] =	vst v4  }
0x3b: {  	v4 =	vld.idx.msk [tilespmem:v5+s2+$0x0], $0xffff;
	_ =	sdelay $0x4  }
0x3c: {  	[tilespmem:$0x16090] =	vst v4  }
0x3d: {  	v4 =	vld.idx.msk [tilespmem:v5+s3+$0x0], $0xffff;
	_ =	sdelay $0x4  }
0x3e: {  	v58 =	vld [tilespmem:$0x163C0];
	[tilespmem:$0x16130] =	vst v4  }
0x3f: {  	v4 =	vld.idx.msk [tilespmem:v5+s4+$0x0], $0xffff;
	_ =	sdelay $0x4  }
0x40: {  	[tilespmem:$0x161D0] =	vst v4;
	v4 =	vsub.s32 v58, v0  }
0x41: {  	v6 =	vand.u32 $0x7, v58;
	v5 =	vld.idx.msk [tilespmem:v5+s5+$0x0], $0xffff;
	v4 =	vand.u32 $0xFFFFFFF8, v4  }
0x42: {  	v4 =	vor.u32 v6, v4;
	_ =	sdelay $0x3  }
0x43: {  	[tilespmem:$0x16270] =	vst v5  }
0x44: {  	v5 =	vld.idx.msk [tilespmem:v4+s9+$0x0], $0xffff;
	_ =	sdelay $0x4  }
0x45: {  	[tilespmem:$0x16000] =	vst v5  }
0x46: {  	v5 =	vld.idx.msk [tilespmem:v4+s2+$0x0], $0xffff;
	_ =	sdelay $0x4  }
0x47: {  	[tilespmem:$0x160A0] =	vst v5  }
0x48: {  	v5 =	vld.idx.msk [tilespmem:v4+s3+$0x0], $0xffff;
	_ =	sdelay $0x4  }
0x49: {  	v59 =	vld [tilespmem:$0x163D0];
	[tilespmem:$0x16140] =	vst v5  }
0x4a: {  	v5 =	vld.idx.msk [tilespmem:v4+s4+$0x0], $0xffff;
	_ =	sdelay $0x4  }
0x4b: {  	[tilespmem:$0x161E0] =	vst v5;
	v5 =	vsub.s32 v59, v0  }
0x4c: {  	v6 =	vand.u32 $0x7, v59;
	v4 =	vld.idx.msk [tilespmem:v4+s5+$0x0], $0xffff;
	v5 =	vand.u32 $0xFFFFFFF8, v5  }
0x4d: {  	v5 =	vor.u32 v6, v5;
	_ =	sdelay $0x3  }
0x4e: {  	[tilespmem:$0x16280] =	vst v4  }
0x4f: {  	v4 =	vld.idx.msk [tilespmem:v5+s9+$0x0], $0xffff;
	_ =	sdelay $0x4  }
0x50: {  	[tilespmem:$0x16010] =	vst v4  }
0x51: {  	v4 =	vld.idx.msk [tilespmem:v5+s2+$0x0], $0xffff;
	_ =	sdelay $0x4  }
0x52: {  	[tilespmem:$0x160B0] =	vst v4  }
0x53: {  	v4 =	vld.idx.msk [tilespmem:v5+s3+$0x0], $0xffff;
	_ =	sdelay $0x4  }
0x54: {  	v60 =	vld [tilespmem:$0x163E0];
	[tilespmem:$0x16150] =	vst v4  }
0x55: {  	v4 =	vld.idx.msk [tilespmem:v5+s4+$0x0], $0xffff;
	_ =	sdelay $0x4  }
0x56: {  	[tilespmem:$0x161F0] =	vst v4;
	v4 =	vsub.s32 v60, v0  }
0x57: {  	v6 =	vand.u32 $0x7, v60;
	v5 =	vld.idx.msk [tilespmem:v5+s5+$0x0], $0xffff;
	v4 =	vand.u32 $0xFFFFFFF8, v4  }
0x58: {  	v4 =	vor.u32 v6, v4;
	_ =	sdelay $0x3  }
0x59: {  	[tilespmem:$0x16290] =	vst v5  }
0x5a: {  	v5 =	vld.idx.msk [tilespmem:v4+s9+$0x0], $0xffff;
	_ =	sdelay $0x4  }
0x5b: {  	[tilespmem:$0x16020] =	vst v5  }
0x5c: {  	v5 =	vld.idx.msk [tilespmem:v4+s2+$0x0], $0xffff;
	_ =	sdelay $0x4  }
0x5d: {  	[tilespmem:$0x160C0] =	vst v5  }
0x5e: {  	v5 =	vld.idx.msk [tilespmem:v4+s3+$0x0], $0xffff;
	_ =	sdelay $0x4  }
0x5f: {  	v61 =	vld [tilespmem:$0x163F0];
	[tilespmem:$0x16160] =	vst v5  }
0x60: {  	v5 =	vld.idx.msk [tilespmem:v4+s4+$0x0], $0xffff;
	_ =	sdelay $0x4  }
0x61: {  	[tilespmem:$0x16200] =	vst v5;
	v5 =	vsub.s32 v61, v0  }
0x62: {  	v6 =	vand.u32 $0x7, v61;
	v4 =	vld.idx.msk [tilespmem:v4+s5+$0x0], $0xffff;
	v5 =	vand.u32 $0xFFFFFFF8, v5  }
0x63: {  	v5 =	vor.u32 v6, v5;
	_ =	sdelay $0x3  }
0x64: {  	[tilespmem:$0x162A0] =	vst v4  }
0x65: {  	v4 =	vld.idx.msk [tilespmem:v5+s9+$0x0], $0xffff;
	_ =	sdelay $0x4  }
0x66: {  	[tilespmem:$0x16030] =	vst v4  }
0x67: {  	v4 =	vld.idx.msk [tilespmem:v5+s2+$0x0], $0xffff;
	_ =	sdelay $0x4  }
0x68: {  	[tilespmem:$0x160D0] =	vst v4  }
0x69: {  	v4 =	vld.idx.msk [tilespmem:v5+s3+$0x0], $0xffff;
	_ =	sdelay $0x4  }
0x6a: {  	v62 =	vld [tilespmem:$0x16400];
	[tilespmem:$0x16170] =	vst v4  }
0x6b: {  	v4 =	vld.idx.msk [tilespmem:v5+s4+$0x0], $0xffff;
	_ =	sdelay $0x4  }
0x6c: {  	[tilespmem:$0x16210] =	vst v4;
	v4 =	vsub.s32 v62, v0  }
0x6d: {  	v6 =	vand.u32 $0x7, v62;
	v5 =	vld.idx.msk [tilespmem:v5+s5+$0x0], $0xffff;
	v4 =	vand.u32 $0xFFFFFFF8, v4  }
0x6e: {  	v4 =	vor.u32 v6, v4;
	_ =	sdelay $0x3  }
0x6f: {  	[tilespmem:$0x162B0] =	vst v5  }
0x70: {  	v5 =	vld.idx.msk [tilespmem:v4+s9+$0x0], $0xffff;
	_ =	sdelay $0x4  }
0x71: {  	[tilespmem:$0x16040] =	vst v5  }
0x72: {  	v5 =	vld.idx.msk [tilespmem:v4+s2+$0x0], $0xffff;
	_ =	sdelay $0x4  }
0x73: {  	[tilespmem:$0x160E0] =	vst v5  }
0x74: {  	v5 =	vld.idx.msk [tilespmem:v4+s3+$0x0], $0xffff;
	_ =	sdelay $0x4  }
0x75: {  	v63 =	vld [tilespmem:$0x16410];
	[tilespmem:$0x16180] =	vst v5  }
0x76: {  	v5 =	vld.idx.msk [tilespmem:v4+s4+$0x0], $0xffff;
	_ =	sdelay $0x4  }
0x77: {  	[tilespmem:$0x16220] =	vst v5;
	v5 =	vsub.s32 v63, v0  }
0x78: {  	v6 =	vand.u32 $0x7, v63;
	v4 =	vld.idx.msk [tilespmem:v4+s5+$0x0], $0xffff;
	v5 =	vand.u32 $0xFFFFFFF8, v5  }
0x79: {  	v5 =	vor.u32 v6, v5;
	_ =	sdelay $0x3  }
0x7a: {  	[tilespmem:$0x162C0] =	vst v4  }
0x7b: {  	v4 =	vld.idx.msk [tilespmem:v5+s9+$0x0], $0xffff;
	_ =	sdelay $0x4  }
0x7c: {  	[tilespmem:$0x16050] =	vst v4  }
0x7d: {  	v4 =	vld.idx.msk [tilespmem:v5+s2+$0x0], $0xffff;
	_ =	sdelay $0x4  }
0x7e: {  	[tilespmem:$0x160F0] =	vst v4  }
0x7f: {  	v4 =	vld.idx.msk [tilespmem:v5+s3+$0x0], $0xffff;
	_ =	sdelay $0x4  }
0x80: {  	[tilespmem:$0x16190] =	vst v4  }
0x81: {  	v4 =	vld.idx.msk [tilespmem:v5+s4+$0x0], $0xffff;
	_ =	sdelay $0x4  }
0x82: {  	[tilespmem:$0x16230] =	vst v4  }
0x83: {  	v4 =	vld.idx.msk [tilespmem:v5+s5+$0x0], $0xffff;
	_ =	sdelay $0x4  }
0x84: {  	s0 =	rddreg [dreg:$0xb];
	s1 =	simm.s32 $0x15FC0;
	[tilespmem:$0x162D0] =	vst v4  }
0x85: {  	[hbm4b:s0+s9] =	stream.linear.scatter [tilespmem:s1], [sflag:$0x1], $0x3C0, $0x38;
	[tilespmem:$0x16420] =	vst v63  }
0x86: {  	s1 =	simm.s32 $0x1  }
0x87: {  	_ =	swait.ge [sflag:s1], $0x3C0  }
0x88: {  	[sflag:s1] =	ssyncset.done $0x0  }
0x89: {  	s6 =	simm.s32 $0x16380;
	s29 =	rddreg [dreg:$0xc];
	[sflag:s1] =	ssyncadd.s32 $0xFFFFFC40  }
0x8a: {  	[hbm4b:s29+s9] =	stream.linear.scatter [tilespmem:s6], [sflag:$0x1], $0xA0, $0x38;
	[tilespmem:$0x16420] =	vst v63  }
0x8b: {  	_ =	swait.ge [sflag:s1], $0xA0  }
0x8c: {  	s30 =	rddreg [dreg:$0xe]  }
0x8d: {  	s31 =	rddreg [dreg:$0xd];
	s6 =	sadd.s32 $0x1, s30  }
0x8e: {  	p0 =	sne.s32 s6, s31  }
.Ltmp1:
0x8f: {  	_ = 	snop;
	(pc) =	sbr.rel @!p0 .LBB2_8-.Ltmp1, $3  }
0x90: {  	_ =	sdelay $0x1  }
0x91: {  	[sflag:s1] =	ssyncset.done $0x0  }
0x92: {  	[sflag:s1] =	ssyncadd.s32 $0xFFFFFF60  }
.LBB2_1:
0x93: {  	[dreg:$0xe] =	wrdreg s6  }
0x94: {  	s0 =	rddreg [dreg:$0x3]  }
0x95: {  	[tilespmem:s9], [sflag:$0x1] =	stream.linear.gather [hbm4b:s0+s9], $0x2710, $0x38;
	[tilespmem:$0x16420] =	vst v63  }
0x96: {  	_ =	swait.ge [sflag:s1], $0x2710  }
0x97: {  	[sflag:s1] =	ssyncset.done $0x0  }
0x98: {  	s21 =	rddreg [dreg:$0x4];
	[sflag:s1] =	ssyncadd.s32 $0xFFFFD8F0  }
0x99: {  	[tilespmem:s2], [sflag:$0x1] =	stream.linear.gather [hbm4b:s21+s9], $0x2710, $0x38;
	[tilespmem:$0x16420] =	vst v63  }
0x9a: {  	_ =	swait.ge [sflag:s1], $0x2710  }
0x9b: {  	[sflag:s1] =	ssyncset.done $0x0  }
0x9c: {  	s22 =	rddreg [dreg:$0x5];
	[sflag:s1] =	ssyncadd.s32 $0xFFFFD8F0  }
0x9d: {  	[tilespmem:s3], [sflag:$0x1] =	stream.linear.gather [hbm4b:s22+s9], $0x2710, $0x38;
	[tilespmem:$0x16420] =	vst v63  }
0x9e: {  	_ =	swait.ge [sflag:s1], $0x2710  }
0x9f: {  	[sflag:s1] =	ssyncset.done $0x0  }
0xa0: {  	s23 =	rddreg [dreg:$0x6];
	[sflag:s1] =	ssyncadd.s32 $0xFFFFD8F0  }
0xa1: {  	[tilespmem:s4], [sflag:$0x1] =	stream.linear.gather [hbm4b:s23+s9], $0x2710, $0x38;
	[tilespmem:$0x16420] =	vst v63  }
0xa2: {  	_ =	swait.ge [sflag:s1], $0x2710  }
0xa3: {  	[sflag:s1] =	ssyncset.done $0x0  }
0xa4: {  	s24 =	rddreg [dreg:$0x7];
	[sflag:s1] =	ssyncadd.s32 $0xFFFFD8F0  }
0xa5: {  	[tilespmem:s5], [sflag:$0x1] =	stream.linear.gather [hbm4b:s24+s9], $0x2710, $0x38;
	[tilespmem:$0x16420] =	vst v63  }
0xa6: {  	_ =	swait.ge [sflag:s1], $0x2710  }
0xa7: {  	[sflag:s1] =	ssyncset.done $0x0  }
0xa8: {  	s26 =	simm.s32 $0x15F90;
	s25 =	rddreg [dreg:$0x8];
	[sflag:s1] =	ssyncadd.s32 $0xFFFFD8F0  }
0xa9: {  	[tilespmem:s26], [sflag:$0x1] =	stream.linear.gather [hbm4b:s25+s9], $0x10, $0x38;
	[tilespmem:$0x16420] =	vst v63  }
0xaa: {  	_ =	swait.ge [sflag:s1], $0x10  }
0xab: {  	[sflag:s1] =	ssyncset.done $0x0  }
0xac: {  	s29 =	simm.s32 $0x15FA0;
	s28 =	rddreg [dreg:$0x9];
	[sflag:s1] =	ssyncadd.s32 $0xFFFFFFF0  }
0xad: {  	[tilespmem:s29], [sflag:$0x1] =	stream.linear.gather [hbm4b:s28+s9], $0x10, $0x38;
	[tilespmem:$0x16420] =	vst v63  }
0xae: {  	_ =	swait.ge [sflag:s1], $0x10  }
0xaf: {  	[sflag:s1] =	ssyncset.done $0x0  }
0xb0: {  	s31 =	simm.s32 $0x15FB0;
	s30 =	rddreg [dreg:$0xa];
	[sflag:s1] =	ssyncadd.s32 $0xFFFFFFF0  }
0xb1: {  	[tilespmem:s31], [sflag:$0x1] =	stream.linear.gather [hbm4b:s30+s9], $0x10, $0x38;
	[tilespmem:$0x16420] =	vst v63  }
0xb2: {  	_ =	swait.ge [sflag:s1], $0x10  }
0xb3: {  	[sflag:s1] =	ssyncset.done $0x0  }
0xb4: {  	[sflag:s1] =	ssyncadd.s32 $0xFFFFFFF0;
	s1 =	simm.s32 $0x0  }
0xb5: {  	v4 =	vld [tilespmem:s1+$0x0]  }
0xb6: {  	v5 =	vld [tilespmem:s1+$0x2710]  }
0xb7: {  	v6 =	vld [tilespmem:s1+$0x4E20]  }
0xb8: {  	v7 =	vld [tilespmem:s1+$0x7530];
	_ =	sdelay $0x1  }
0xb9: {  	v4 =	vsub.f32 $0.0e+00, v4  }
0xba: {  	v5 =	vsub.f32 $0.0e+00, v5  }
0xbb: {  	v6 =	vsub.f32 $0.0e+00, v6;
	v4 =	vmul.f32 $1.442695020e+00, v4  }
0xbc: {  	v7 =	vsub.f32 $0.0e+00, v7;
	v5 =	vmul.f32 $1.442695020e+00, v5  }
0xbd: {  	s0 =	simm.s32 $0x10;
	v6 =	vmul.f32 $1.442695020e+00, v6;
	(erf) = vpow2.f32 v4  }
0xbe: {  	v4 =	vmul.f32 $1.442695020e+00, v7;
	v7 =	vld [tilespmem:s0+$0x0];
	(erf) = vpow2.f32 v5  }
0xbf: {  	v5 =	vld [tilespmem:s0+$0x2710];
	(erf) = vpow2.f32 v6  }
0xc0: {  	v6 =	vld [tilespmem:s0+$0x4E20];
	(erf) = vpow2.f32 v4;
	_ =	sdelay $0x1  }
0xc1: {  	v4 =	vld [tilespmem:s0+$0x7530]  }
0xc2: {  	v7 =	vsub.f32 $0.0e+00, v7  }
0xc3: {  	v5 =	vsub.f32 $0.0e+00, v5  }
0xc4: {  	v6 =	vsub.f32 $0.0e+00, v6;
	v7 =	vmul.f32 $1.442695020e+00, v7  }
0xc5: {  	v5 =	vmul.f32 $1.442695020e+00, v5;
	v8 =	vpop (erf)  }
0xc6: {  	s2 =	simm.s32 $0x20;
	v4 =	vsub.f32 $0.0e+00, v4;
	v6 =	vmul.f32 $1.442695020e+00, v6;
	(erf) = vpow2.f32 v7;
	v9 =	vpop (erf)  }
0xc7: {  	v13 =	vadd.f32 $1.000000000e+00, v8;
	v8 =	vld [tilespmem:s2+$0x0];
	(erf) = vpow2.f32 v5;
	v10 =	vpop (erf);
	v9 =	vadd.f32 $1.000000000e+00, v9  }
0xc8: {  	v4 =	vmul.f32 $1.442695020e+00, v4;
	v5 =	vld [tilespmem:s2+$0x2710];
	(erf) = vpow2.f32 v6;
	v7 =	vpop (erf)  }
0xc9: {  	v10 =	vadd.f32 $1.000000000e+00, v10;
	v17 =	vadd.f32 $1.000000000e+00, v7;
	v6 =	vmul.f32 v9, v13;
	v7 =	vld [tilespmem:s2+$0x4E20]  }
0xca: {  	(erf) = vpow2.f32 v4  }
0xcb: {  	v11 =	vld [tilespmem:s2+$0x7530];
	v4 =	vmul.f32 v17, v10;
	(erf) = vrcp.f32 v6;
	_ =	sdelay $0x1  }
0xcc: {  	v5 =	vsub.f32 $0.0e+00, v5;
	(erf) = vrcp.f32 v4  }
0xcd: {  	v4 =	vsub.f32 $0.0e+00, v8;
	v6 =	vsub.f32 $0.0e+00, v7;
	_ =	sdelay $0x1  }
0xce: {  	v7 =	vsub.f32 $0.0e+00, v11;
	v8 =	vpop (erf);
	v11 =	vmul.f32 $1.442695020e+00, v4  }
0xcf: {  	v12 =	vmul.f32 $1.442695020e+00, v5;
	v5 =	vpop (erf);
	v4 =	vadd.f32 $1.000000000e+00, v8  }
0xd0: {  	v14 =	vmul.f32 $1.442695020e+00, v6;
	v5 =	vadd.f32 $1.000000000e+00, v5;
	(erf) = vpow2.f32 v11;
	v6 =	vpop (erf)  }
0xd1: {  	s20 =	simm.s32 $0x30;
	v15 =	vmul.f32 $1.442695020e+00, v7;
	(erf) = vpow2.f32 v12;
	v8 =	vpop (erf);
	v7 =	vadd.f32 $1.000000000e+00, v6  }
0xd2: {  	v12 =	vld [tilespmem:s20+$0x0];
	(erf) = vpow2.f32 v14;
	v6 =	vadd.f32 $1.000000000e+00, v8;
	v16 =	vpop (erf);
	v8 =	vmul.f32 v5, v4  }
0xd3: {  	v14 =	vld [tilespmem:s20+$0x2710];
	(erf) = vpow2.f32 v15;
	v11 =	vmul.f32 v16, v9  }
0xd4: {  	v15 =	vld [tilespmem:s20+$0x4E20];
	v18 =	vmul.f32 v6, v7;
	v19 =	vpop (erf);
	(erf) = vrcp.f32 v8  }
0xd5: {  	v8 =	vmul.f32 v19, v10;
	v10 =	vmul.f32 v16, v13;
	v16 =	vld [tilespmem:s20+$0x7530];
	_ =	sdelay $0x1  }
0xd6: {  	s4 =	simm.s32 $0x100;
	v9 =	vmul.f32 v19, v17;
	(erf) = vrcp.f32 v18;
	v13 =	vadd.f32 $-2.000000000e+00, v8  }
.LBB2_2:
0xd7: {  	p0 =	sne.s32 s4, $0x9C00;
	v12 =	vsub.f32 $0.0e+00, v12;
	[tilespmem:s1+$0xC350] =	vst v11;
	v11 =	vmul.f32 v11, v11;
	v17 =	vmul.f32 v10, v10  }
0xd8: {  	v14 =	vsub.f32 $0.0e+00, v14;
	[tilespmem:s1+$0xEA60] =	vst v10;
	v10 =	vmul.f32 v9, v9;
	v13 =	vmul.f32 v13, v8  }
0xd9: {  	v20 =	vsub.f32 $0.0e+00, v15;
	v12 =	vmul.f32 $1.442695020e+00, v12;
	v16 =	vsub.f32 $0.0e+00, v16;
	v18 =	vpop (erf)  }
0xda: {  	v14 =	vmul.f32 $1.442695020e+00, v14;
	v11 =	vadd.f32 v17, v11;
	v19 =	vpop (erf);
	v10 =	vadd.f32 v13, v10  }
0xdb: {  	v13 =	vmul.f32 $1.442695020e+00, v20;
	v17 =	vadd.f32 $1.000000000e+00, v18;
	v16 =	vmul.f32 $1.442695020e+00, v16;
	v15 =	vpop (erf)  }
0xdc: {  	s5 =	sshra.s32 s4, $0x2;
	v18 =	vadd.f32 $1.000000000e+00, v19;
	(erf) = vpow2.f32 v12;
	v19 =	vpop (erf);
	v10 =	vadd.f32 v10, v11  }
0xdd: {  	v11 =	vadd.f32 $1.000000000e+00, v15;
	v12 =	vld [tilespmem:s5+$0x0];
	(erf) = vpow2.f32 v14;
	v19 =	vadd.f32 $1.000000000e+00, v19;
	v20 =	vpop (erf)  }
.Ltmp2:
0xde: {  	v9 =	vsub.f32 v9, v8;
	v14 =	vld [tilespmem:s5+$0x2710];
	(erf) = vpow2.f32 v13;
	v13 =	vmul.f32 v18, v17;
	[tilespmem:s1+$0x13880] =	vst v10;
	(pc) =	sbr.rel @p0 .LBB2_2-.Ltmp2, $4  }
0xdf: {  	v15 =	vld [tilespmem:s5+$0x4E20];
	(erf) = vpow2.f32 v16;
	v21 =	vmul.f32 v19, v11;
	v22 =	vpop (erf)  }
0xe0: {  	v16 =	vld [tilespmem:s5+$0x7530];
	(erf) = vrcp.f32 v13;
	v8 =	vmul.f32 v22, v7;
	[tilespmem:s1+$0x11170] =	vst v9;
	v7 =	vmov v11;
	s1 =	smov.u32 s0;
	s0 =	smov.u32 s2;
	s2 =	smov.u32 s20  }
0xe1: {  	v10 =	vmul.f32 v20, v4;
	v4 =	vmovc v17;
	v11 =	vmul.f32 v20, v5;
	v5 =	vmov v18;
	s20 =	smov.u32 s5  }
0xe2: {  	s4 =	sadd.s32 $0x40, s4;
	v9 =	vmul.f32 v22, v6;
	v6 =	vmovc v19;
	(erf) = vrcp.f32 v21;
	v13 =	vadd.f32 $-2.000000000e+00, v8  }
0xe3: {  	v12 =	vsub.f32 $0.0e+00, v12  }
0xe4: {  	v14 =	vsub.f32 $0.0e+00, v14;
	v15 =	vsub.f32 $0.0e+00, v15  }
0xe5: {  	v12 =	vmul.f32 $1.442695020e+00, v12;
	v16 =	vsub.f32 $0.0e+00, v16  }
0xe6: {  	v14 =	vmul.f32 $1.442695020e+00, v14;
	v15 =	vmul.f32 $1.442695020e+00, v15  }
0xe7: {  	(erf) = vpow2.f32 v12;
	v12 =	vmul.f32 $1.442695020e+00, v16  }
0xe8: {  	(erf) = vpow2.f32 v14  }
0xe9: {  	(erf) = vpow2.f32 v15  }
0xea: {  	v14 =	vpop (erf);
	(erf) = vpow2.f32 v12  }
0xeb: {  	v12 =	vpop (erf)  }
0xec: {  	v15 =	vpop (erf)  }
0xed: {  	v16 =	vpop (erf)  }
0xee: {  	v17 =	vpop (erf)  }
0xef: {  	v14 =	vadd.f32 $1.000000000e+00, v14;
	v12 =	vadd.f32 $1.000000000e+00, v12;
	v18 =	vpop (erf)  }
0xf0: {  	v15 =	vadd.f32 $1.000000000e+00, v15;
	v16 =	vadd.f32 $1.000000000e+00, v16;
	v19 =	vpop (erf)  }
0xf1: {  	v25 =	vmul.f32 v10, v10;
	v20 =	vmul.f32 v12, v14;
	v21 =	vpop (erf)  }
0xf2: {  	v27 =	vmul.f32 v9, v9;
	v22 =	vmul.f32 v16, v15;
	v23 =	vpop (erf)  }
0xf3: {  	(erf) = vrcp.f32 v20;
	v19 =	vadd.f32 $1.000000000e+00, v19;
	v20 =	vadd.f32 $1.000000000e+00, v21;
	v21 =	vpop (erf)  }
0xf4: {  	(erf) = vrcp.f32 v22;
	v22 =	vadd.f32 $1.000000000e+00, v23;
	v21 =	vadd.f32 $1.000000000e+00, v21  }
0xf5: {  	v13 =	vmul.f32 v13, v8;
	v24 =	vmul.f32 v20, v19  }
0xf6: {  	v5 =	vmul.f32 v17, v5;
	v26 =	vmul.f32 v21, v22  }
0xf7: {  	v7 =	vmul.f32 v18, v7;
	(erf) = vrcp.f32 v24  }
0xf8: {  	v23 =	vmul.f32 v11, v11;
	(erf) = vrcp.f32 v26  }
0xf9: {  	v4 =	vmul.f32 v17, v4;
	v6 =	vmul.f32 v18, v6;
	v17 =	vadd.f32 $-2.000000000e+00, v7  }
0xfa: {  	v13 =	vadd.f32 v13, v27;
	v23 =	vadd.f32 v25, v23  }
0xfb: {  	v8 =	vsub.f32 v9, v8;
	v9 =	vmul.f32 v6, v6;
	v17 =	vmul.f32 v17, v7  }
0xfc: {  	v18 =	vmul.f32 v5, v5;
	v13 =	vadd.f32 v13, v23;
	v23 =	vmul.f32 v4, v4;
	v24 =	vpop (erf)  }
0xfd: {  	[tilespmem:s1+$0xC350] =	vst v11;
	v9 =	vadd.f32 v17, v9;
	v25 =	vpop (erf)  }
0xfe: {  	[tilespmem:s1+$0xEA60] =	vst v10;
	v11 =	vadd.f32 v23, v18;
	v10 =	vmul.f32 v24, v14;
	v15 =	vmul.f32 v25, v15  }
0xff: {  	[tilespmem:s1+$0x11170] =	vst v8;
	v12 =	vmul.f32 v24, v12;
	v14 =	vmul.f32 v25, v16  }
0x100: {  	[tilespmem:s1+$0x13880] =	vst v13;
	v8 =	vadd.f32 v9, v11;
	v9 =	vmul.f32 v10, v10;
	v13 =	vadd.f32 $-2.000000000e+00, v15;
	v17 =	vpop (erf)  }
0x101: {  	v16 =	vmul.f32 v12, v12;
	v11 =	vmul.f32 v14, v14;
	v18 =	vpop (erf)  }
0x102: {  	[tilespmem:s0+$0xC350] =	vst v5;
	v5 =	vsub.f32 v6, v7;
	v6 =	vmul.f32 v13, v15;
	v7 =	vmul.f32 v18, v22  }
0x103: {  	[tilespmem:s0+$0xEA60] =	vst v4;
	v4 =	vadd.f32 v9, v16;
	v9 =	vmul.f32 v17, v20;
	v13 =	vmul.f32 v17, v19  }
0x104: {  	[tilespmem:s0+$0x13880] =	vst v8;
	v8 =	vmul.f32 v18, v21;
	v6 =	vadd.f32 v6, v11;
	v11 =	vadd.f32 $-2.000000000e+00, v7  }
0x105: {  	[tilespmem:s0+$0x11170] =	vst v5;
	v5 =	vmul.f32 v9, v9;
	v16 =	vmul.f32 v13, v13  }
0x106: {  	[tilespmem:s2+$0xC350] =	vst v12;
	v4 =	vadd.f32 v6, v4;
	v6 =	vmul.f32 v8, v8;
	v11 =	vmul.f32 v11, v7  }
0x107: {  	[tilespmem:s2+$0xEA60] =	vst v10;
	v10 =	vsub.f32 v14, v15  }
0x108: {  	[tilespmem:s2+$0x13880] =	vst v4;
	v4 =	vadd.f32 v16, v5;
	v5 =	vadd.f32 v11, v6  }
0x109: {  	[tilespmem:s2+$0x11170] =	vst v10  }
0x10a: {  	[tilespmem:s20+$0xC350] =	vst v9;
	v4 =	vadd.f32 v5, v4  }
0x10b: {  	[tilespmem:s20+$0xEA60] =	vst v13;
	v5 =	vsub.f32 v8, v7  }
0x10c: {  	[tilespmem:s20+$0x13880] =	vst v4  }
0x10d: {  	[tilespmem:s20+$0x11170] =	vst v5  }
0x10e: {  	v6 =	vld [tilespmem:$0x15F90]  }
0x10f: {  	v5 =	vld [tilespmem:$0x15FA0];
	_ =	sdelay $0x3  }
0x110: {  	v4 =	vld [tilespmem:$0x15FB0];
	(v2sf) =	vpush v6, $0x0  }
0x111: {  	(v2sf) =	vpush v5, $0x0;
	_ =	sdelay $0x3  }
0x112: {  	(v2sf) =	vpush v4, $0x0;
	_ =	sdelay $0x1  }
0x113: {  	(v2sf) =	vpush v6, $0x1  }
0x114: {  	(v2sf) =	vpush v5, $0x1;
	_ =	sdelay $0x1  }
0x115: {  	(v2sf) =	vpush v4, $0x1;
	_ =	sdelay $0x3  }
0x116: {  	(v2sf) =	vpush v6, $0x2  }
0x117: {  	s6 =	spop (v2sf);
	(v2sf) =	vpush v5, $0x2  }
0x118: {  	s7 =	spop (v2sf);
	(v2sf) =	vpush v4, $0x2;
	_ =	sdelay $0x3  }
0x119: {  	s8 =	spop (v2sf);
	(v2sf) =	vpush v6, $0x3;
	_ =	sdelay $0x1  }
0x11a: {  	s9 =	spop (v2sf);
	(v2sf) =	vpush v5, $0x3  }
0x11b: {  	s4 =	spop (v2sf);
	(v2sf) =	vpush v4, $0x3  }
0x11c: {  	s23 =	simm.s32 $0x3F800000;
	s5 =	simm.f32 $1.000000000e+06;
	p1 =	seq.f32 s6, s6  }
0x11d: {  	s26 =	simm.s32 $0x3F800000;
	s0 =	smul.f32 $-2.000000000e+00, s6;
	s6 =	spop (v2sf);
	(v2sf) =	vpush v6, $0x4  }
0x11e: {  	s28 =	simm.s32 $0x3F800000;
	p0 =	seq.f32 s7, s7;
	s1 =	smul.f32 $-2.000000000e+00, s7  }
0x11f: {  	p2 =	sne.f32 s8, s8;
	p3 =	slt.f32 s8, $1.000000000e+00;
	s0 =	simm.s32 @!p1 $0x80000000  }
0x120: {  	p4 =	seq.f32 s8, s8;
	[dreg:$0xf] =	wrdreg s0;
	s1 =	simm.s32 @!p0 $0x80000000  }
0x121: {  	s2 =	smul.f32 $-2.000000000e+00, s9;
	p2 =	por p3, p2;
	s10 =	spop (v2sf)  }
0x122: {  	s5 =	simm.s32 @!p4 $0xC9742400;
	s20 =	smul.f32 $-2.000000000e+00, s4;
	s7 =	spop (v2sf);
	(v2sf) =	vpush v5, $0x4  }
0x123: {  	s5 =	simm.s32 @!p0 $0xC9742400;
	p0 =	seq.f32 s4, s4;
	s11 =	spop (v2sf);
	(v2sf) =	vpush v4, $0x4  }
0x124: {  	s23 =	simm.s32 @!p2 $0x0;
	p5 =	sne.f32 s6, s6;
	p6 =	slt.f32 s6, $1.000000000e+00  }
0x125: {  	p4 =	seq.f32 s6, s6;
	s5 =	simm.s32 @!p1 $0xC9742400;
	p1 =	seq.f32 s9, s9  }
0x126: {  	s4 =	simm.f32 $1.000000000e+06;
	p3 =	seq.f32 s10, s10;
	s21 =	smul.f32 $-2.000000000e+00, s10  }
0x127: {  	[smem:$0x0] =	sst s5;
	s2 =	simm.s32 @!p1 $0x80000000;
	s8 =	spop (v2sf);
	(v2sf) =	vpush v6, $0x5  }
0x128: {  	s4 =	simm.s32 @!p4 $0xC9742400;
	s20 =	simm.s32 @!p0 $0x80000000;
	v7 =	vmov s2;
	s2 =	rddreg [dreg:$0x2]  }
0x129: {  	s4 =	simm.s32 @!p0 $0xC9742400;
	p0 =	seq.f32 s7, s7;
	s12 =	spop (v2sf);
	(v2sf) =	vpush v5, $0x5  }
0x12a: {  	s6 =	simm.f32 $1.000000000e+06;
	s22 =	smul.f32 $-2.000000000e+00, s7;
	s9 =	spop (v2sf);
	(v2sf) =	vpush v4, $0x5  }
0x12b: {  	p2 =	por p6, p5;
	p5 =	sne.f32 s11, s11;
	p6 =	slt.f32 s11, $1.000000000e+00  }
0x12c: {  	s4 =	simm.s32 @!p1 $0xC9742400;
	p4 =	seq.f32 s11, s11;
	s10 =	spop (v2sf);
	(v2sf) =	vpush v6, $0x6  }
0x12d: {  	s5 =	simm.s32 $0x3F800000;
	[smem:$0x1] =	sst s4;
	s22 =	simm.s32 @!p0 $0x80000000  }
0x12e: {  	s30 =	smul.f32 $-2.000000000e+00, s8;
	p1 =	por p6, p5;
	s6 =	simm.s32 @!p4 $0xC9742400  }
0x12f: {  	s31 =	smul.f32 $-2.000000000e+00, s12;
	s6 =	simm.s32 @!p0 $0xC9742400;
	p0 =	seq.f32 s12, s12  }
0x130: {  	s5 =	simm.s32 @!p1 $0x0;
	p1 =	seq.f32 s8, s8;
	p5 =	sne.f32 s9, s9  }
0x131: {  	s26 =	simm.s32 @!p2 $0x0;
	p4 =	seq.f32 s9, s9;
	s13 =	spop (v2sf);
	(v2sf) =	vpush v5, $0x6  }
0x132: {  	p6 =	slt.f32 s9, $1.000000000e+00;
	s8 =	simm.f32 $1.000000000e+06;
	s14 =	spop (v2sf);
	(v2sf) =	vpush v4, $0x6  }
0x133: {  	s6 =	simm.s32 @!p3 $0xC9742400;
	s4 =	smul.f32 $-2.000000000e+00, s10;
	s8 =	simm.s32 @!p4 $0xC9742400  }
0x134: {  	[smem:$0x2] =	sst s6;
	p2 =	por p6, p5;
	s8 =	simm.s32 @!p0 $0xC9742400  }
0x135: {  	s30 =	simm.s32 @!p1 $0x80000000;
	s8 =	simm.s32 @!p1 $0xC9742400;
	p1 =	seq.f32 s10, s10  }
0x136: {  	s6 =	simm.s32 $0x3F800000;
	[smem:$0x3] =	sst s8;
	s29 =	spop (v2sf)  }
0x137: {  	s31 =	simm.s32 @!p0 $0x80000000;
	(v2sf) =	vpush v6, $0x7;
	p4 =	sne.f32 s14, s14;
	p5 =	slt.f32 s14, $1.000000000e+00  }
0x138: {  	s6 =	simm.s32 @!p2 $0x0;
	p2 =	seq.f32 s14, s14;
	s11 =	spop (v2sf);
	(v2sf) =	vpush v5, $0x7  }
0x139: {  	s8 =	simm.f32 $1.000000000e+06;
	p6 =	seq.f32 s13, s13;
	s17 =	spop (v2sf);
	(v2sf) =	vpush v4, $0x7  }
0x13a: {  	s4 =	simm.s32 @!p1 $0x80000000;
	p0 =	por p5, p4;
	s8 =	simm.s32 @!p2 $0xC9742400  }
0x13b: {  	s28 =	simm.s32 @!p0 $0x0;
	s12 =	spop (v2sf);
	(v2sf) =	vpush v6, $0x8;
	s8 =	simm.s32 @!p6 $0xC9742400  }
0x13c: {  	p0 =	seq.f32 s17, s17;
	s8 =	simm.s32 @!p1 $0xC9742400;
	p1 =	seq.f32 s11, s11  }
0x13d: {  	[smem:$0x4] =	sst s8;
	s8 =	simm.f32 $1.000000000e+06  }
0x13e: {  	p2 =	seq.f32 s29, s29;
	s0 =	simm.s32 @!p1 $0x0;
	s8 =	simm.s32 @!p0 $0xC9742400  }
0x13f: {  	v13 =	vmov s30;
	s30 =	sld [smem:$0x1];
	s0 =	simm.s32 @p1 $0x1;
	s8 =	simm.s32 @!p1 $0xC9742400  }
0x140: {  	[smem:$0x7F3] =	sst s0;
	s8 =	simm.s32 @!p2 $0xC9742400;
	s14 =	spop (v2sf);
	(v2sf) =	vpush v5, $0x8  }
0x141: {  	s0 =	simm.s32 @!p2 $0x0;
	[smem:$0x5] =	sst s8;
	s15 =	spop (v2sf);
	(v2sf) =	vpush v4, $0x8  }
0x142: {  	p5 =	seq.f32 s12, s12;
	s0 =	simm.s32 @p2 $0x1;
	s3 =	sld [smem:$0x7F3]  }
0x143: {  	s11 =	smul.f32 $-2.000000000e+00, s11;
	[smem:$0x7F2] =	sst s0  }
0x144: {  	v14 =	vmov s31;
	s8 =	smul.f32 $-2.000000000e+00, s13;
	s31 =	sld [smem:$0x2]  }
0x145: {  	s25 =	sld [smem:$0x7F2];
	p1 =	seq.f32 s14, s14  }
0x146: {  	s10 =	simm.f32 $1.000000000e+06;
	s16 =	spop (v2sf);
	p0 =	seq.f32 s15, s15  }
0x147: {  	(v2sf) =	vpush v6, $0x9;
	s24 =	spop (v2sf);
	s0 =	simm.s32 @!p1 $0x0;
	p4 =	seq.f32 s16, s16  }
0x148: {  	(v2sf) =	vpush v5, $0x9;
	s0 =	simm.s32 @p1 $0x1;
	s18 =	spop (v2sf);
	s10 =	simm.s32 @!p0 $0xC9742400  }
0x149: {  	(v2sf) =	vpush v4, $0x9;
	[smem:$0x7F4] =	sst s0;
	s10 =	simm.s32 @!p1 $0xC9742400;
	p1 =	seq.f32 s24, s24  }
0x14a: {  	s8 =	simm.s32 @!p6 $0x80000000;
	p0 =	seq.f32 s18, s18;
	s19 =	spop (v2sf)  }
0x14b: {  	p6 =	sne.f32 s18, s18;
	s10 =	simm.s32 @!p5 $0xC9742400;
	s0 =	simm.s32 @!p1 $0x0  }
0x14c: {  	[smem:$0x6] =	sst s10;
	s10 =	simm.f32 $1.000000000e+06;
	s0 =	simm.s32 @p1 $0x1  }
0x14d: {  	s10 =	simm.s32 @!p0 $0xC9742400;
	[smem:$0x7F7] =	sst s0;
	s0 =	simm.s32 @!p6 $0x0  }
0x14e: {  	p0 =	slt.f32 s17, $1.000000000e+00;
	s0 =	simm.s32 @p6 $0x1;
	p6 =	slt.f32 s18, $1.000000000e+00  }
0x14f: {  	s10 =	simm.s32 @!p1 $0xC9742400;
	p1 =	sne.f32 s17, s17;
	s13 =	spop (v2sf)  }
0x150: {  	[smem:$0x7F5] =	sst s0;
	s0 =	simm.s32 @!p6 $0x0;
	s17 =	spop (v2sf)  }
0x151: {  	s10 =	simm.s32 @!p4 $0xC9742400;
	s0 =	simm.s32 @p6 $0x1;
	p6 =	seq.f32 s17, s17  }
0x152: {  	[smem:$0x7] =	sst s10;
	s10 =	smul.f32 $-2.000000000e+00, s29  }
0x153: {  	s29 =	smul.f32 $-2.000000000e+00, s23;
	[smem:$0x7F6] =	sst s0;
	s0 =	simm.s32 @!p6 $0x0  }
0x154: {  	s23 =	smul.f32 $-2.000000000e+00, s12;
	s0 =	simm.s32 @p6 $0x1;
	p6 =	sne.f32 s17, s17  }
0x155: {  	s21 =	simm.s32 @!p3 $0x80000000;
	v5 =	vmov s1;
	s1 =	sld [smem:$0x3];
	s12 =	smul.f32 $-2.000000000e+00, s14  }
0x156: {  	s9 =	spop (v2sf);
	[smem:$0x7FA] =	sst s0;
	s0 =	simm.s32 @!p6 $0x0  }
0x157: {  	s7 =	spop (v2sf);
	s0 =	simm.s32 @p6 $0x1;
	p6 =	slt.f32 s17, $1.000000000e+00  }
0x158: {  	p0 =	por p0, p1;
	s14 =	sld [smem:$0x7F5];
	s18 =	spop (v2sf)  }
0x159: {  	p1 =	seq.f32 s18, s18;
	[smem:$0x7F9] =	sst s0;
	s0 =	simm.s32 @!p6 $0x0  }
0x15a: {  	p3 =	sne.f32 s15, s15;
	v6 =	vmov s29;
	s29 =	sld [smem:$0x0];
	s0 =	simm.s32 @p6 $0x1  }
0x15b: {  	p2 =	slt.f32 s15, $1.000000000e+00;
	[smem:$0x7F8] =	sst s0;
	s0 =	simm.s32 @!p1 $0x0  }
0x15c: {  	v16 =	vmov s4;
	s4 =	smul.f32 $-2.000000000e+00, s7;
	s0 =	simm.s32 @p1 $0x1;
	p1 =	sne.f32 s18, s18  }
0x15d: {  	s23 =	simm.s32 @!p5 $0x80000000;
	s15 =	sld [smem:$0x7F6];
	s17 =	smul.f32 $-2.000000000e+00, s6  }
0x15e: {  	s6 =	smul.f32 $-2.000000000e+00, s24;
	[smem:$0x7FB] =	sst s0;
	s0 =	simm.s32 @!p1 $0x0  }
0x15f: {  	s0 =	simm.s32 @p1 $0x1;
	p1 =	slt.f32 s18, $1.000000000e+00;
	s18 =	simm.s32 $0x3F800000  }
0x160: {  	s24 =	sld [smem:$0x7F8];
	s18 =	simm.s32 @!p0 $0x0;
	p0 =	seq.s32 s25, $0x1  }
0x161: {  	[smem:$0x7FC] =	sst s0;
	s25 =	smul.f32 $-2.000000000e+00, s26;
	s10 =	simm.s32 @!p0 $0x80000000  }
0x162: {  	p0 =	seq.s32 s3, $0x1;
	s3 =	smul.f32 $-2.000000000e+00, s5;
	s5 =	sld [smem:$0x7F4]  }
0x163: {  	v11 =	vmov s22;
	s26 =	simm.s32 $0x3F800000;
	s0 =	simm.s32 @!p1 $0x0;
	s22 =	sld [smem:$0x7FC]  }
0x164: {  	s0 =	simm.s32 @p1 $0x1;
	s11 =	simm.s32 @!p0 $0x80000000;
	p0 =	por p2, p3  }
0x165: {  	p1 =	seq.s32 s14, $0x1;
	p2 =	seq.s32 s15, $0x1;
	p3 =	seq.s32 s24, $0x1  }
0x166: {  	s24 =	smul.f32 $-2.000000000e+00, s19;
	[smem:$0x7FD] =	sst s0;
	s26 =	simm.s32 @!p0 $0x0  }
0x167: {  	[tilespmem:$0x162E0] =	vst v1;
	p0 =	seq.s32 s5, $0x1;
	s5 =	smul.f32 $-2.000000000e+00, s16;
	s16 =	sld [smem:$0x7F7]  }
0x168: {  	[tilespmem:$0x16380] =	vst v0;
	s15 =	simm.s32 $0x3F800000;
	s14 =	smul.f32 $-2.000000000e+00, s26;
	s26 =	sld [smem:$0x7F9]  }
0x169: {  	[tilespmem:$0x162F0] =	vst v1;
	v9 =	vmov s25;
	s0 =	smul.f32 $-2.000000000e+00, s28;
	s28 =	simm.f32 $1.000000000e+06;
	s25 =	sld [smem:$0x7FD]  }
0x16a: {  	[tilespmem:$0x16390] =	vst v0;
	s12 =	simm.s32 @!p0 $0x80000000;
	p0 =	por p2, p1;
	p1 =	seq.f32 s13, s13  }
0x16b: {  	[tilespmem:$0x16300] =	vst v1;
	s13 =	smul.f32 $-2.000000000e+00, s13;
	s15 =	simm.s32 @!p0 $0x0;
	s5 =	simm.s32 @!p4 $0x80000000  }
0x16c: {  	[tilespmem:$0x163A0] =	vst v0;
	p0 =	seq.s32 s16, $0x1;
	s16 =	smul.f32 $-2.000000000e+00, s18;
	p4 =	seq.s32 s26, $0x1  }
0x16d: {  	[tilespmem:$0x16310] =	vst v1;
	s18 =	simm.s32 $0x3F800000;
	s6 =	simm.s32 @!p0 $0x80000000;
	p0 =	por p3, p4  }
0x16e: {  	[tilespmem:$0x163B0] =	vst v0;
	s18 =	simm.s32 @!p0 $0x0;
	p0 =	seq.f32 s19, s19;
	s19 =	sld [smem:$0x7FA]  }
0x16f: {  	[tilespmem:$0x16320] =	vst v1;
	v12 =	vmov s3;
	s3 =	simm.s32 $0x3F800000;
	p5 =	seq.s32 s22, $0x1;
	v18 =	vmov s0;
	s0 =	sld [smem:$0x4]  }
0x170: {  	[tilespmem:$0x163C0] =	vst v0;
	s26 =	simm.f32 $1.000000000e+06;
	s15 =	smul.f32 $-2.000000000e+00, s15;
	s13 =	simm.s32 @!p1 $0x80000000  }
0x171: {  	[tilespmem:$0x16330] =	vst v1;
	p6 =	seq.s32 s25, $0x1;
	p2 =	seq.s32 s19, $0x1;
	s19 =	sld [smem:$0x7FB]  }
0x172: {  	[tilespmem:$0x163D0] =	vst v0;
	v10 =	vmov s21;
	s21 =	smul.f32 $-2.000000000e+00, s18;
	s24 =	simm.s32 @!p0 $0x80000000;
	s26 =	simm.s32 @!p2 $0xC9742400  }
0x173: {  	[tilespmem:$0x16340] =	vst v1;
	p2 =	seq.f32 s7, s7;
	s26 =	simm.s32 @!p1 $0xC9742400;
	p1 =	por p6, p5  }
0x174: {  	[tilespmem:$0x163E0] =	vst v0;
	v8 =	vmov s20;
	s26 =	simm.s32 @!p0 $0xC9742400;
	p0 =	seq.s32 s19, $0x1;
	s19 =	rddreg [dreg:$0xf]  }
0x175: {  	[tilespmem:$0x16350] =	vst v1;
	v17 =	vmov s8;
	v22 =	vmov s23;
	v15 =	vmov s17;
	s3 =	simm.s32 @!p1 $0x0;
	s28 =	simm.s32 @!p0 $0xC9742400;
	p0 =	seq.f32 s9, s9  }
.Ltmp3:
0x176: {  	[tilespmem:$0x163F0] =	vst v0;
	v19 =	vmov s10;
	v20 =	vmov s11;
	v23 =	vmov s12;
	[smem:$0x8] =	sst s26;
	s28 =	simm.s32 @!p2 $0xC9742400;
	(pc) =	sbr.rel .LBB2_4-.Ltmp3, $4  }
0x177: {  	[tilespmem:$0x16360] =	vst v1;
	v24 =	vmov s14;
	v25 =	vmov s5;
	v29 =	vmov s13;
	s9 =	smul.f32 $-2.000000000e+00, s9;
	s20 =	sld [smem:$0x5];
	s28 =	simm.s32 @!p0 $0xC9742400  }
0x178: {  	[tilespmem:$0x16400] =	vst v0;
	v21 =	vmov s16;
	v26 =	vmov s6;
	v27 =	vmov s15;
	s3 =	smul.f32 $-2.000000000e+00, s3;
	[smem:$0x9] =	sst s28  }
0x179: {  	[tilespmem:$0x16370] =	vst v1;
	v28 =	vmov s24;
	v30 =	vmov s21;
	s4 =	simm.s32 @!p2 $0x80000000;
	v4 =	vmov s19;
	s9 =	simm.s32 @!p0 $0x80000000;
	s21 =	sld [smem:$0x6]  }
0x17a: {  	[tilespmem:$0x16410] =	vst v0;
	s22 =	simm.s32 $0x0;
	v32 =	vmov s4;
	v33 =	vmov s3;
	v31 =	vmov s9;
	s23 =	sld [smem:$0x7]  }
.LBB2_6:
0x17b: {  	s22 =	sadd.s32 $0x40, s22  }
0x17c: {  	p0 =	sne.s32 s22, $0x9C40  }
.Ltmp4:
0x17d: {  	_ = 	snop;
	(pc) =	sbr.rel @!p0 .LBB2_7-.Ltmp4, $2  }
0x17e: {  	_ =	sdelay $0x2  }
0x17f: {  	s2 =	sadd.s32 $0x10, s2  }
.LBB2_4:
0x180: {  	s3 =	sshra.s32 s22, $0x2  }
0x181: {  	v34 =	vld [tilespmem:s3+$0xC350]  }
0x182: {  	v35 =	vld [tilespmem:s3+$0xEA60];
	_ =	sdelay $0x2  }
0x183: {  	v44 =	vld [tilespmem:s3+$0x11170]  }
0x184: {  	v45 =	vld [tilespmem:s3+$0x13880]  }
0x185: {  	v36 =	vmul.f32 v34, v4;
	v37 =	vmul.f32 v35, v5;
	_ =	sdelay $0x1  }
0x186: {  	v36 =	vadd.f32 v37, v36  }
0x187: {  	v54 =	vmul.f32 v34, v7;
	v38 =	vmul.f32 v35, v8  }
0x188: {  	v39 =	vmul.f32 v44, v6;
	v36 =	vadd.f32 v36, v45  }
0x189: {  	v37 =	vadd.f32 v38, v54  }
0x18a: {  	v55 =	vmul.f32 v34, v10;
	v56 =	vmul.f32 v35, v11;
	v41 =	vadd.f32 v36, v39  }
0x18b: {  	v57 =	vmul.f32 v44, v9;
	v37 =	vadd.f32 v37, v45  }
0x18c: {  	v40 =	vmul.f32 v34, v13;
	v36 =	vadd.f32 v56, v55;
	vm0 =	vlt.f32 v41, s29  }
0x18d: {  	v42 =	vmul.f32 v35, v14;
	v39 =	vadd.f32 v37, v57;
	v58 =	vsel vm0, $0x3F800000, v2  }
0x18e: {  	v59 =	vmul.f32 v44, v12;
	v62 =	vmul.f32 v34, v16;
	v36 =	vadd.f32 v36, v45;
	(xrf0) =	vmax.scan.msk.f32 $0xffff, v58  }
0x18f: {  	v63 =	vmul.f32 v35, v17;
	v60 =	vadd.f32 v42, v40;
	vm7 =	vlt.f32 v39, s30  }
0x190: {  	v48 =	vmul.f32 v34, v19;
	v61 =	vsel vm7, $0x3F800000, v2;
	v43 =	vadd.f32 v36, v59  }
0x191: {  	v42 =	vmul.f32 v44, v15;
	v38 =	vadd.f32 v63, v62;
	v36 =	vadd.f32 v60, v45;
	(xrf0) =	vmax.scan.msk.f32 $0xffff, v61  }
0x192: {  	v49 =	vmul.f32 v35, v20;
	v51 =	vmul.f32 v44, v18;
	vm8 =	vlt.f32 v43, s31  }
0x193: {  	v38 =	vadd.f32 v38, v45;
	v42 =	vadd.f32 v36, v42;
	v46 =	vsel vm8, $0x3F800000, v2  }
0x194: {  	v52 =	vmul.f32 v34, v22;
	v50, _, _ =	vpop (xrf0);
	(xrf0) =	vmax.scan.msk.f32 $0xffff, v46  }
0x195: {  	v40 =	vadd.f32 v38, v51;
	v36 =	vadd.f32 v49, v48;
	vm9 =	vlt.f32 v42, s1  }
0x196: {  	v53 =	vmul.f32 v35, v23;
	v47 =	vsel vm9, $0x3F800000, v2;
	(v2sf) =	vpush v50, $0xF  }
0x197: {  	vm10 =	vlt.f32 v40, s0;
	v48 =	vmul.f32 v44, v21;
	v36 =	vadd.f32 v36, v45;
	v54, _, _ =	vpop (xrf0);
	(xrf0) =	vmax.scan.msk.f32 $0xffff, v47  }
0x198: {  	v37 =	vadd.f32 v53, v52;
	v55 =	vsel vm10, $0x3F800000, v2;
	(v2sf) =	vpush v54, $0xF  }
0x199: {  	v58 =	vmul.f32 v34, v25;
	v49 =	vmul.f32 v35, v26;
	v38 =	vadd.f32 v36, v48  }
0x19a: {  	v62 =	vmul.f32 v35, v29;
	v56 =	vmul.f32 v44, v24;
	v37 =	vadd.f32 v37, v45;
	v57, _, _ =	vpop (xrf0);
	(xrf0) =	vmax.scan.msk.f32 $0xffff, v55  }
0x19b: {  	v59 =	vadd.f32 v49, v58;
	vm11 =	vlt.f32 v38, s20;
	(v2sf) =	vpush v57, $0xF  }
0x19c: {  	v37 =	vadd.f32 v37, v56;
	v61 =	vmul.f32 v34, v28;
	v60 =	vsel vm11, $0x3F800000, v2  }
0x19d: {  	v52 =	vmul.f32 v44, v27;
	v34 =	vmul.f32 v34, v31;
	v36 =	vadd.f32 v59, v45;
	v63, _, _ =	vpop (xrf0);
	(xrf0) =	vmax.scan.msk.f32 $0xffff, v60  }
0x19e: {  	vm12 =	vlt.f32 v37, s21;
	v47 =	vadd.f32 v62, v61;
	(v2sf) =	vpush v63, $0xF  }
0x19f: {  	v35 =	vmul.f32 v35, v32;
	v53 =	vsel vm12, $0x3F800000, v2;
	v36 =	vadd.f32 v36, v52  }
0x1a0: {  	v47 =	vadd.f32 v47, v45;
	v55 =	vmul.f32 v44, v30;
	v54, _, _ =	vpop (xrf0);
	(xrf0) =	vmax.scan.msk.f32 $0xffff, v53  }
0x1a1: {  	v34 =	vadd.f32 v35, v34;
	vm13 =	vlt.f32 v36, s23;
	(v2sf) =	vpush v54, $0xF  }
0x1a2: {  	v56 =	vsel vm13, $0x3F800000, v2;
	v35 =	vadd.f32 v47, v55  }
0x1a3: {  	v34 =	vadd.f32 v34, v45;
	v44 =	vmul.f32 v44, v33;
	v57, _, _ =	vpop (xrf0);
	(xrf0) =	vmax.scan.msk.f32 $0xffff, v56  }
0x1a4: {  	vm14 =	vlt.f32 v35, s26;
	(v2sf) =	vpush v57, $0xF  }
0x1a5: {  	v34 =	vadd.f32 v34, v44;
	v58 =	vsel vm14, $0x3F800000, v2;
	s25 =	spop (v2sf)  }
0x1a6: {  	p2 =	sgt.f32 s25, $0.0e+00;
	v59, _, _ =	vpop (xrf0);
	(xrf0) =	vmax.scan.msk.f32 $0xffff, v58  }
0x1a7: {  	vm15 =	vlt.f32 v34, s28;
	s12 =	spop (v2sf);
	(v2sf) =	vpush v59, $0xF  }
0x1a8: {  	v60 =	vsel vm15, $0x3F800000, v2;
	p0 =	sgt.f32 @!p2 s12, $0.0e+00  }
0x1a9: {  	v61, _, _ =	vpop (xrf0);
	(xrf0) =	vmax.scan.msk.f32 $0xffff, v60  }
0x1aa: {  	(v2sf) =	vpush v61, $0xF;
	p0 =	por p2, p0;
	s11 =	spop (v2sf)  }
0x1ab: {  	p1 =	sgt.f32 @!p0 s11, $0.0e+00  }
0x1ac: {  	v62, _, _ =	vpop (xrf0)  }
0x1ad: {  	s10 =	spop (v2sf);
	(v2sf) =	vpush v62, $0xF;
	p0 =	por p0, p1  }
0x1ae: {  	p1 =	sgt.f32 @!p0 s10, $0.0e+00  }
0x1af: {  	v63, _, _ =	vpop (xrf0)  }
0x1b0: {  	(v2sf) =	vpush v63, $0xF;
	s9 =	spop (v2sf);
	p0 =	por p0, p1  }
0x1b1: {  	p1 =	sgt.f32 @!p0 s9, $0.0e+00;
	_ =	sdelay $0x1  }
0x1b2: {  	s8 =	spop (v2sf);
	p0 =	por p0, p1  }
0x1b3: {  	p1 =	sgt.f32 @!p0 s8, $0.0e+00;
	_ =	sdelay $0x1  }
0x1b4: {  	s7 =	spop (v2sf);
	p0 =	por p0, p1  }
0x1b5: {  	p1 =	sgt.f32 @!p0 s7, $0.0e+00;
	_ =	sdelay $0x1  }
0x1b6: {  	s6 =	spop (v2sf);
	p0 =	por p0, p1  }
0x1b7: {  	p1 =	sgt.f32 @!p0 s6, $0.0e+00;
	_ =	sdelay $0x1  }
0x1b8: {  	s5 =	spop (v2sf);
	p0 =	por p0, p1  }
0x1b9: {  	p1 =	sgt.f32 @!p0 s5, $0.0e+00;
	_ =	sdelay $0x1  }
0x1ba: {  	s4 =	spop (v2sf);
	p0 =	por p0, p1  }
0x1bb: {  	p1 =	sgt.f32 @!p0 s4, $0.0e+00;
	_ =	sdelay $0x1  }
0x1bc: {  	p0 =	por p0, p1  }
.Ltmp5:
0x1bd: {  	_ = 	snop;
	(pc) =	sbr.rel @!p0 .LBB2_6-.Ltmp5, $1  }
0x1be: {  	_ =	sdelay $0x3  }
0x1bf: {  	v45 =	vor.u32 s2, v3  }
0x1c0: {  	(xrf1) =	vsort.ascd.msk.f32 @p2 $0xffff, v41, v45;
	_ =	sdelay $0xa  }
0x1c1: {  	v41 =	vlaneseq.u32 @p2  }
0x1c2: {  	v44 =	vld @p2 [tilespmem:$0x162E0];
	v41 =	vmul.u32 @p2 $0xFFFFFFFF, v41  }
0x1c3: {  	v46 =	vld @p2 [tilespmem:$0x16380]  }
0x1c4: {  	v41 =	vadd.s32 @p2 $0xF, v41;
	v47, v48, _ =	vpop @p2 (xrf1)  }
0x1c5: {  	v47 =	vperm.xlane @p2 v47, v41  }
0x1c6: {  	v41 =	vperm.xlane @p2 v48, v41  }
0x1c7: {  	vm0 =	vle.f32 @p2 v44, v47  }
0x1c8: {  	p3 =	sgt.f32 s12, $0.0e+00;
	v44 =	vsel @p2 vm0, v44, v47;
	v41 =	vsel @p2 vm0, v46, v41  }
0x1c9: {  	(xrf1) =	vsort.ascd.msk.f32 @p2 $0xffff, v44, v41  }
0x1ca: {  	(xrf1) =	vsort.ascd.msk.f32 @p3 $0xffff, v39, v45;
	_ =	sdelay $0x8  }
0x1cb: {  	v39 =	vlaneseq.u32 @p3;
	_ =	sdelay $0x2  }
0x1cc: {  	v44 =	vld @p3 [tilespmem:$0x162F0];
	v46 =	vmul.u32 @p3 $0xFFFFFFFF, v39  }
0x1cd: {  	v47 =	vld @p3 [tilespmem:$0x16390];
	v41, v39, _ =	vpop @p2 (xrf1)  }
0x1ce: {  	v46 =	vadd.s32 @p3 $0xF, v46;
	v48, v49, _ =	vpop @p3 (xrf1)  }
0x1cf: {  	v48 =	vperm.xlane @p3 v48, v46  }
0x1d0: {  	v46 =	vperm.xlane @p3 v49, v46  }
0x1d1: {  	vm0 =	vle.f32 @p3 v44, v48  }
0x1d2: {  	p1 =	sgt.f32 s11, $0.0e+00;
	v44 =	vsel @p3 vm0, v44, v48;
	v46 =	vsel @p3 vm0, v47, v46  }
0x1d3: {  	(xrf1) =	vsort.ascd.msk.f32 @p3 $0xffff, v44, v46  }
0x1d4: {  	(xrf1) =	vsort.ascd.msk.f32 @p1 $0xffff, v43, v45;
	_ =	sdelay $0x8  }
0x1d5: {  	v43 =	vlaneseq.u32 @p1;
	_ =	sdelay $0x2  }
0x1d6: {  	v46 =	vld @p1 [tilespmem:$0x16300];
	v47 =	vmul.u32 @p1 $0xFFFFFFFF, v43  }
0x1d7: {  	v48 =	vld @p1 [tilespmem:$0x163A0];
	v44, v43, _ =	vpop @p3 (xrf1)  }
0x1d8: {  	v47 =	vadd.s32 @p1 $0xF, v47;
	v49, v50, _ =	vpop @p1 (xrf1)  }
0x1d9: {  	v49 =	vperm.xlane @p1 v49, v47  }
0x1da: {  	v47 =	vperm.xlane @p1 v50, v47  }
0x1db: {  	vm0 =	vle.f32 @p1 v46, v49  }
0x1dc: {  	p0 =	sgt.f32 s10, $0.0e+00;
	v46 =	vsel @p1 vm0, v46, v49;
	v47 =	vsel @p1 vm0, v48, v47  }
0x1dd: {  	(xrf1) =	vsort.ascd.msk.f32 @p1 $0xffff, v46, v47  }
0x1de: {  	(xrf1) =	vsort.ascd.msk.f32 @p0 $0xffff, v42, v45;
	_ =	sdelay $0x8  }
0x1df: {  	v42 =	vlaneseq.u32 @p0;
	_ =	sdelay $0x2  }
0x1e0: {  	v47 =	vld @p0 [tilespmem:$0x16310];
	v48 =	vmul.u32 @p0 $0xFFFFFFFF, v42  }
0x1e1: {  	v49 =	vld @p0 [tilespmem:$0x163B0];
	v46, v42, _ =	vpop @p1 (xrf1)  }
0x1e2: {  	v48 =	vadd.s32 @p0 $0xF, v48;
	v50, v51, _ =	vpop @p0 (xrf1)  }
0x1e3: {  	s3 =	simm.s32 @!p3 $0x0;
	v50 =	vperm.xlane @p0 v50, v48  }
0x1e4: {  	s3 =	simm.s32 @p3 $0x1;
	v48 =	vperm.xlane @p0 v51, v48  }
0x1e5: {  	[smem:$0x7ED] =	sst s3;
	s3 =	simm.s32 @!p1 $0x0;
	vm0 =	vle.f32 @p0 v47, v50  }
0x1e6: {  	s3 =	simm.s32 @p1 $0x1;
	p1 =	sgt.f32 s9, $0.0e+00;
	v47 =	vsel @p0 vm0, v47, v50;
	v48 =	vsel @p0 vm0, v49, v48  }
0x1e7: {  	(xrf1) =	vsort.ascd.msk.f32 @p0 $0xffff, v47, v48  }
0x1e8: {  	(xrf1) =	vsort.ascd.msk.f32 @p1 $0xffff, v40, v45;
	_ =	sdelay $0x8  }
0x1e9: {  	v40 =	vlaneseq.u32 @p1;
	_ =	sdelay $0x2  }
0x1ea: {  	v47 =	vld @p1 [tilespmem:$0x16320];
	v48 =	vmul.u32 @p1 $0xFFFFFFFF, v40  }
0x1eb: {  	v50 =	vld @p1 [tilespmem:$0x163C0];
	v49, v40, _ =	vpop @p0 (xrf1)  }
0x1ec: {  	v48 =	vadd.s32 @p1 $0xF, v48;
	v51, v52, _ =	vpop @p1 (xrf1)  }
0x1ed: {  	v51 =	vperm.xlane @p1 v51, v48  }
0x1ee: {  	v48 =	vperm.xlane @p1 v52, v48  }
0x1ef: {  	[smem:$0x7EE] =	sst s3;
	s3 =	simm.s32 @!p0 $0x0;
	vm0 =	vle.f32 @p1 v47, v51  }
0x1f0: {  	s3 =	simm.s32 @p0 $0x1;
	p0 =	sgt.f32 s8, $0.0e+00;
	v47 =	vsel @p1 vm0, v47, v51;
	v48 =	vsel @p1 vm0, v50, v48  }
0x1f1: {  	(xrf1) =	vsort.ascd.msk.f32 @p1 $0xffff, v47, v48  }
0x1f2: {  	(xrf1) =	vsort.ascd.msk.f32 @p0 $0xffff, v38, v45;
	_ =	sdelay $0xa  }
0x1f3: {  	v38 =	vlaneseq.u32 @p0  }
0x1f4: {  	v47 =	vld @p0 [tilespmem:$0x16330];
	v38 =	vmul.u32 @p0 $0xFFFFFFFF, v38  }
0x1f5: {  	v51 =	vld @p0 [tilespmem:$0x163D0];
	v48, v50, _ =	vpop @p1 (xrf1)  }
0x1f6: {  	v38 =	vadd.s32 @p0 $0xF, v38;
	v52, v53, _ =	vpop @p0 (xrf1)  }
0x1f7: {  	v52 =	vperm.xlane @p0 v52, v38  }
0x1f8: {  	v38 =	vperm.xlane @p0 v53, v38  }
0x1f9: {  	vm0 =	vle.f32 @p0 v47, v52  }
0x1fa: {  	p6 =	sgt.f32 s7, $0.0e+00;
	v47 =	vsel @p0 vm0, v47, v52;
	v38 =	vsel @p0 vm0, v51, v38  }
0x1fb: {  	(xrf1) =	vsort.ascd.msk.f32 @p0 $0xffff, v47, v38  }
0x1fc: {  	(xrf1) =	vsort.ascd.msk.f32 @p6 $0xffff, v37, v45;
	_ =	sdelay $0xa  }
0x1fd: {  	v37 =	vlaneseq.u32 @p6  }
0x1fe: {  	v38 =	vld @p6 [tilespmem:$0x16340];
	v37 =	vmul.u32 @p6 $0xFFFFFFFF, v37  }
0x1ff: {  	v52 =	vld @p6 [tilespmem:$0x163E0];
	v47, v51, _ =	vpop @p0 (xrf1)  }
0x200: {  	v37 =	vadd.s32 @p6 $0xF, v37;
	v53, v54, _ =	vpop @p6 (xrf1)  }
0x201: {  	[smem:$0x7EF] =	sst s3;
	s3 =	simm.s32 @!p1 $0x0;
	v53 =	vperm.xlane @p6 v53, v37  }
0x202: {  	s3 =	simm.s32 @p1 $0x1;
	v37 =	vperm.xlane @p6 v54, v37  }
0x203: {  	[smem:$0x7F0] =	sst s3;
	s3 =	simm.s32 @!p0 $0x0;
	vm0 =	vle.f32 @p6 v38, v53  }
0x204: {  	s3 =	simm.s32 @p0 $0x1;
	p0 =	sgt.f32 s6, $0.0e+00;
	v38 =	vsel @p6 vm0, v38, v53;
	v37 =	vsel @p6 vm0, v52, v37  }
0x205: {  	(xrf1) =	vsort.ascd.msk.f32 @p6 $0xffff, v38, v37  }
0x206: {  	(xrf1) =	vsort.ascd.msk.f32 @p0 $0xffff, v36, v45;
	_ =	sdelay $0xa  }
0x207: {  	v36 =	vlaneseq.u32 @p0  }
0x208: {  	v37 =	vld @p0 [tilespmem:$0x16350];
	v36 =	vmul.u32 @p0 $0xFFFFFFFF, v36  }
0x209: {  	v53 =	vld @p0 [tilespmem:$0x163F0];
	v38, v52, _ =	vpop @p6 (xrf1)  }
0x20a: {  	v36 =	vadd.s32 @p0 $0xF, v36;
	v54, v55, _ =	vpop @p0 (xrf1)  }
0x20b: {  	v54 =	vperm.xlane @p0 v54, v36  }
0x20c: {  	v36 =	vperm.xlane @p0 v55, v36  }
0x20d: {  	vm0 =	vle.f32 @p0 v37, v54  }
0x20e: {  	p1 =	sgt.f32 s5, $0.0e+00;
	v37 =	vsel @p0 vm0, v37, v54;
	v36 =	vsel @p0 vm0, v53, v36  }
0x20f: {  	(xrf1) =	vsort.ascd.msk.f32 @p0 $0xffff, v37, v36  }
0x210: {  	(xrf1) =	vsort.ascd.msk.f32 @p1 $0xffff, v35, v45;
	_ =	sdelay $0xa  }
0x211: {  	v35 =	vlaneseq.u32 @p1  }
0x212: {  	v36 =	vld @p1 [tilespmem:$0x16360];
	v35 =	vmul.u32 @p1 $0xFFFFFFFF, v35  }
0x213: {  	v54 =	vld @p1 [tilespmem:$0x16400];
	v37, v53, _ =	vpop @p0 (xrf1)  }
0x214: {  	v35 =	vadd.s32 @p1 $0xF, v35;
	v55, v56, _ =	vpop @p1 (xrf1)  }
0x215: {  	v55 =	vperm.xlane @p1 v55, v35  }
0x216: {  	v35 =	vperm.xlane @p1 v56, v35  }
0x217: {  	vm0 =	vle.f32 @p1 v36, v55  }
0x218: {  	p4 =	por p2, p2;
	p2 =	sgt.f32 s4, $0.0e+00;
	v36 =	vsel @p1 vm0, v36, v55;
	v35 =	vsel @p1 vm0, v54, v35  }
0x219: {  	(xrf1) =	vsort.ascd.msk.f32 @p1 $0xffff, v36, v35  }
0x21a: {  	(xrf1) =	vsort.ascd.msk.f32 @p2 $0xffff, v34, v45;
	_ =	sdelay $0xa  }
0x21b: {  	v34 =	vlaneseq.u32 @p2  }
0x21c: {  	v35 =	vld @p2 [tilespmem:$0x16370];
	v34 =	vmul.u32 @p2 $0xFFFFFFFF, v34  }
0x21d: {  	v54 =	vld @p2 [tilespmem:$0x16410];
	v36, v45, _ =	vpop @p1 (xrf1)  }
0x21e: {  	v34 =	vadd.s32 @p2 $0xF, v34;
	v55, v56, _ =	vpop @p2 (xrf1)  }
0x21f: {  	v55 =	vperm.xlane @p2 v55, v34  }
0x220: {  	v34 =	vperm.xlane @p2 v56, v34  }
0x221: {  	vm0 =	vle.f32 @p2 v35, v55  }
0x222: {  	v35 =	vsel @p2 vm0, v35, v55;
	v34 =	vsel @p2 vm0, v54, v34  }
0x223: {  	s8 =	sld [smem:$0x7EE];
	(xrf1) =	vsort.ascd.msk.f32 @p2 $0xffff, v35, v34  }
0x224: {  	s11 =	sld [smem:$0x7ED];
	(xrf0) =	vmax.scan.msk.f32 @p4 $0xffff, v41  }
0x225: {  	(xrf0) =	vmax.scan.msk.f32 @p3 $0xffff, v44;
	s9 =	sld [smem:$0x7EF]  }
0x226: {  	s10 =	sld [smem:$0x7F0];
	p3 =	seq.s32 s8, $0x1  }
0x227: {  	p5 =	por p4, p4;
	[smem:$0x7F1] =	sst s3;
	s3 =	simm.s32 @!p4 $0x0;
	(xrf0) =	vmax.scan.msk.f32 @p3 $0xffff, v46  }
0x228: {  	s3 =	simm.s32 @p4 $0x1;
	p4 =	seq.s32 s9, $0x1;
	s12 =	sld [smem:$0x7F1]  }
0x229: {  	s13 =	sld [smem:$0x7EE];
	(xrf0) =	vmax.scan.msk.f32 @p4 $0xffff, v49;
	p4 =	seq.s32 s10, $0x1  }
0x22a: {  	p3 =	seq.s32 s11, $0x1;
	v34, _, _ =	vpop @p5 (xrf0);
	(xrf0) =	vmax.scan.msk.f32 @p4 $0xffff, v48  }
0x22b: {  	s14 =	sld [smem:$0x7EF];
	(v2sf) =	vpush @p5 v34, $0xF;
	v34, _, _ =	vpop @p3 (xrf0);
	p5 =	seq.s32 s12, $0x1  }
0x22c: {  	(xrf0) =	vmax.scan.msk.f32 @p5 $0xffff, v47;
	(v2sf) =	vpush @p3 v34, $0xF;
	p3 =	seq.s32 s13, $0x1  }
0x22d: {  	v34, _, _ =	vpop @p3 (xrf0)  }
0x22e: {  	s15 =	sld [smem:$0x7F1];
	(xrf0) =	vmax.scan.msk.f32 @p6 $0xffff, v38;
	(v2sf) =	vpush @p3 v34, $0xF;
	p3 =	seq.s32 s14, $0x1  }
0x22f: {  	v34, _, _ =	vpop @p3 (xrf0)  }
0x230: {  	(xrf0) =	vmax.scan.msk.f32 @p0 $0xffff, v37;
	(v2sf) =	vpush @p3 v34, $0xF;
	v34, _, _ =	vpop @p4 (xrf0)  }
0x231: {  	(xrf0) =	vmax.scan.msk.f32 @p1 $0xffff, v36;
	p3 =	seq.s32 s15, $0x1;
	(v2sf) =	vpush @p4 v34, $0xF;
	v34, v35, _ =	vpop @p2 (xrf1)  }
0x232: {  	v54, _, _ =	vpop @p3 (xrf0);
	(xrf0) =	vmax.scan.msk.f32 @p2 $0xffff, v34  }
0x233: {  	[smem:$0x7EC] =	sst s3  }
0x234: {  	s16 =	sld [smem:$0x7EC];
	v55, _, _ =	vpop @p6 (xrf0);
	(v2sf) =	vpush @p3 v54, $0xF  }
0x235: {  	(v2sf) =	vpush @p6 v55, $0xF  }
0x236: {  	[tilespmem:$0x16340] =	vst @p6 v38;
	v54, _, _ =	vpop @p0 (xrf0)  }
0x237: {  	[tilespmem:$0x163E0] =	vst @p6 v52;
	p4 =	seq.s32 s16, $0x1;
	v55, _, _ =	vpop @p1 (xrf0);
	(v2sf) =	vpush @p0 v54, $0xF  }
0x238: {  	[tilespmem:$0x16380] =	vst @p4 v39;
	(v2sf) =	vpush @p1 v55, $0xF;
	v39, _, _ =	vpop @p2 (xrf0)  }
0x239: {  	s18 =	sld [smem:$0x7EE];
	[tilespmem:$0x16350] =	vst @p0 v37;
	(v2sf) =	vpush @p2 v39, $0xF  }
0x23a: {  	s17 =	sld [smem:$0x7ED];
	[tilespmem:$0x163F0] =	vst @p0 v53  }
0x23b: {  	s19 =	sld [smem:$0x7EF];
	[tilespmem:$0x16360] =	vst @p1 v36  }
0x23c: {  	s24 =	sld [smem:$0x7F0];
	[tilespmem:$0x16400] =	vst @p1 v45;
	p5 =	seq.s32 s18, $0x1  }
0x23d: {  	s25 =	sld [smem:$0x7F1];
	[tilespmem:$0x16300] =	vst @p5 v46;
	s3 =	spop @p4 (v2sf)  }
0x23e: {  	[tilespmem:$0x163A0] =	vst @p5 v42;
	p3 =	seq.s32 s17, $0x1;
	[smem:$0x0] =	sst @p4 s3  }
0x23f: {  	[tilespmem:$0x162E0] =	vst @p4 v41;
	s29 =	smov.u32 @p4 s3;
	s3 =	spop @p3 (v2sf);
	p4 =	seq.s32 s19, $0x1  }
0x240: {  	[tilespmem:$0x162F0] =	vst @p3 v44;
	[smem:$0x1] =	sst @p3 s3;
	s30 =	smov.u32 @p3 s3;
	s4 =	spop @p5 (v2sf)  }
0x241: {  	[tilespmem:$0x16390] =	vst @p3 v43;
	p3 =	seq.s32 s24, $0x1;
	[smem:$0x2] =	sst @p5 s4;
	s3 =	spop @p4 (v2sf)  }
0x242: {  	[tilespmem:$0x16370] =	vst @p2 v34;
	s31 =	smov.u32 @p5 s4;
	p5 =	seq.s32 s25, $0x1;
	s4 =	spop @p3 (v2sf)  }
0x243: {  	[tilespmem:$0x16410] =	vst @p2 v35;
	[smem:$0x3] =	sst @p4 s3;
	s1 =	smov.u32 @p4 s3;
	s3 =	spop @p5 (v2sf)  }
0x244: {  	[tilespmem:$0x16310] =	vst @p4 v49;
	[smem:$0x4] =	sst @p3 s4;
	s0 =	smov.u32 @p3 s4;
	s4 =	spop @p6 (v2sf)  }
.Ltmp6:
0x245: {  	[tilespmem:$0x163B0] =	vst @p4 v40;
	[smem:$0x5] =	sst @p5 s3;
	(pc) =	sbr.rel .LBB2_6-.Ltmp6, $4  }
0x246: {  	[tilespmem:$0x16320] =	vst @p3 v48;
	s20 =	smov.u32 @p5 s3;
	[smem:$0x6] =	sst @p6 s4;
	s3 =	spop @p0 (v2sf)  }
0x247: {  	[tilespmem:$0x163C0] =	vst @p3 v50;
	s21 =	smov.u32 @p6 s4;
	s4 =	spop @p1 (v2sf);
	[smem:$0x7] =	sst @p0 s3  }
0x248: {  	[tilespmem:$0x16330] =	vst @p5 v47;
	s23 =	smov.u32 @p0 s3;
	[smem:$0x8] =	sst @p1 s4;
	s3 =	spop @p2 (v2sf)  }
0x249: {  	[tilespmem:$0x163D0] =	vst @p5 v51;
	s26 =	smov.u32 @p1 s4;
	[smem:$0x9] =	sst @p2 s3;
	s28 =	smov.u32 @p2 s3  }
.LBB2_8:
0x24a: {  	_ =	sfence.sel $0x180000  }
0x24b: {  	[bflag:$0x0] =	sbarrier.arrive $0xFFFF  }
0x24c: {  	_ =	strace $0x90000047  }
0x24d: {  	s0 =	stileid.u32;
	[bflag:$0x2] =	sbarrier.arrive $0xFFFF  }
0x24e: {  	p0 =	sne.s32 s0, $0x0;
	s0 =	rddreg [dreg:$0x1]  }
0x24f: {  	s0 =	sadd.s32 @!p0 $0x100000, s0  }
0x250: {  	[sflag:s0] =	ssyncadd.tile.s32 @!p0 $0x1;
	_ =	shalt  }
.Lfunc_end2:
_tile_overlayer_lowered:
.L_overlay_start_2:
0x251: {  	(tag) =	ssettag $0x2  }
0x252: {  	s0 =	rddreg [dreg:$0x0];
	s2 =	stileid.u32  }
0x253: {  	s1 =	rddreg [dreg:$0x1];
	p0 =	sne.s32 s2, $0x0  }
0x254: {  	s3 =	rddreg [dreg:$0x2];
	[bflag:$0x3] =	sbarrier.arrive $0xFFFF;
	s2 =	simm.s32 @!p0 $0x1C01  }
0x255: {  	[timem:s3], [sflag:s2] =	dma.local @!p0 [hbm:s0], s1  }
0x256: {  	s0 =	simm.s32 @!p0 $0x1  }
0x257: {  	_ =	swait.ge @!p0 [sflag:s0], s1  }
0x258: {  	s1 =	ssub.s32 @!p0 $0x0, s1;
	[sflag:s0] =	ssyncset.done @!p0 $0x0  }
0x259: {  	[sflag:s0] =	ssyncadd.s32 @!p0 s1  }
0x25a: {  	[bflag:$0x3] =	sbarrier.arrive $0xFFFF  }
0x25b: {  	_ =	shalt  }

</sc_bundles>
